<compile_context>
chip_gen: v7x
topology: tpu7x:2x2x1
jax: 0.10.2.dev20260603
libtpu: 0.0.44.dev20260713+nightly
codegen_flags: <defaults>
</compile_context>

<pallas_src>
import jax
import jax.numpy as jnp
from jax import lax
from jax.experimental import pallas as pl
from jax.experimental.pallas import tpu as pltpu
from jax.experimental.pallas import tpu_sc as plsc

NC = 2
NS = 16
NW = NC * NS
CHUNK = 64
D = 128


def _sc_scatter_x(n_pad, n_chunks, feats, pidx, zrows):
    rows_pt = n_pad // NS

    def body(x_hbm, pidx_hbm, zrows_hbm, out_hbm,
             acc, pk_all, si0, di0, si1, di1, rows0, rows1, sem0, sem1):
        c = lax.axis_index("c")
        s = lax.axis_index("s")
        wid = c * NS + s
        r0 = s * rows_pt
        pltpu.sync_copy(zrows_hbm, acc.at[pl.ds(r0, rows_pt)])
        pltpu.sync_copy(pidx_hbm.at[wid], pk_all)
        plsc.subcore_barrier()

        def pair(p, carry):
            j = 2 * p
            for k in range(CHUNK // 16):
                sl = slice(16 * k, 16 * (k + 1))
                v0 = pk_all[j, sl]
                si0[sl] = lax.shift_right_logical(v0, 16)
                di0[sl] = lax.bitwise_and(v0, 0xFFFF)
                v1 = pk_all[j + 1, sl]
                si1[sl] = lax.shift_right_logical(v1, 16)
                di1[sl] = lax.bitwise_and(v1, 0xFFFF)
            c0 = pltpu.async_copy(x_hbm.at[si0], rows0, sem0)
            c1 = pltpu.async_copy(x_hbm.at[si1], rows1, sem1)
            c0.wait()
            pltpu.sync_copy(rows0, acc.at[di0], add=True)
            c1.wait()
            pltpu.sync_copy(rows1, acc.at[di1], add=True)
            return carry

        lax.fori_loop(0, n_chunks // 2, pair, 0)
        plsc.subcore_barrier()
        pltpu.sync_copy(acc.at[pl.ds(r0, rows_pt)],
                        out_hbm.at[c, pl.ds(r0, rows_pt)])

    f = pl.kernel(
        body,
        out_type=jax.ShapeDtypeStruct((NC, n_pad, D), jnp.float32),
        mesh=plsc.VectorSubcoreMesh(core_axis_name="c", subcore_axis_name="s"),
        scratch_types=[
            pltpu.VMEM_SHARED((n_pad, D), jnp.float32),
            pltpu.VMEM((n_chunks, CHUNK), jnp.int32),
            pltpu.VMEM((CHUNK,), jnp.int32),
            pltpu.VMEM((CHUNK,), jnp.int32),
            pltpu.VMEM((CHUNK,), jnp.int32),
            pltpu.VMEM((CHUNK,), jnp.int32),
            pltpu.VMEM((CHUNK, D), jnp.float32),
            pltpu.VMEM((CHUNK, D), jnp.float32),
            pltpu.SemaphoreType.DMA,
            pltpu.SemaphoreType.DMA,
        ],
    )
    return f(feats, pidx, zrows)


def _sc_scatter_aux(n_pad, n_chunks, attr4, didx, zrows, tmpl):
    rows_pt = n_pad // NS

    def body(attr_hbm, didx_hbm, zrows_hbm, tmpl_hbm, out_hbm,
             acc, di_all, attr_v, aux_v):
        c = lax.axis_index("c")
        s = lax.axis_index("s")
        wid = c * NS + s
        r0 = s * rows_pt
        pltpu.sync_copy(zrows_hbm, acc.at[pl.ds(r0, rows_pt)])
        pltpu.sync_copy(didx_hbm.at[wid], di_all)
        pltpu.sync_copy(tmpl_hbm, aux_v)
        plsc.subcore_barrier()

        def chunk(j, carry):
            pltpu.sync_copy(attr_hbm.at[wid, j], attr_v)
            for r in range(8):
                for k in range(8):
                    aux_v[r * 8 + k, 0:16] = attr_v[r, k * 16:(k + 1) * 16]
            pltpu.sync_copy(aux_v, acc.at[di_all.at[j]], add=True)
            return carry

        lax.fori_loop(0, n_chunks, chunk, 0)
        plsc.subcore_barrier()
        pltpu.sync_copy(acc.at[pl.ds(r0, rows_pt)],
                        out_hbm.at[c, pl.ds(r0, rows_pt)])

    f = pl.kernel(
        body,
        out_type=jax.ShapeDtypeStruct((NC, n_pad, D), jnp.float32),
        mesh=plsc.VectorSubcoreMesh(core_axis_name="c", subcore_axis_name="s"),
        scratch_types=[
            pltpu.VMEM_SHARED((n_pad, D), jnp.float32),
            pltpu.VMEM((n_chunks, CHUNK), jnp.int32),
            pltpu.VMEM((8, D), jnp.float32),
            pltpu.VMEM((CHUNK, D), jnp.float32),
        ],
    )
    return f(attr4, didx, zrows, tmpl)


def _tc_dense(accx, accaux, xin, We, be, Wl, bl, Wr, act):
    n_pad, d = xin.shape
    br = 1024
    grid = (n_pad // br,)

    def body(ax0, ax1, au0, au1, xr, we, be_r, wl, bl_r, wr, out):
        aux = au0[...] + au1[...]
        attr = aux[:, 0:16]
        deg = aux[:, 16:17]
        aggr = (ax0[...] + ax1[...]
                + jnp.dot(attr, we[...], preferred_element_type=jnp.float32)
                + deg * be_r[...])
        aggr = aggr / jnp.maximum(deg, 1.0)
        val = (jnp.dot(aggr, wl[...], preferred_element_type=jnp.float32)
               + bl_r[...]
               + jnp.dot(xr[...], wr[...], preferred_element_type=jnp.float32))
        out[...] = act(val)

    rd = pl.BlockSpec((br, d), lambda i: (i, 0))

    def full(a):
        return pl.BlockSpec(a.shape, lambda i: (0,) * a.ndim)

    be2 = be.reshape(1, -1)
    bl2 = bl.reshape(1, -1)
    return pl.pallas_call(
        body,
        grid=grid,
        in_specs=[rd, rd, rd, rd, rd,
                  full(We), full(be2), full(Wl), full(bl2), full(Wr)],
        out_specs=rd,
        out_shape=jax.ShapeDtypeStruct((n_pad, d), jnp.float32),
    )(accx[0], accx[1], accaux[0], accaux[1], xin,
      We, be2, Wl, bl2, Wr)


def kernel(x, edge_index1, edge_attr1, edge_index2, edge_attr2,
           We1, be1, Wl1, bl1, Wr1, We2, be2, Wl2, bl2, Wr2):
    n, d = x.shape
    e = edge_index1.shape[1]
    da = edge_attr1.shape[1]
    n_pad = -(-n // 1024) * 1024
    e_pad = -(-e // (2 * NW * CHUNK)) * (2 * NW * CHUNK)
    n_chunks = e_pad // (NW * CHUNK)
    pad = e_pad - e

    def prep_edges(ei, ea):
        src = jnp.pad(ei[0].astype(jnp.int32), (0, pad))
        dst = jnp.pad(ei[1].astype(jnp.int32), (0, pad),
                      constant_values=n)
        pk = ((src << 16) | dst).reshape(NW, n_chunks, CHUNK)
        dst = dst.reshape(NW, n_chunks, CHUNK)
        attr4 = jnp.pad(ea, ((0, pad), (0, 0))).reshape(NW, n_chunks, 8, 128)
        return pk, dst, attr4

    p1, d1, a1 = prep_edges(edge_index1, edge_attr1)
    p2, d2, a2 = prep_edges(edge_index2, edge_attr2)
    x_pad = jnp.pad(x, ((0, n_pad - n), (0, 0)))
    zrows = jnp.zeros((n_pad // NS, D), jnp.float32)
    tmpl = jnp.tile(jnp.concatenate([jnp.zeros((1, da), jnp.float32),
                                     jnp.ones((1, 1), jnp.float32),
                                     jnp.zeros((1, D - da - 1), jnp.float32)],
                                    axis=1), (CHUNK, 1))

    ax = _sc_scatter_x(n_pad, n_chunks, x_pad, p1, zrows)
    au = _sc_scatter_aux(n_pad, n_chunks, a1, d1, zrows, tmpl)
    h = _tc_dense(ax, au, x_pad, We1, be1, Wl1, bl1, Wr1, jax.nn.relu)
    ax2 = _sc_scatter_x(n_pad, n_chunks, h, p2, zrows)
    au2 = _sc_scatter_aux(n_pad, n_chunks, a2, d2, zrows, tmpl)
    out = _tc_dense(ax2, au2, h, We2, be2, Wl2, bl2, Wr2, jax.nn.sigmoid)
    return out[:n]

# --- scband reference (transcript-rebuilt; emitter-appended) ---
"""Pipeline reference for scband-sagenet-16252156248441 (READ-ONLY COPY).

The authoritative reference and input builder live on the scoring server;
editing this copy changes nothing except your own understanding.
"""

import jax, jax.numpy as jnp
import numpy as np

N = 10000
E = 320000
D_IN = 128
D_EDGE = 16
D_HID = 128
D_OUT = 128


def setup_inputs(seed: int = 0) -> dict:
    key = jax.random.key(seed)
    ks = jax.random.split(key, 16)
    x = jax.random.normal(ks[0], (N, D_IN), dtype=jnp.float32)
    edge_index1 = jax.random.randint(ks[1], (2, E), 0, N, dtype=jnp.int64)
    edge_attr1 = jax.random.normal(ks[2], (E, D_EDGE), dtype=jnp.float32)
    edge_index2 = jax.random.randint(ks[3], (2, E), 0, N, dtype=jnp.int64)
    edge_attr2 = jax.random.normal(ks[4], (E, D_EDGE), dtype=jnp.float32)
    # layer 1 params (EdgeSAGEConv: edge_lin, lin_l (neighbor aggr, with bias), lin_r (root, no bias))
    We1 = jax.random.normal(ks[5], (D_EDGE, D_HID if False else D_IN), dtype=jnp.float32) * 0.05
    # edge_lin maps edge_dim -> out_channels, but message adds to x_j (in_channels); here in==out==128 so consistent
    We1 = jax.random.normal(ks[5], (D_EDGE, D_IN), dtype=jnp.float32) * 0.05
    be1 = jnp.zeros((D_IN,), dtype=jnp.float32)
    Wl1 = jax.random.normal(ks[6], (D_IN, D_HID), dtype=jnp.float32) * 0.05
    bl1 = jnp.zeros((D_HID,), dtype=jnp.float32)
    Wr1 = jax.random.normal(ks[7], (D_IN, D_HID), dtype=jnp.float32) * 0.05
    # layer 2 params
    We2 = jax.random.normal(ks[8], (D_EDGE, D_HID), dtype=jnp.float32) * 0.05
    be2 = jnp.zeros((D_HID,), dtype=jnp.float32)
    Wl2 = jax.random.normal(ks[9], (D_HID, D_OUT), dtype=jnp.float32) * 0.05
    bl2 = jnp.zeros((D_OUT,), dtype=jnp.float32)
    Wr2 = jax.random.normal(ks[10], (D_HID, D_OUT), dtype=jnp.float32) * 0.05
    return {
        'x': x,
        'edge_index1': edge_index1, 'edge_attr1': edge_attr1,
        'edge_index2': edge_index2, 'edge_attr2': edge_attr2,
        'We1': We1, 'be1': be1, 'Wl1': Wl1, 'bl1': bl1, 'Wr1': Wr1,
        'We2': We2, 'be2': be2, 'Wl2': Wl2, 'bl2': bl2, 'Wr2': Wr2,
    }


def _sage_layer(x, edge_index, edge_attr, We, be, Wl, bl, Wr):
    src = edge_index[0]
    dst = edge_index[1]
    n = x.shape[0]
    # message: x_j + edge_lin(edge_attr)  (edge_weight treated as 1.0)
    msg = x[src] + edge_attr @ We + be
    # mean aggregation over incoming edges (SAGEConv default aggr='mean')
    aggr = jax.ops.segment_sum(msg, dst, num_segments=n)
    deg = jax.ops.segment_sum(jnp.ones((edge_index.shape[1],), x.dtype), dst, num_segments=n)
    aggr = aggr / jnp.clip(deg, 1.0, None)[:, None]
    # SAGEConv: lin_l(aggr) + lin_r(x_root)
    return aggr @ Wl + bl + x @ Wr


def reference(x, edge_index1, edge_attr1, edge_index2, edge_attr2,
              We1, be1, Wl1, bl1, Wr1, We2, be2, Wl2, bl2, Wr2):
    h = _sage_layer(x, edge_index1, edge_attr1, We1, be1, Wl1, bl1, Wr1)
    h = jax.nn.relu(h)
    # dropout p=0.5 is identity in eval mode
    h = _sage_layer(h, edge_index2, edge_attr2, We2, be2, Wl2, bl2, Wr2)
    return jax.nn.sigmoid(h)

if __name__ == "__main__":
    import jax
    _d = setup_inputs()
    print(jax.jit(kernel)(*tuple(_d.values())))

</pallas_src>

<mosaic_0001>
#map = affine_map<(d0, d1) -> (0, 0)>
#map1 = affine_map<(d0, d1) -> (0, 0, 0)>
module attributes {stable_mosaic.version = 14 : i64} {
  func.func @body(%arg0: i32, %arg1: i32, %arg2: memref<10240x128xf32, #tpu.memory_space<hbm>>, %arg3: memref<32x158x64xi32, #tpu.memory_space<hbm>>, %arg4: memref<640x128xf32, #tpu.memory_space<hbm>>, %arg5: memref<2x10240x128xf32, #tpu.memory_space<hbm>>, %arg6: memref<10240x128xf32, #tpu.memory_space<vmem_shared>>, %arg7: memref<158x64xi32, #tpu.memory_space<vmem>>, %arg8: memref<64xi32, #tpu.memory_space<vmem>>, %arg9: memref<64xi32, #tpu.memory_space<vmem>>, %arg10: memref<64xi32, #tpu.memory_space<vmem>>, %arg11: memref<64xi32, #tpu.memory_space<vmem>>, %arg12: memref<64x128xf32, #tpu.memory_space<vmem>>, %arg13: memref<64x128xf32, #tpu.memory_space<vmem>>, %arg14: memref<!tpu.dma_semaphore, #tpu.memory_space<semaphore_mem>>, %arg15: memref<!tpu.dma_semaphore, #tpu.memory_space<semaphore_mem>>) attributes {dimension_semantics = [#tpu.dimension_semantics<core_parallel>, #tpu.dimension_semantics<subcore_parallel>], iteration_bounds = array<i64: 2, 16>, scalar_prefetch = 0 : i64, scratch_operands = 10 : i64, tpu.core_type = #tpu.core_type<sc_vector_subcore>, window_params = [{transform_indices = #map}, {transform_indices = #map1}, {transform_indices = #map}, {transform_indices = #map1}]} {
    %mul3A = arith.constant 16 : i32
    %mul3A_0 = arith.muli %arg0, %mul3A : i32
    %add3A = arith.addi %mul3A_0, %arg1 : i32
    %mul3A_1 = arith.constant 640 : i32
    %mul3A_2 = arith.muli %arg1, %mul3A_1 : i32
    "tpu.region"() ({
      %run_scoped3A = tpu.sem_alloc : memref<!tpu.dma_semaphore, #tpu.memory_space<semaphore_mem>>
      %dma_start3A = arith.constant 0 : i32
      %dma_start3A_9 = tpu.memref_slice %arg6[%mul3A_2, %dma_start3A] : memref<10240x128xf32, #tpu.memory_space<vmem_shared>> -> memref<640x128xf32, #tpu.memory_space<vmem_shared>>
      tpu.enqueue_dma source(%arg4 : memref<640x128xf32, #tpu.memory_space<hbm>>) target(%dma_start3A_9 : memref<640x128xf32, #tpu.memory_space<vmem_shared>>) target_semaphore(%run_scoped3A : memref<!tpu.dma_semaphore, #tpu.memory_space<semaphore_mem>>)
      %dma_wait3A = arith.constant 0 : i32
      %dma_wait3A_10 = tpu.memref_slice %arg6[%mul3A_2, %dma_wait3A] : memref<10240x128xf32, #tpu.memory_space<vmem_shared>> -> memref<640x128xf32, #tpu.memory_space<vmem_shared>>
      tpu.wait_dma2 semaphore(%run_scoped3A : memref<!tpu.dma_semaphore, #tpu.memory_space<semaphore_mem>>) src(%arg4 : memref<640x128xf32, #tpu.memory_space<hbm>>) dst(%dma_wait3A_10 : memref<640x128xf32, #tpu.memory_space<vmem_shared>>)
      tpu.yield
    }) : () -> ()
    "tpu.region"() ({
      %run_scoped3A = tpu.sem_alloc : memref<!tpu.dma_semaphore, #tpu.memory_space<semaphore_mem>>
      %dma_start3A = arith.constant 0 : i32
      %dma_start3A_9 = arith.constant 0 : i32
      %dma_start3A_10 = tpu.memref_slice %arg3[%add3A, %dma_start3A, %dma_start3A_9] : memref<32x158x64xi32, #tpu.memory_space<hbm>> -> memref<1x158x64xi32, #tpu.memory_space<hbm>>
      %dma_start3A_11 = tpu.memref_squeeze %dma_start3A_10 : memref<1x158x64xi32, #tpu.memory_space<hbm>> -> memref<158x64xi32, #tpu.memory_space<hbm>>
      %dma_start3A_12 = arith.constant 0 : i32
      %dma_start3A_13 = arith.constant 0 : i32
      %dma_start3A_14 = tpu.memref_slice %arg3[%add3A, %dma_start3A_12, %dma_start3A_13] : memref<32x158x64xi32, #tpu.memory_space<hbm>> -> memref<1x158x64xi32, #tpu.memory_space<hbm>>
      %dma_start3A_15 = tpu.memref_squeeze %dma_start3A_14 : memref<1x158x64xi32, #tpu.memory_space<hbm>> -> memref<158x64xi32, #tpu.memory_space<hbm>>
      tpu.enqueue_dma source(%dma_start3A_15 : memref<158x64xi32, #tpu.memory_space<hbm>>) target(%arg7 : memref<158x64xi32, #tpu.memory_space<vmem>>) target_semaphore(%run_scoped3A : memref<!tpu.dma_semaphore, #tpu.memory_space<semaphore_mem>>)
      %dma_wait3A = arith.constant 0 : i32
      %dma_wait3A_16 = arith.constant 0 : i32
      %dma_wait3A_17 = tpu.memref_slice %arg3[%add3A, %dma_wait3A, %dma_wait3A_16] : memref<32x158x64xi32, #tpu.memory_space<hbm>> -> memref<1x158x64xi32, #tpu.memory_space<hbm>>
      %dma_wait3A_18 = tpu.memref_squeeze %dma_wait3A_17 : memref<1x158x64xi32, #tpu.memory_space<hbm>> -> memref<158x64xi32, #tpu.memory_space<hbm>>
      %dma_wait3A_19 = arith.constant 0 : i32
      %dma_wait3A_20 = arith.constant 0 : i32
      %dma_wait3A_21 = tpu.memref_slice %arg3[%add3A, %dma_wait3A_19, %dma_wait3A_20] : memref<32x158x64xi32, #tpu.memory_space<hbm>> -> memref<1x158x64xi32, #tpu.memory_space<hbm>>
      %dma_wait3A_22 = tpu.memref_squeeze %dma_wait3A_21 : memref<1x158x64xi32, #tpu.memory_space<hbm>> -> memref<158x64xi32, #tpu.memory_space<hbm>>
      tpu.wait_dma2 semaphore(%run_scoped3A : memref<!tpu.dma_semaphore, #tpu.memory_space<semaphore_mem>>) src(%dma_wait3A_22 : memref<158x64xi32, #tpu.memory_space<hbm>>) dst(%arg7 : memref<158x64xi32, #tpu.memory_space<vmem>>)
      tpu.yield
    }) : () -> ()
    %barrier3A = arith.constant 0 : index
    tpu.barrier barrier_id(%barrier3A)
    %scan3A = arith.constant 0 : i32
    %scan3A_3 = arith.constant 0 : i32
    %scan3A_4 = arith.constant 79 : i32
    %scan3A_5 = arith.addi %scan3A_3, %scan3A_4 : i32
    %scan3A_6 = arith.constant 1 : i32
    scf.for %scan3A_9 = %scan3A_3 to %scan3A_5 step %scan3A_6  : i32 {
      %mul3A_10 = arith.constant 2 : i32
      %mul3A_11 = arith.muli %mul3A_10, %scan3A_9 : i32
      %get3A = arith.index_cast %mul3A_11 : i32 to index
      %get3A_12 = arith.constant 0 : index
      %get3A_13 = tpu.vector_load %arg7[%get3A, %get3A_12] {strides = array<i32>} : memref<158x64xi32, #tpu.memory_space<vmem>>, vector<1x16xi32>,
      %get3A_14 = vector.shape_cast %get3A_13 : vector<1x16xi32> to vector<16xi32>
      %shift_right_logical3A = arith.constant 16 : i32
      %shift_right_logical3A_15 = vector.broadcast %shift_right_logical3A : i32 to vector<16xi32>
      %shift_right_logical3A_16 = arith.shrui %get3A_14, %shift_right_logical3A_15 : vector<16xi32>
      %swap3A = arith.constant 0 : index
      %swap3A_17 = tpu.vector_load %arg8[%swap3A] {strides = array<i32>} : memref<64xi32, #tpu.memory_space<vmem>>, vector<16xi32>,
      %swap3A_18 = vector.shape_cast %swap3A_17 : vector<16xi32> to vector<16xi32>
      %swap3A_19 = vector.shape_cast %shift_right_logical3A_16 : vector<16xi32> to vector<16xi32>
      tpu.vector_store %arg8[%swap3A], %swap3A_19 {strides = array<i32>} : memref<64xi32, #tpu.memory_space<vmem>>, vector<16xi32>,
      %and3A = arith.constant 65535 : i32
      %and3A_20 = vector.broadcast %and3A : i32 to vector<16xi32>
      %and3A_21 = arith.andi %get3A_14, %and3A_20 : vector<16xi32>
      %swap3A_22 = arith.constant 0 : index
      %swap3A_23 = tpu.vector_load %arg9[%swap3A_22] {strides = array<i32>} : memref<64xi32, #tpu.memory_space<vmem>>, vector<16xi32>,
      %swap3A_24 = vector.shape_cast %swap3A_23 : vector<16xi32> to vector<16xi32>
      %swap3A_25 = vector.shape_cast %and3A_21 : vector<16xi32> to vector<16xi32>
      tpu.vector_store %arg9[%swap3A_22], %swap3A_25 {strides = array<i32>} : memref<64xi32, #tpu.memory_space<vmem>>, vector<16xi32>,
      %add3A_26 = arith.constant 1 : i32
      %add3A_27 = arith.addi %mul3A_11, %add3A_26 : i32
      %get3A_28 = arith.index_cast %add3A_27 : i32 to index
      %get3A_29 = arith.constant 0 : index
      %get3A_30 = tpu.vector_load %arg7[%get3A_28, %get3A_29] {strides = array<i32>} : memref<158x64xi32, #tpu.memory_space<vmem>>, vector<1x16xi32>,
      %get3A_31 = vector.shape_cast %get3A_30 : vector<1x16xi32> to vector<16xi32>
      %shift_right_logical3A_32 = arith.constant 16 : i32
      %shift_right_logical3A_33 = vector.broadcast %shift_right_logical3A_32 : i32 to vector<16xi32>
      %shift_right_logical3A_34 = arith.shrui %get3A_31, %shift_right_logical3A_33 : vector<16xi32>
      %swap3A_35 = arith.constant 0 : index
      %swap3A_36 = tpu.vector_load %arg10[%swap3A_35] {strides = array<i32>} : memref<64xi32, #tpu.memory_space<vmem>>, vector<16xi32>,
      %swap3A_37 = vector.shape_cast %swap3A_36 : vector<16xi32> to vector<16xi32>
      %swap3A_38 = vector.shape_cast %shift_right_logical3A_34 : vector<16xi32> to vector<16xi32>
      tpu.vector_store %arg10[%swap3A_35], %swap3A_38 {strides = array<i32>} : memref<64xi32, #tpu.memory_space<vmem>>, vector<16xi32>,
      %and3A_39 = arith.constant 65535 : i32
      %and3A_40 = vector.broadcast %and3A_39 : i32 to vector<16xi32>
      %and3A_41 = arith.andi %get3A_31, %and3A_40 : vector<16xi32>
      %swap3A_42 = arith.constant 0 : index
      %swap3A_43 = tpu.vector_load %arg11[%swap3A_42] {strides = array<i32>} : memref<64xi32, #tpu.memory_space<vmem>>, vector<16xi32>,
      %swap3A_44 = vector.shape_cast %swap3A_43 : vector<16xi32> to vector<16xi32>
      %swap3A_45 = vector.shape_cast %and3A_41 : vector<16xi32> to vector<16xi32>
      tpu.vector_store %arg11[%swap3A_42], %swap3A_45 {strides = array<i32>} : memref<64xi32, #tpu.memory_space<vmem>>, vector<16xi32>,
      %get3A_46 = arith.index_cast %mul3A_11 : i32 to index
      %get3A_47 = arith.constant 16 : index
      %get3A_48 = tpu.vector_load %arg7[%get3A_46, %get3A_47] {strides = array<i32>} : memref<158x64xi32, #tpu.memory_space<vmem>>, vector<1x16xi32>,
      %get3A_49 = vector.shape_cast %get3A_48 : vector<1x16xi32> to vector<16xi32>
      %shift_right_logical3A_50 = arith.constant 16 : i32
      %shift_right_logical3A_51 = vector.broadcast %shift_right_logical3A_50 : i32 to vector<16xi32>
      %shift_right_logical3A_52 = arith.shrui %get3A_49, %shift_right_logical3A_51 : vector<16xi32>
      %swap3A_53 = arith.constant 16 : index
      %swap3A_54 = tpu.vector_load %arg8[%swap3A_53] {strides = array<i32>} : memref<64xi32, #tpu.memory_space<vmem>>, vector<16xi32>,
      %swap3A_55 = vector.shape_cast %swap3A_54 : vector<16xi32> to vector<16xi32>
      %swap3A_56 = vector.shape_cast %shift_right_logical3A_52 : vector<16xi32> to vector<16xi32>
      tpu.vector_store %arg8[%swap3A_53], %swap3A_56 {strides = array<i32>} : memref<64xi32, #tpu.memory_space<vmem>>, vector<16xi32>,
      %and3A_57 = arith.constant 65535 : i32
      %and3A_58 = vector.broadcast %and3A_57 : i32 to vector<16xi32>
      %and3A_59 = arith.andi %get3A_49, %and3A_58 : vector<16xi32>
      %swap3A_60 = arith.constant 16 : index
      %swap3A_61 = tpu.vector_load %arg9[%swap3A_60] {strides = array<i32>} : memref<64xi32, #tpu.memory_space<vmem>>, vector<16xi32>,
      %swap3A_62 = vector.shape_cast %swap3A_61 : vector<16xi32> to vector<16xi32>
      %swap3A_63 = vector.shape_cast %and3A_59 : vector<16xi32> to vector<16xi32>
      tpu.vector_store %arg9[%swap3A_60], %swap3A_63 {strides = array<i32>} : memref<64xi32, #tpu.memory_space<vmem>>, vector<16xi32>,
      %add3A_64 = arith.constant 1 : i32
      %add3A_65 = arith.addi %mul3A_11, %add3A_64 : i32
      %get3A_66 = arith.index_cast %add3A_65 : i32 to index
      %get3A_67 = arith.constant 16 : index
      %get3A_68 = tpu.vector_load %arg7[%get3A_66, %get3A_67] {strides = array<i32>} : memref<158x64xi32, #tpu.memory_space<vmem>>, vector<1x16xi32>,
      %get3A_69 = vector.shape_cast %get3A_68 : vector<1x16xi32> to vector<16xi32>
      %shift_right_logical3A_70 = arith.constant 16 : i32
      %shift_right_logical3A_71 = vector.broadcast %shift_right_logical3A_70 : i32 to vector<16xi32>
      %shift_right_logical3A_72 = arith.shrui %get3A_69, %shift_right_logical3A_71 : vector<16xi32>
      %swap3A_73 = arith.constant 16 : index
      %swap3A_74 = tpu.vector_load %arg10[%swap3A_73] {strides = array<i32>} : memref<64xi32, #tpu.memory_space<vmem>>, vector<16xi32>,
      %swap3A_75 = vector.shape_cast %swap3A_74 : vector<16xi32> to vector<16xi32>
      %swap3A_76 = vector.shape_cast %shift_right_logical3A_72 : vector<16xi32> to vector<16xi32>
      tpu.vector_store %arg10[%swap3A_73], %swap3A_76 {strides = array<i32>} : memref<64xi32, #tpu.memory_space<vmem>>, vector<16xi32>,
      %and3A_77 = arith.constant 65535 : i32
      %and3A_78 = vector.broadcast %and3A_77 : i32 to vector<16xi32>
      %and3A_79 = arith.andi %get3A_69, %and3A_78 : vector<16xi32>
      %swap3A_80 = arith.constant 16 : index
      %swap3A_81 = tpu.vector_load %arg11[%swap3A_80] {strides = array<i32>} : memref<64xi32, #tpu.memory_space<vmem>>, vector<16xi32>,
      %swap3A_82 = vector.shape_cast %swap3A_81 : vector<16xi32> to vector<16xi32>
      %swap3A_83 = vector.shape_cast %and3A_79 : vector<16xi32> to vector<16xi32>
      tpu.vector_store %arg11[%swap3A_80], %swap3A_83 {strides = array<i32>} : memref<64xi32, #tpu.memory_space<vmem>>, vector<16xi32>,
      %get3A_84 = arith.index_cast %mul3A_11 : i32 to index
      %get3A_85 = arith.constant 32 : index
      %get3A_86 = tpu.vector_load %arg7[%get3A_84, %get3A_85] {strides = array<i32>} : memref<158x64xi32, #tpu.memory_space<vmem>>, vector<1x16xi32>,
      %get3A_87 = vector.shape_cast %get3A_86 : vector<1x16xi32> to vector<16xi32>
      %shift_right_logical3A_88 = arith.constant 16 : i32
      %shift_right_logical3A_89 = vector.broadcast %shift_right_logical3A_88 : i32 to vector<16xi32>
      %shift_right_logical3A_90 = arith.shrui %get3A_87, %shift_right_logical3A_89 : vector<16xi32>
      %swap3A_91 = arith.constant 32 : index
      %swap3A_92 = tpu.vector_load %arg8[%swap3A_91] {strides = array<i32>} : memref<64xi32, #tpu.memory_space<vmem>>, vector<16xi32>,
      %swap3A_93 = vector.shape_cast %swap3A_92 : vector<16xi32> to vector<16xi32>
      %swap3A_94 = vector.shape_cast %shift_right_logical3A_90 : vector<16xi32> to vector<16xi32>
      tpu.vector_store %arg8[%swap3A_91], %swap3A_94 {strides = array<i32>} : memref<64xi32, #tpu.memory_space<vmem>>, vector<16xi32>,
      %and3A_95 = arith.constant 65535 : i32
      %and3A_96 = vector.broadcast %and3A_95 : i32 to vector<16xi32>
      %and3A_97 = arith.andi %get3A_87, %and3A_96 : vector<16xi32>
      %swap3A_98 = arith.constant 32 : index
      %swap3A_99 = tpu.vector_load %arg9[%swap3A_98] {strides = array<i32>} : memref<64xi32, #tpu.memory_space<vmem>>, vector<16xi32>,
      %swap3A_100 = vector.shape_cast %swap3A_99 : vector<16xi32> to vector<16xi32>
      %swap3A_101 = vector.shape_cast %and3A_97 : vector<16xi32> to vector<16xi32>
      tpu.vector_store %arg9[%swap3A_98], %swap3A_101 {strides = array<i32>} : memref<64xi32, #tpu.memory_space<vmem>>, vector<16xi32>,
      %add3A_102 = arith.constant 1 : i32
      %add3A_103 = arith.addi %mul3A_11, %add3A_102 : i32
      %get3A_104 = arith.index_cast %add3A_103 : i32 to index
      %get3A_105 = arith.constant 32 : index
      %get3A_106 = tpu.vector_load %arg7[%get3A_104, %get3A_105] {strides = array<i32>} : memref<158x64xi32, #tpu.memory_space<vmem>>, vector<1x16xi32>,
      %get3A_107 = vector.shape_cast %get3A_106 : vector<1x16xi32> to vector<16xi32>
      %shift_right_logical3A_108 = arith.constant 16 : i32
      %shift_right_logical3A_109 = vector.broadcast %shift_right_logical3A_108 : i32 to vector<16xi32>
      %shift_right_logical3A_110 = arith.shrui %get3A_107, %shift_right_logical3A_109 : vector<16xi32>
      %swap3A_111 = arith.constant 32 : index
      %swap3A_112 = tpu.vector_load %arg10[%swap3A_111] {strides = array<i32>} : memref<64xi32, #tpu.memory_space<vmem>>, vector<16xi32>,
      %swap3A_113 = vector.shape_cast %swap3A_112 : vector<16xi32> to vector<16xi32>
      %swap3A_114 = vector.shape_cast %shift_right_logical3A_110 : vector<16xi32> to vector<16xi32>
      tpu.vector_store %arg10[%swap3A_111], %swap3A_114 {strides = array<i32>} : memref<64xi32, #tpu.memory_space<vmem>>, vector<16xi32>,
      %and3A_115 = arith.constant 65535 : i32
      %and3A_116 = vector.broadcast %and3A_115 : i32 to vector<16xi32>
      %and3A_117 = arith.andi %get3A_107, %and3A_116 : vector<16xi32>
      %swap3A_118 = arith.constant 32 : index
      %swap3A_119 = tpu.vector_load %arg11[%swap3A_118] {strides = array<i32>} : memref<64xi32, #tpu.memory_space<vmem>>, vector<16xi32>,
      %swap3A_120 = vector.shape_cast %swap3A_119 : vector<16xi32> to vector<16xi32>
      %swap3A_121 = vector.shape_cast %and3A_117 : vector<16xi32> to vector<16xi32>
      tpu.vector_store %arg11[%swap3A_118], %swap3A_121 {strides = array<i32>} : memref<64xi32, #tpu.memory_space<vmem>>, vector<16xi32>,
      %get3A_122 = arith.index_cast %mul3A_11 : i32 to index
      %get3A_123 = arith.constant 48 : index
      %get3A_124 = tpu.vector_load %arg7[%get3A_122, %get3A_123] {strides = array<i32>} : memref<158x64xi32, #tpu.memory_space<vmem>>, vector<1x16xi32>,
      %get3A_125 = vector.shape_cast %get3A_124 : vector<1x16xi32> to vector<16xi32>
      %shift_right_logical3A_126 = arith.constant 16 : i32
      %shift_right_logical3A_127 = vector.broadcast %shift_right_logical3A_126 : i32 to vector<16xi32>
      %shift_right_logical3A_128 = arith.shrui %get3A_125, %shift_right_logical3A_127 : vector<16xi32>
      %swap3A_129 = arith.constant 48 : index
      %swap3A_130 = tpu.vector_load %arg8[%swap3A_129] {strides = array<i32>} : memref<64xi32, #tpu.memory_space<vmem>>, vector<16xi32>,
      %swap3A_131 = vector.shape_cast %swap3A_130 : vector<16xi32> to vector<16xi32>
      %swap3A_132 = vector.shape_cast %shift_right_logical3A_128 : vector<16xi32> to vector<16xi32>
      tpu.vector_store %arg8[%swap3A_129], %swap3A_132 {strides = array<i32>} : memref<64xi32, #tpu.memory_space<vmem>>, vector<16xi32>,
      %and3A_133 = arith.constant 65535 : i32
      %and3A_134 = vector.broadcast %and3A_133 : i32 to vector<16xi32>
      %and3A_135 = arith.andi %get3A_125, %and3A_134 : vector<16xi32>
      %swap3A_136 = arith.constant 48 : index
      %swap3A_137 = tpu.vector_load %arg9[%swap3A_136] {strides = array<i32>} : memref<64xi32, #tpu.memory_space<vmem>>, vector<16xi32>,
      %swap3A_138 = vector.shape_cast %swap3A_137 : vector<16xi32> to vector<16xi32>
      %swap3A_139 = vector.shape_cast %and3A_135 : vector<16xi32> to vector<16xi32>
      tpu.vector_store %arg9[%swap3A_136], %swap3A_139 {strides = array<i32>} : memref<64xi32, #tpu.memory_space<vmem>>, vector<16xi32>,
      %add3A_140 = arith.constant 1 : i32
      %add3A_141 = arith.addi %mul3A_11, %add3A_140 : i32
      %get3A_142 = arith.index_cast %add3A_141 : i32 to index
      %get3A_143 = arith.constant 48 : index
      %get3A_144 = tpu.vector_load %arg7[%get3A_142, %get3A_143] {strides = array<i32>} : memref<158x64xi32, #tpu.memory_space<vmem>>, vector<1x16xi32>,
      %get3A_145 = vector.shape_cast %get3A_144 : vector<1x16xi32> to vector<16xi32>
      %shift_right_logical3A_146 = arith.constant 16 : i32
      %shift_right_logical3A_147 = vector.broadcast %shift_right_logical3A_146 : i32 to vector<16xi32>
      %shift_right_logical3A_148 = arith.shrui %get3A_145, %shift_right_logical3A_147 : vector<16xi32>
      %swap3A_149 = arith.constant 48 : index
      %swap3A_150 = tpu.vector_load %arg10[%swap3A_149] {strides = array<i32>} : memref<64xi32, #tpu.memory_space<vmem>>, vector<16xi32>,
      %swap3A_151 = vector.shape_cast %swap3A_150 : vector<16xi32> to vector<16xi32>
      %swap3A_152 = vector.shape_cast %shift_right_logical3A_148 : vector<16xi32> to vector<16xi32>
      tpu.vector_store %arg10[%swap3A_149], %swap3A_152 {strides = array<i32>} : memref<64xi32, #tpu.memory_space<vmem>>, vector<16xi32>,
      %and3A_153 = arith.constant 65535 : i32
      %and3A_154 = vector.broadcast %and3A_153 : i32 to vector<16xi32>
      %and3A_155 = arith.andi %get3A_145, %and3A_154 : vector<16xi32>
      %swap3A_156 = arith.constant 48 : index
      %swap3A_157 = tpu.vector_load %arg11[%swap3A_156] {strides = array<i32>} : memref<64xi32, #tpu.memory_space<vmem>>, vector<16xi32>,
      %swap3A_158 = vector.shape_cast %swap3A_157 : vector<16xi32> to vector<16xi32>
      %swap3A_159 = vector.shape_cast %and3A_155 : vector<16xi32> to vector<16xi32>
      tpu.vector_store %arg11[%swap3A_156], %swap3A_159 {strides = array<i32>} : memref<64xi32, #tpu.memory_space<vmem>>, vector<16xi32>,
      %dma_start3A = arith.constant 0 : i32
      %dma_start3A_160 = arith.constant 0 : i32
      %dma_start3A_161 = tpu.memref_slice %arg2[%dma_start3A, %dma_start3A_160] : memref<10240x128xf32, #tpu.memory_space<hbm>> -> memref<10240x128xf32, #tpu.memory_space<hbm>>
      tpu.enqueue_indirect_dma source(%dma_start3A_161 : memref<10240x128xf32, #tpu.memory_space<hbm>>) target(%arg12 : memref<64x128xf32, #tpu.memory_space<vmem>>) offsets(%arg8 : memref<64xi32, #tpu.memory_space<vmem>>) semaphore(%arg14 : memref<!tpu.dma_semaphore, #tpu.memory_space<semaphore_mem>>)
      %dma_start3A_162 = arith.constant 0 : i32
      %dma_start3A_163 = arith.constant 0 : i32
      %dma_start3A_164 = tpu.memref_slice %arg2[%dma_start3A_162, %dma_start3A_163] : memref<10240x128xf32, #tpu.memory_space<hbm>> -> memref<10240x128xf32, #tpu.memory_space<hbm>>
      tpu.enqueue_indirect_dma source(%dma_start3A_164 : memref<10240x128xf32, #tpu.memory_space<hbm>>) target(%arg13 : memref<64x128xf32, #tpu.memory_space<vmem>>) offsets(%arg10 : memref<64xi32, #tpu.memory_space<vmem>>) semaphore(%arg15 : memref<!tpu.dma_semaphore, #tpu.memory_space<semaphore_mem>>)
      %dma_wait3A = arith.constant 0 : i32
      %dma_wait3A_165 = arith.constant 0 : i32
      %dma_wait3A_166 = tpu.memref_slice %arg2[%dma_wait3A, %dma_wait3A_165] : memref<10240x128xf32, #tpu.memory_space<hbm>> -> memref<10240x128xf32, #tpu.memory_space<hbm>>
      tpu.wait_indirect_dma semaphore(%arg14 : memref<!tpu.dma_semaphore, #tpu.memory_space<semaphore_mem>>) src(%dma_wait3A_166 : memref<10240x128xf32, #tpu.memory_space<hbm>>) dst(%arg12 : memref<64x128xf32, #tpu.memory_space<vmem>>)
      "tpu.region"() ({
        %run_scoped3A = tpu.sem_alloc : memref<!tpu.dma_semaphore, #tpu.memory_space<semaphore_mem>>
        %dma_start3A_170 = arith.constant 0 : i32
        %dma_start3A_171 = arith.constant 0 : i32
        %dma_start3A_172 = tpu.memref_slice %arg6[%dma_start3A_170, %dma_start3A_171] : memref<10240x128xf32, #tpu.memory_space<vmem_shared>> -> memref<10240x128xf32, #tpu.memory_space<vmem_shared>>
        tpu.enqueue_indirect_dma source(%arg12 : memref<64x128xf32, #tpu.memory_space<vmem>>) target(%dma_start3A_172 : memref<10240x128xf32, #tpu.memory_space<vmem_shared>>) offsets(%arg9 : memref<64xi32, #tpu.memory_space<vmem>>) semaphore(%run_scoped3A : memref<!tpu.dma_semaphore, #tpu.memory_space<semaphore_mem>>) {add = true}
        %dma_wait3A_173 = arith.constant 0 : i32
        %dma_wait3A_174 = arith.constant 0 : i32
        %dma_wait3A_175 = tpu.memref_slice %arg6[%dma_wait3A_173, %dma_wait3A_174] : memref<10240x128xf32, #tpu.memory_space<vmem_shared>> -> memref<10240x128xf32, #tpu.memory_space<vmem_shared>>
        tpu.wait_indirect_dma semaphore(%run_scoped3A : memref<!tpu.dma_semaphore, #tpu.memory_space<semaphore_mem>>) src(%arg12 : memref<64x128xf32, #tpu.memory_space<vmem>>) dst(%dma_wait3A_175 : memref<10240x128xf32, #tpu.memory_space<vmem_shared>>)
        tpu.yield
      }) : () -> ()
      %dma_wait3A_167 = arith.constant 0 : i32
      %dma_wait3A_168 = arith.constant 0 : i32
      %dma_wait3A_169 = tpu.memref_slice %arg2[%dma_wait3A_167, %dma_wait3A_168] : memref<10240x128xf32, #tpu.memory_space<hbm>> -> memref<10240x128xf32, #tpu.memory_space<hbm>>
      tpu.wait_indirect_dma semaphore(%arg15 : memref<!tpu.dma_semaphore, #tpu.memory_space<semaphore_mem>>) src(%dma_wait3A_169 : memref<10240x128xf32, #tpu.memory_space<hbm>>) dst(%arg13 : memref<64x128xf32, #tpu.memory_space<vmem>>)
      "tpu.region"() ({
        %run_scoped3A = tpu.sem_alloc : memref<!tpu.dma_semaphore, #tpu.memory_space<semaphore_mem>>
        %dma_start3A_170 = arith.constant 0 : i32
        %dma_start3A_171 = arith.constant 0 : i32
        %dma_start3A_172 = tpu.memref_slice %arg6[%dma_start3A_170, %dma_start3A_171] : memref<10240x128xf32, #tpu.memory_space<vmem_shared>> -> memref<10240x128xf32, #tpu.memory_space<vmem_shared>>
        tpu.enqueue_indirect_dma source(%arg13 : memref<64x128xf32, #tpu.memory_space<vmem>>) target(%dma_start3A_172 : memref<10240x128xf32, #tpu.memory_space<vmem_shared>>) offsets(%arg11 : memref<64xi32, #tpu.memory_space<vmem>>) semaphore(%run_scoped3A : memref<!tpu.dma_semaphore, #tpu.memory_space<semaphore_mem>>) {add = true}
        %dma_wait3A_173 = arith.constant 0 : i32
        %dma_wait3A_174 = arith.constant 0 : i32
        %dma_wait3A_175 = tpu.memref_slice %arg6[%dma_wait3A_173, %dma_wait3A_174] : memref<10240x128xf32, #tpu.memory_space<vmem_shared>> -> memref<10240x128xf32, #tpu.memory_space<vmem_shared>>
        tpu.wait_indirect_dma semaphore(%run_scoped3A : memref<!tpu.dma_semaphore, #tpu.memory_space<semaphore_mem>>) src(%arg13 : memref<64x128xf32, #tpu.memory_space<vmem>>) dst(%dma_wait3A_175 : memref<10240x128xf32, #tpu.memory_space<vmem_shared>>)
        tpu.yield
      }) : () -> ()
    }
    %scan3A_7 = arith.constant 79 : i32
    %barrier3A_8 = arith.constant 0 : index
    tpu.barrier barrier_id(%barrier3A_8)
    "tpu.region"() ({
      %run_scoped3A = tpu.sem_alloc : memref<!tpu.dma_semaphore, #tpu.memory_space<semaphore_mem>>
      %dma_start3A = arith.constant 0 : i32
      %dma_start3A_9 = tpu.memref_slice %arg5[%arg0, %mul3A_2, %dma_start3A] : memref<2x10240x128xf32, #tpu.memory_space<hbm>> -> memref<1x640x128xf32, #tpu.memory_space<hbm>>
      %dma_start3A_10 = tpu.memref_squeeze %dma_start3A_9 : memref<1x640x128xf32, #tpu.memory_space<hbm>> -> memref<640x128xf32, #tpu.memory_space<hbm>>
      %dma_start3A_11 = arith.constant 0 : i32
      %dma_start3A_12 = tpu.memref_slice %arg6[%mul3A_2, %dma_start3A_11] : memref<10240x128xf32, #tpu.memory_space<vmem_shared>> -> memref<640x128xf32, #tpu.memory_space<vmem_shared>>
      tpu.enqueue_dma source(%dma_start3A_12 : memref<640x128xf32, #tpu.memory_space<vmem_shared>>) target(%dma_start3A_10 : memref<640x128xf32, #tpu.memory_space<hbm>>) target_semaphore(%run_scoped3A : memref<!tpu.dma_semaphore, #tpu.memory_space<semaphore_mem>>)
      %dma_wait3A = arith.constant 0 : i32
      %dma_wait3A_13 = tpu.memref_slice %arg5[%arg0, %mul3A_2, %dma_wait3A] : memref<2x10240x128xf32, #tpu.memory_space<hbm>> -> memref<1x640x128xf32, #tpu.memory_space<hbm>>
      %dma_wait3A_14 = tpu.memref_squeeze %dma_wait3A_13 : memref<1x640x128xf32, #tpu.memory_space<hbm>> -> memref<640x128xf32, #tpu.memory_space<hbm>>
      %dma_wait3A_15 = arith.constant 0 : i32
      %dma_wait3A_16 = tpu.memref_slice %arg6[%mul3A_2, %dma_wait3A_15] : memref<10240x128xf32, #tpu.memory_space<vmem_shared>> -> memref<640x128xf32, #tpu.memory_space<vmem_shared>>
      tpu.wait_dma2 semaphore(%run_scoped3A : memref<!tpu.dma_semaphore, #tpu.memory_space<semaphore_mem>>) src(%dma_wait3A_16 : memref<640x128xf32, #tpu.memory_space<vmem_shared>>) dst(%dma_wait3A_14 : memref<640x128xf32, #tpu.memory_space<hbm>>)
      tpu.yield
    }) : () -> ()
    return
  }
}

#map = affine_map<(d0, d1) -> (0, 0)>
#map1 = affine_map<(d0, d1) -> (0, 0, 0)>
module attributes {stable_mosaic.version = 14 : i64} {
  func.func @body(%arg0: i32, %arg1: i32, %arg2: memref<10240x128xf32, #tpu.memory_space<hbm>>, %arg3: memref<32x158x64xi32, #tpu.memory_space<hbm>>, %arg4: memref<640x128xf32, #tpu.memory_space<hbm>>, %arg5: memref<2x10240x128xf32, #tpu.memory_space<hbm>>, %arg6: memref<10240x128xf32, #tpu.memory_space<vmem_shared>>, %arg7: memref<158x64xi32, #tpu.memory_space<vmem>>, %arg8: memref<64xi32, #tpu.memory_space<vmem>>, %arg9: memref<64xi32, #tpu.memory_space<vmem>>, %arg10: memref<64xi32, #tpu.memory_space<vmem>>, %arg11: memref<64xi32, #tpu.memory_space<vmem>>, %arg12: memref<64x128xf32, #tpu.memory_space<vmem>>, %arg13: memref<64x128xf32, #tpu.memory_space<vmem>>, %arg14: memref<!tpu.dma_semaphore, #tpu.memory_space<semaphore_mem>>, %arg15: memref<!tpu.dma_semaphore, #tpu.memory_space<semaphore_mem>>) attributes {dimension_semantics = [#tpu.dimension_semantics<core_parallel>, #tpu.dimension_semantics<subcore_parallel>], iteration_bounds = array<i64: 2, 16>, scalar_prefetch = 0 : i64, scratch_operands = 10 : i64, tpu.core_type = #tpu.core_type<sc_vector_subcore>, window_params = [{transform_indices = #map}, {transform_indices = #map1}, {transform_indices = #map}, {transform_indices = #map1}]} {
    %mul3A = arith.constant 16 : i32
    %mul3A_0 = arith.muli %arg0, %mul3A : i32
    %add3A = arith.addi %mul3A_0, %arg1 : i32
    %mul3A_1 = arith.constant 640 : i32
    %mul3A_2 = arith.muli %arg1, %mul3A_1 : i32
    "tpu.region"() ({
      %run_scoped3A = tpu.sem_alloc : memref<!tpu.dma_semaphore, #tpu.memory_space<semaphore_mem>>
      %dma_start3A = arith.constant 0 : i32
      %dma_start3A_9 = tpu.memref_slice %arg6[%mul3A_2, %dma_start3A] : memref<10240x128xf32, #tpu.memory_space<vmem_shared>> -> memref<640x128xf32, #tpu.memory_space<vmem_shared>>
      tpu.enqueue_dma source(%arg4 : memref<640x128xf32, #tpu.memory_space<hbm>>) target(%dma_start3A_9 : memref<640x128xf32, #tpu.memory_space<vmem_shared>>) target_semaphore(%run_scoped3A : memref<!tpu.dma_semaphore, #tpu.memory_space<semaphore_mem>>)
      %dma_wait3A = arith.constant 0 : i32
      %dma_wait3A_10 = tpu.memref_slice %arg6[%mul3A_2, %dma_wait3A] : memref<10240x128xf32, #tpu.memory_space<vmem_shared>> -> memref<640x128xf32, #tpu.memory_space<vmem_shared>>
      tpu.wait_dma2 semaphore(%run_scoped3A : memref<!tpu.dma_semaphore, #tpu.memory_space<semaphore_mem>>) src(%arg4 : memref<640x128xf32, #tpu.memory_space<hbm>>) dst(%dma_wait3A_10 : memref<640x128xf32, #tpu.memory_space<vmem_shared>>)
      tpu.yield
    }) : () -> ()
    "tpu.region"() ({
      %run_scoped3A = tpu.sem_alloc : memref<!tpu.dma_semaphore, #tpu.memory_space<semaphore_mem>>
      %dma_start3A = arith.constant 0 : i32
      %dma_start3A_9 = arith.constant 0 : i32
      %dma_start3A_10 = tpu.memref_slice %arg3[%add3A, %dma_start3A, %dma_start3A_9] : memref<32x158x64xi32, #tpu.memory_space<hbm>> -> memref<1x158x64xi32, #tpu.memory_space<hbm>>
      %dma_start3A_11 = tpu.memref_squeeze %dma_start3A_10 : memref<1x158x64xi32, #tpu.memory_space<hbm>> -> memref<158x64xi32, #tpu.memory_space<hbm>>
      %dma_start3A_12 = arith.constant 0 : i32
      %dma_start3A_13 = arith.constant 0 : i32
      %dma_start3A_14 = tpu.memref_slice %arg3[%add3A, %dma_start3A_12, %dma_start3A_13] : memref<32x158x64xi32, #tpu.memory_space<hbm>> -> memref<1x158x64xi32, #tpu.memory_space<hbm>>
      %dma_start3A_15 = tpu.memref_squeeze %dma_start3A_14 : memref<1x158x64xi32, #tpu.memory_space<hbm>> -> memref<158x64xi32, #tpu.memory_space<hbm>>
      tpu.enqueue_dma source(%dma_start3A_15 : memref<158x64xi32, #tpu.memory_space<hbm>>) target(%arg7 : memref<158x64xi32, #tpu.memory_space<vmem>>) target_semaphore(%run_scoped3A : memref<!tpu.dma_semaphore, #tpu.memory_space<semaphore_mem>>)
      %dma_wait3A = arith.constant 0 : i32
      %dma_wait3A_16 = arith.constant 0 : i32
      %dma_wait3A_17 = tpu.memref_slice %arg3[%add3A, %dma_wait3A, %dma_wait3A_16] : memref<32x158x64xi32, #tpu.memory_space<hbm>> -> memref<1x158x64xi32, #tpu.memory_space<hbm>>
      %dma_wait3A_18 = tpu.memref_squeeze %dma_wait3A_17 : memref<1x158x64xi32, #tpu.memory_space<hbm>> -> memref<158x64xi32, #tpu.memory_space<hbm>>
      %dma_wait3A_19 = arith.constant 0 : i32
      %dma_wait3A_20 = arith.constant 0 : i32
      %dma_wait3A_21 = tpu.memref_slice %arg3[%add3A, %dma_wait3A_19, %dma_wait3A_20] : memref<32x158x64xi32, #tpu.memory_space<hbm>> -> memref<1x158x64xi32, #tpu.memory_space<hbm>>
      %dma_wait3A_22 = tpu.memref_squeeze %dma_wait3A_21 : memref<1x158x64xi32, #tpu.memory_space<hbm>> -> memref<158x64xi32, #tpu.memory_space<hbm>>
      tpu.wait_dma2 semaphore(%run_scoped3A : memref<!tpu.dma_semaphore, #tpu.memory_space<semaphore_mem>>) src(%dma_wait3A_22 : memref<158x64xi32, #tpu.memory_space<hbm>>) dst(%arg7 : memref<158x64xi32, #tpu.memory_space<vmem>>)
      tpu.yield
    }) : () -> ()
    %barrier3A = arith.constant 0 : index
    tpu.barrier barrier_id(%barrier3A)
    %scan3A = arith.constant 0 : i32
    %scan3A_3 = arith.constant 0 : i32
    %scan3A_4 = arith.constant 79 : i32
    %scan3A_5 = arith.addi %scan3A_3, %scan3A_4 : i32
    %scan3A_6 = arith.constant 1 : i32
    scf.for %scan3A_9 = %scan3A_3 to %scan3A_5 step %scan3A_6  : i32 {
      %mul3A_10 = arith.constant 2 : i32
      %mul3A_11 = arith.muli %mul3A_10, %scan3A_9 : i32
      %get3A = arith.index_cast %mul3A_11 : i32 to index
      %get3A_12 = arith.constant 0 : index
      %get3A_13 = tpu.vector_load %arg7[%get3A, %get3A_12] {strides = array<i32>} : memref<158x64xi32, #tpu.memory_space<vmem>>, vector<1x16xi32>,
      %get3A_14 = vector.shape_cast %get3A_13 : vector<1x16xi32> to vector<16xi32>
      %shift_right_logical3A = arith.constant 16 : i32
      %shift_right_logical3A_15 = vector.broadcast %shift_right_logical3A : i32 to vector<16xi32>
      %shift_right_logical3A_16 = arith.shrui %get3A_14, %shift_right_logical3A_15 : vector<16xi32>
      %swap3A = arith.constant 0 : index
      %swap3A_17 = tpu.vector_load %arg8[%swap3A] {strides = array<i32>} : memref<64xi32, #tpu.memory_space<vmem>>, vector<16xi32>,
      %swap3A_18 = vector.shape_cast %swap3A_17 : vector<16xi32> to vector<16xi32>
      %swap3A_19 = vector.shape_cast %shift_right_logical3A_16 : vector<16xi32> to vector<16xi32>
      tpu.vector_store %arg8[%swap3A], %swap3A_19 {strides = array<i32>} : memref<64xi32, #tpu.memory_space<vmem>>, vector<16xi32>,
      %and3A = arith.constant 65535 : i32
      %and3A_20 = vector.broadcast %and3A : i32 to vector<16xi32>
      %and3A_21 = arith.andi %get3A_14, %and3A_20 : vector<16xi32>
      %swap3A_22 = arith.constant 0 : index
      %swap3A_23 = tpu.vector_load %arg9[%swap3A_22] {strides = array<i32>} : memref<64xi32, #tpu.memory_space<vmem>>, vector<16xi32>,
      %swap3A_24 = vector.shape_cast %swap3A_23 : vector<16xi32> to vector<16xi32>
      %swap3A_25 = vector.shape_cast %and3A_21 : vector<16xi32> to vector<16xi32>
      tpu.vector_store %arg9[%swap3A_22], %swap3A_25 {strides = array<i32>} : memref<64xi32, #tpu.memory_space<vmem>>, vector<16xi32>,
      %add3A_26 = arith.constant 1 : i32
      %add3A_27 = arith.addi %mul3A_11, %add3A_26 : i32
      %get3A_28 = arith.index_cast %add3A_27 : i32 to index
      %get3A_29 = arith.constant 0 : index
      %get3A_30 = tpu.vector_load %arg7[%get3A_28, %get3A_29] {strides = array<i32>} : memref<158x64xi32, #tpu.memory_space<vmem>>, vector<1x16xi32>,
      %get3A_31 = vector.shape_cast %get3A_30 : vector<1x16xi32> to vector<16xi32>
      %shift_right_logical3A_32 = arith.constant 16 : i32
      %shift_right_logical3A_33 = vector.broadcast %shift_right_logical3A_32 : i32 to vector<16xi32>
      %shift_right_logical3A_34 = arith.shrui %get3A_31, %shift_right_logical3A_33 : vector<16xi32>
      %swap3A_35 = arith.constant 0 : index
      %swap3A_36 = tpu.vector_load %arg10[%swap3A_35] {strides = array<i32>} : memref<64xi32, #tpu.memory_space<vmem>>, vector<16xi32>,
      %swap3A_37 = vector.shape_cast %swap3A_36 : vector<16xi32> to vector<16xi32>
      %swap3A_38 = vector.shape_cast %shift_right_logical3A_34 : vector<16xi32> to vector<16xi32>
      tpu.vector_store %arg10[%swap3A_35], %swap3A_38 {strides = array<i32>} : memref<64xi32, #tpu.memory_space<vmem>>, vector<16xi32>,
      %and3A_39 = arith.constant 65535 : i32
      %and3A_40 = vector.broadcast %and3A_39 : i32 to vector<16xi32>
      %and3A_41 = arith.andi %get3A_31, %and3A_40 : vector<16xi32>
      %swap3A_42 = arith.constant 0 : index
      %swap3A_43 = tpu.vector_load %arg11[%swap3A_42] {strides = array<i32>} : memref<64xi32, #tpu.memory_space<vmem>>, vector<16xi32>,
      %swap3A_44 = vector.shape_cast %swap3A_43 : vector<16xi32> to vector<16xi32>
      %swap3A_45 = vector.shape_cast %and3A_41 : vector<16xi32> to vector<16xi32>
      tpu.vector_store %arg11[%swap3A_42], %swap3A_45 {strides = array<i32>} : memref<64xi32, #tpu.memory_space<vmem>>, vector<16xi32>,
      %get3A_46 = arith.index_cast %mul3A_11 : i32 to index
      %get3A_47 = arith.constant 16 : index
      %get3A_48 = tpu.vector_load %arg7[%get3A_46, %get3A_47] {strides = array<i32>} : memref<158x64xi32, #tpu.memory_space<vmem>>, vector<1x16xi32>,
      %get3A_49 = vector.shape_cast %get3A_48 : vector<1x16xi32> to vector<16xi32>
      %shift_right_logical3A_50 = arith.constant 16 : i32
      %shift_right_logical3A_51 = vector.broadcast %shift_right_logical3A_50 : i32 to vector<16xi32>
      %shift_right_logical3A_52 = arith.shrui %get3A_49, %shift_right_logical3A_51 : vector<16xi32>
      %swap3A_53 = arith.constant 16 : index
      %swap3A_54 = tpu.vector_load %arg8[%swap3A_53] {strides = array<i32>} : memref<64xi32, #tpu.memory_space<vmem>>, vector<16xi32>,
      %swap3A_55 = vector.shape_cast %swap3A_54 : vector<16xi32> to vector<16xi32>
      %swap3A_56 = vector.shape_cast %shift_right_logical3A_52 : vector<16xi32> to vector<16xi32>
      tpu.vector_store %arg8[%swap3A_53], %swap3A_56 {strides = array<i32>} : memref<64xi32, #tpu.memory_space<vmem>>, vector<16xi32>,
      %and3A_57 = arith.constant 65535 : i32
      %and3A_58 = vector.broadcast %and3A_57 : i32 to vector<16xi32>
      %and3A_59 = arith.andi %get3A_49, %and3A_58 : vector<16xi32>
      %swap3A_60 = arith.constant 16 : index
      %swap3A_61 = tpu.vector_load %arg9[%swap3A_60] {strides = array<i32>} : memref<64xi32, #tpu.memory_space<vmem>>, vector<16xi32>,
      %swap3A_62 = vector.shape_cast %swap3A_61 : vector<16xi32> to vector<16xi32>
      %swap3A_63 = vector.shape_cast %and3A_59 : vector<16xi32> to vector<16xi32>
      tpu.vector_store %arg9[%swap3A_60], %swap3A_63 {strides = array<i32>} : memref<64xi32, #tpu.memory_space<vmem>>, vector<16xi32>,
      %add3A_64 = arith.constant 1 : i32
      %add3A_65 = arith.addi %mul3A_11, %add3A_64 : i32
      %get3A_66 = arith.index_cast %add3A_65 : i32 to index
      %get3A_67 = arith.constant 16 : index
      %get3A_68 = tpu.vector_load %arg7[%get3A_66, %get3A_67] {strides = array<i32>} : memref<158x64xi32, #tpu.memory_space<vmem>>, vector<1x16xi32>,
      %get3A_69 = vector.shape_cast %get3A_68 : vector<1x16xi32> to vector<16xi32>
      %shift_right_logical3A_70 = arith.constant 16 : i32
      %shift_right_logical3A_71 = vector.broadcast %shift_right_logical3A_70 : i32 to vector<16xi32>
      %shift_right_logical3A_72 = arith.shrui %get3A_69, %shift_right_logical3A_71 : vector<16xi32>
      %swap3A_73 = arith.constant 16 : index
      %swap3A_74 = tpu.vector_load %arg10[%swap3A_73] {strides = array<i32>} : memref<64xi32, #tpu.memory_space<vmem>>, vector<16xi32>,
      %swap3A_75 = vector.shape_cast %swap3A_74 : vector<16xi32> to vector<16xi32>
      %swap3A_76 = vector.shape_cast %shift_right_logical3A_72 : vector<16xi32> to vector<16xi32>
      tpu.vector_store %arg10[%swap3A_73], %swap3A_76 {strides = array<i32>} : memref<64xi32, #tpu.memory_space<vmem>>, vector<16xi32>,
      %and3A_77 = arith.constant 65535 : i32
      %and3A_78 = vector.broadcast %and3A_77 : i32 to vector<16xi32>
      %and3A_79 = arith.andi %get3A_69, %and3A_78 : vector<16xi32>
      %swap3A_80 = arith.constant 16 : index
      %swap3A_81 = tpu.vector_load %arg11[%swap3A_80] {strides = array<i32>} : memref<64xi32, #tpu.memory_space<vmem>>, vector<16xi32>,
      %swap3A_82 = vector.shape_cast %swap3A_81 : vector<16xi32> to vector<16xi32>
      %swap3A_83 = vector.shape_cast %and3A_79 : vector<16xi32> to vector<16xi32>
      tpu.vector_store %arg11[%swap3A_80], %swap3A_83 {strides = array<i32>} : memref<64xi32, #tpu.memory_space<vmem>>, vector<16xi32>,
      %get3A_84 = arith.index_cast %mul3A_11 : i32 to index
      %get3A_85 = arith.constant 32 : index
      %get3A_86 = tpu.vector_load %arg7[%get3A_84, %get3A_85] {strides = array<i32>} : memref<158x64xi32, #tpu.memory_space<vmem>>, vector<1x16xi32>,
      %get3A_87 = vector.shape_cast %get3A_86 : vector<1x16xi32> to vector<16xi32>
      %shift_right_logical3A_88 = arith.constant 16 : i32
      %shift_right_logical3A_89 = vector.broadcast %shift_right_logical3A_88 : i32 to vector<16xi32>
      %shift_right_logical3A_90 = arith.shrui %get3A_87, %shift_right_logical3A_89 : vector<16xi32>
      %swap3A_91 = arith.constant 32 : index
      %swap3A_92 = tpu.vector_load %arg8[%swap3A_91] {strides = array<i32>} : memref<64xi32, #tpu.memory_space<vmem>>, vector<16xi32>,
      %swap3A_93 = vector.shape_cast %swap3A_92 : vector<16xi32> to vector<16xi32>
      %swap3A_94 = vector.shape_cast %shift_right_logical3A_90 : vector<16xi32> to vector<16xi32>
      tpu.vector_store %arg8[%swap3A_91], %swap3A_94 {strides = array<i32>} : memref<64xi32, #tpu.memory_space<vmem>>, vector<16xi32>,
      %and3A_95 = arith.constant 65535 : i32
      %and3A_96 = vector.broadcast %and3A_95 : i32 to vector<16xi32>
      %and3A_97 = arith.andi %get3A_87, %and3A_96 : vector<16xi32>
      %swap3A_98 = arith.constant 32 : index
      %swap3A_99 = tpu.vector_load %arg9[%swap3A_98] {strides = array<i32>} : memref<64xi32, #tpu.memory_space<vmem>>, vector<16xi32>,
      %swap3A_100 = vector.shape_cast %swap3A_99 : vector<16xi32> to vector<16xi32>
      %swap3A_101 = vector.shape_cast %and3A_97 : vector<16xi32> to vector<16xi32>
      tpu.vector_store %arg9[%swap3A_98], %swap3A_101 {strides = array<i32>} : memref<64xi32, #tpu.memory_space<vmem>>, vector<16xi32>,
      %add3A_102 = arith.constant 1 : i32
      %add3A_103 = arith.addi %mul3A_11, %add3A_102 : i32
      %get3A_104 = arith.index_cast %add3A_103 : i32 to index
      %get3A_105 = arith.constant 32 : index
      %get3A_106 = tpu.vector_load %arg7[%get3A_104, %get3A_105] {strides = array<i32>} : memref<158x64xi32, #tpu.memory_space<vmem>>, vector<1x16xi32>,
      %get3A_107 = vector.shape_cast %get3A_106 : vector<1x16xi32> to vector<16xi32>
      %shift_right_logical3A_108 = arith.constant 16 : i32
      %shift_right_logical3A_109 = vector.broadcast %shift_right_logical3A_108 : i32 to vector<16xi32>
      %shift_right_logical3A_110 = arith.shrui %get3A_107, %shift_right_logical3A_109 : vector<16xi32>
      %swap3A_111 = arith.constant 32 : index
      %swap3A_112 = tpu.vector_load %arg10[%swap3A_111] {strides = array<i32>} : memref<64xi32, #tpu.memory_space<vmem>>, vector<16xi32>,
      %swap3A_113 = vector.shape_cast %swap3A_112 : vector<16xi32> to vector<16xi32>
      %swap3A_114 = vector.shape_cast %shift_right_logical3A_110 : vector<16xi32> to vector<16xi32>
      tpu.vector_store %arg10[%swap3A_111], %swap3A_114 {strides = array<i32>} : memref<64xi32, #tpu.memory_space<vmem>>, vector<16xi32>,
      %and3A_115 = arith.constant 65535 : i32
      %and3A_116 = vector.broadcast %and3A_115 : i32 to vector<16xi32>
      %and3A_117 = arith.andi %get3A_107, %and3A_116 : vector<16xi32>
      %swap3A_118 = arith.constant 32 : index
      %swap3A_119 = tpu.vector_load %arg11[%swap3A_118] {strides = array<i32>} : memref<64xi32, #tpu.memory_space<vmem>>, vector<16xi32>,
      %swap3A_120 = vector.shape_cast %swap3A_119 : vector<16xi32> to vector<16xi32>
      %swap3A_121 = vector.shape_cast %and3A_117 : vector<16xi32> to vector<16xi32>
      tpu.vector_store %arg11[%swap3A_118], %swap3A_121 {strides = array<i32>} : memref<64xi32, #tpu.memory_space<vmem>>, vector<16xi32>,
      %get3A_122 = arith.index_cast %mul3A_11 : i32 to index
      %get3A_123 = arith.constant 48 : index
      %get3A_124 = tpu.vector_load %arg7[%get3A_122, %get3A_123] {strides = array<i32>} : memref<158x64xi32, #tpu.memory_space<vmem>>, vector<1x16xi32>,
      %get3A_125 = vector.shape_cast %get3A_124 : vector<1x16xi32> to vector<16xi32>
      %shift_right_logical3A_126 = arith.constant 16 : i32
      %shift_right_logical3A_127 = vector.broadcast %shift_right_logical3A_126 : i32 to vector<16xi32>
      %shift_right_logical3A_128 = arith.shrui %get3A_125, %shift_right_logical3A_127 : vector<16xi32>
      %swap3A_129 = arith.constant 48 : index
      %swap3A_130 = tpu.vector_load %arg8[%swap3A_129] {strides = array<i32>} : memref<64xi32, #tpu.memory_space<vmem>>, vector<16xi32>,
      %swap3A_131 = vector.shape_cast %swap3A_130 : vector<16xi32> to vector<16xi32>
      %swap3A_132 = vector.shape_cast %shift_right_logical3A_128 : vector<16xi32> to vector<16xi32>
      tpu.vector_store %arg8[%swap3A_129], %swap3A_132 {strides = array<i32>} : memref<64xi32, #tpu.memory_space<vmem>>, vector<16xi32>,
      %and3A_133 = arith.constant 65535 : i32
      %and3A_134 = vector.broadcast %and3A_133 : i32 to vector<16xi32>
      %and3A_135 = arith.andi %get3A_125, %and3A_134 : vector<16xi32>
      %swap3A_136 = arith.constant 48 : index
      %swap3A_137 = tpu.vector_load %arg9[%swap3A_136] {strides = array<i32>} : memref<64xi32, #tpu.memory_space<vmem>>, vector<16xi32>,
      %swap3A_138 = vector.shape_cast %swap3A_137 : vector<16xi32> to vector<16xi32>
      %swap3A_139 = vector.shape_cast %and3A_135 : vector<16xi32> to vector<16xi32>
      tpu.vector_store %arg9[%swap3A_136], %swap3A_139 {strides = array<i32>} : memref<64xi32, #tpu.memory_space<vmem>>, vector<16xi32>,
      %add3A_140 = arith.constant 1 : i32
      %add3A_141 = arith.addi %mul3A_11, %add3A_140 : i32
      %get3A_142 = arith.index_cast %add3A_141 : i32 to index
      %get3A_143 = arith.constant 48 : index
      %get3A_144 = tpu.vector_load %arg7[%get3A_142, %get3A_143] {strides = array<i32>} : memref<158x64xi32, #tpu.memory_space<vmem>>, vector<1x16xi32>,
      %get3A_145 = vector.shape_cast %get3A_144 : vector<1x16xi32> to vector<16xi32>
      %shift_right_logical3A_146 = arith.constant 16 : i32
      %shift_right_logical3A_147 = vector.broadcast %shift_right_logical3A_146 : i32 to vector<16xi32>
      %shift_right_logical3A_148 = arith.shrui %get3A_145, %shift_right_logical3A_147 : vector<16xi32>
      %swap3A_149 = arith.constant 48 : index
      %swap3A_150 = tpu.vector_load %arg10[%swap3A_149] {strides = array<i32>} : memref<64xi32, #tpu.memory_space<vmem>>, vector<16xi32>,
      %swap3A_151 = vector.shape_cast %swap3A_150 : vector<16xi32> to vector<16xi32>
      %swap3A_152 = vector.shape_cast %shift_right_logical3A_148 : vector<16xi32> to vector<16xi32>
      tpu.vector_store %arg10[%swap3A_149], %swap3A_152 {strides = array<i32>} : memref<64xi32, #tpu.memory_space<vmem>>, vector<16xi32>,
      %and3A_153 = arith.constant 65535 : i32
      %and3A_154 = vector.broadcast %and3A_153 : i32 to vector<16xi32>
      %and3A_155 = arith.andi %get3A_145, %and3A_154 : vector<16xi32>
      %swap3A_156 = arith.constant 48 : index
      %swap3A_157 = tpu.vector_load %arg11[%swap3A_156] {strides = array<i32>} : memref<64xi32, #tpu.memory_space<vmem>>, vector<16xi32>,
      %swap3A_158 = vector.shape_cast %swap3A_157 : vector<16xi32> to vector<16xi32>
      %swap3A_159 = vector.shape_cast %and3A_155 : vector<16xi32> to vector<16xi32>
      tpu.vector_store %arg11[%swap3A_156], %swap3A_159 {strides = array<i32>} : memref<64xi32, #tpu.memory_space<vmem>>, vector<16xi32>,
      %dma_start3A = arith.constant 0 : i32
      %dma_start3A_160 = arith.constant 0 : i32
      %dma_start3A_161 = tpu.memref_slice %arg2[%dma_start3A, %dma_start3A_160] : memref<10240x128xf32, #tpu.memory_space<hbm>> -> memref<10240x128xf32, #tpu.memory_space<hbm>>
      tpu.enqueue_indirect_dma source(%dma_start3A_161 : memref<10240x128xf32, #tpu.memory_space<hbm>>) target(%arg12 : memref<64x128xf32, #tpu.memory_space<vmem>>) offsets(%arg8 : memref<64xi32, #tpu.memory_space<vmem>>) semaphore(%arg14 : memref<!tpu.dma_semaphore, #tpu.memory_space<semaphore_mem>>)
      %dma_start3A_162 = arith.constant 0 : i32
      %dma_start3A_163 = arith.constant 0 : i32
      %dma_start3A_164 = tpu.memref_slice %arg2[%dma_start3A_162, %dma_start3A_163] : memref<10240x128xf32, #tpu.memory_space<hbm>> -> memref<10240x128xf32, #tpu.memory_space<hbm>>
      tpu.enqueue_indirect_dma source(%dma_start3A_164 : memref<10240x128xf32, #tpu.memory_space<hbm>>) target(%arg13 : memref<64x128xf32, #tpu.memory_space<vmem>>) offsets(%arg10 : memref<64xi32, #tpu.memory_space<vmem>>) semaphore(%arg15 : memref<!tpu.dma_semaphore, #tpu.memory_space<semaphore_mem>>)
      %dma_wait3A = arith.constant 0 : i32
      %dma_wait3A_165 = arith.constant 0 : i32
      %dma_wait3A_166 = tpu.memref_slice %arg2[%dma_wait3A, %dma_wait3A_165] : memref<10240x128xf32, #tpu.memory_space<hbm>> -> memref<10240x128xf32, #tpu.memory_space<hbm>>
      tpu.wait_indirect_dma semaphore(%arg14 : memref<!tpu.dma_semaphore, #tpu.memory_space<semaphore_mem>>) src(%dma_wait3A_166 : memref<10240x128xf32, #tpu.memory_space<hbm>>) dst(%arg12 : memref<64x128xf32, #tpu.memory_space<vmem>>)
      "tpu.region"() ({
        %run_scoped3A = tpu.sem_alloc : memref<!tpu.dma_semaphore, #tpu.memory_space<semaphore_mem>>
        %dma_start3A_170 = arith.constant 0 : i32
        %dma_start3A_171 = arith.constant 0 : i32
        %dma_start3A_172 = tpu.memref_slice %arg6[%dma_start3A_170, %dma_start3A_171] : memref<10240x128xf32, #tpu.memory_space<vmem_shared>> -> memref<10240x128xf32, #tpu.memory_space<vmem_shared>>
        tpu.enqueue_indirect_dma source(%arg12 : memref<64x128xf32, #tpu.memory_space<vmem>>) target(%dma_start3A_172 : memref<10240x128xf32, #tpu.memory_space<vmem_shared>>) offsets(%arg9 : memref<64xi32, #tpu.memory_space<vmem>>) semaphore(%run_scoped3A : memref<!tpu.dma_semaphore, #tpu.memory_space<semaphore_mem>>) {add = true}
        %dma_wait3A_173 = arith.constant 0 : i32
        %dma_wait3A_174 = arith.constant 0 : i32
        %dma_wait3A_175 = tpu.memref_slice %arg6[%dma_wait3A_173, %dma_wait3A_174] : memref<10240x128xf32, #tpu.memory_space<vmem_shared>> -> memref<10240x128xf32, #tpu.memory_space<vmem_shared>>
        tpu.wait_indirect_dma semaphore(%run_scoped3A : memref<!tpu.dma_semaphore, #tpu.memory_space<semaphore_mem>>) src(%arg12 : memref<64x128xf32, #tpu.memory_space<vmem>>) dst(%dma_wait3A_175 : memref<10240x128xf32, #tpu.memory_space<vmem_shared>>)
        tpu.yield
      }) : () -> ()
      %dma_wait3A_167 = arith.constant 0 : i32
      %dma_wait3A_168 = arith.constant 0 : i32
      %dma_wait3A_169 = tpu.memref_slice %arg2[%dma_wait3A_167, %dma_wait3A_168] : memref<10240x128xf32, #tpu.memory_space<hbm>> -> memref<10240x128xf32, #tpu.memory_space<hbm>>
      tpu.wait_indirect_dma semaphore(%arg15 : memref<!tpu.dma_semaphore, #tpu.memory_space<semaphore_mem>>) src(%dma_wait3A_169 : memref<10240x128xf32, #tpu.memory_space<hbm>>) dst(%arg13 : memref<64x128xf32, #tpu.memory_space<vmem>>)
      "tpu.region"() ({
        %run_scoped3A = tpu.sem_alloc : memref<!tpu.dma_semaphore, #tpu.memory_space<semaphore_mem>>
        %dma_start3A_170 = arith.constant 0 : i32
        %dma_start3A_171 = arith.constant 0 : i32
        %dma_start3A_172 = tpu.memref_slice %arg6[%dma_start3A_170, %dma_start3A_171] : memref<10240x128xf32, #tpu.memory_space<vmem_shared>> -> memref<10240x128xf32, #tpu.memory_space<vmem_shared>>
        tpu.enqueue_indirect_dma source(%arg13 : memref<64x128xf32, #tpu.memory_space<vmem>>) target(%dma_start3A_172 : memref<10240x128xf32, #tpu.memory_space<vmem_shared>>) offsets(%arg11 : memref<64xi32, #tpu.memory_space<vmem>>) semaphore(%run_scoped3A : memref<!tpu.dma_semaphore, #tpu.memory_space<semaphore_mem>>) {add = true}
        %dma_wait3A_173 = arith.constant 0 : i32
        %dma_wait3A_174 = arith.constant 0 : i32
        %dma_wait3A_175 = tpu.memref_slice %arg6[%dma_wait3A_173, %dma_wait3A_174] : memref<10240x128xf32, #tpu.memory_space<vmem_shared>> -> memref<10240x128xf32, #tpu.memory_space<vmem_shared>>
        tpu.wait_indirect_dma semaphore(%run_scoped3A : memref<!tpu.dma_semaphore, #tpu.memory_space<semaphore_mem>>) src(%arg13 : memref<64x128xf32, #tpu.memory_space<vmem>>) dst(%dma_wait3A_175 : memref<10240x128xf32, #tpu.memory_space<vmem_shared>>)
        tpu.yield
      }) : () -> ()
    }
    %scan3A_7 = arith.constant 79 : i32
    %barrier3A_8 = arith.constant 0 : index
    tpu.barrier barrier_id(%barrier3A_8)
    "tpu.region"() ({
      %run_scoped3A = tpu.sem_alloc : memref<!tpu.dma_semaphore, #tpu.memory_space<semaphore_mem>>
      %dma_start3A = arith.constant 0 : i32
      %dma_start3A_9 = tpu.memref_slice %arg5[%arg0, %mul3A_2, %dma_start3A] : memref<2x10240x128xf32, #tpu.memory_space<hbm>> -> memref<1x640x128xf32, #tpu.memory_space<hbm>>
      %dma_start3A_10 = tpu.memref_squeeze %dma_start3A_9 : memref<1x640x128xf32, #tpu.memory_space<hbm>> -> memref<640x128xf32, #tpu.memory_space<hbm>>
      %dma_start3A_11 = arith.constant 0 : i32
      %dma_start3A_12 = tpu.memref_slice %arg6[%mul3A_2, %dma_start3A_11] : memref<10240x128xf32, #tpu.memory_space<vmem_shared>> -> memref<640x128xf32, #tpu.memory_space<vmem_shared>>
      tpu.enqueue_dma source(%dma_start3A_12 : memref<640x128xf32, #tpu.memory_space<vmem_shared>>) target(%dma_start3A_10 : memref<640x128xf32, #tpu.memory_space<hbm>>) target_semaphore(%run_scoped3A : memref<!tpu.dma_semaphore, #tpu.memory_space<semaphore_mem>>)
      %dma_wait3A = arith.constant 0 : i32
      %dma_wait3A_13 = tpu.memref_slice %arg5[%arg0, %mul3A_2, %dma_wait3A] : memref<2x10240x128xf32, #tpu.memory_space<hbm>> -> memref<1x640x128xf32, #tpu.memory_space<hbm>>
      %dma_wait3A_14 = tpu.memref_squeeze %dma_wait3A_13 : memref<1x640x128xf32, #tpu.memory_space<hbm>> -> memref<640x128xf32, #tpu.memory_space<hbm>>
      %dma_wait3A_15 = arith.constant 0 : i32
      %dma_wait3A_16 = tpu.memref_slice %arg6[%mul3A_2, %dma_wait3A_15] : memref<10240x128xf32, #tpu.memory_space<vmem_shared>> -> memref<640x128xf32, #tpu.memory_space<vmem_shared>>
      tpu.wait_dma2 semaphore(%run_scoped3A : memref<!tpu.dma_semaphore, #tpu.memory_space<semaphore_mem>>) src(%dma_wait3A_16 : memref<640x128xf32, #tpu.memory_space<vmem_shared>>) dst(%dma_wait3A_14 : memref<640x128xf32, #tpu.memory_space<hbm>>)
      tpu.yield
    }) : () -> ()
    return
  }
}

#map = affine_map<(d0, d1) -> (0, 0, 0, 0)>
#map1 = affine_map<(d0, d1) -> (0, 0, 0)>
#map2 = affine_map<(d0, d1) -> (0, 0)>
module attributes {stable_mosaic.version = 14 : i64} {
  func.func @body(%arg0: i32, %arg1: i32, %arg2: memref<32x158x8x128xf32, #tpu.memory_space<hbm>>, %arg3: memref<32x158x64xi32, #tpu.memory_space<hbm>>, %arg4: memref<640x128xf32, #tpu.memory_space<hbm>>, %arg5: memref<64x128xf32, #tpu.memory_space<hbm>>, %arg6: memref<2x10240x128xf32, #tpu.memory_space<hbm>>, %arg7: memref<10240x128xf32, #tpu.memory_space<vmem_shared>>, %arg8: memref<158x64xi32, #tpu.memory_space<vmem>>, %arg9: memref<8x128xf32, #tpu.memory_space<vmem>>, %arg10: memref<64x128xf32, #tpu.memory_space<vmem>>) attributes {dimension_semantics = [#tpu.dimension_semantics<core_parallel>, #tpu.dimension_semantics<subcore_parallel>], iteration_bounds = array<i64: 2, 16>, scalar_prefetch = 0 : i64, scratch_operands = 4 : i64, tpu.core_type = #tpu.core_type<sc_vector_subcore>, window_params = [{transform_indices = #map}, {transform_indices = #map1}, {transform_indices = #map2}, {transform_indices = #map2}, {transform_indices = #map1}]} {
    %mul3A = arith.constant 16 : i32
    %mul3A_0 = arith.muli %arg0, %mul3A : i32
    %add3A = arith.addi %mul3A_0, %arg1 : i32
    %mul3A_1 = arith.constant 640 : i32
    %mul3A_2 = arith.muli %arg1, %mul3A_1 : i32
    "tpu.region"() ({
      %run_scoped3A = tpu.sem_alloc : memref<!tpu.dma_semaphore, #tpu.memory_space<semaphore_mem>>
      %dma_start3A = arith.constant 0 : i32
      %dma_start3A_9 = tpu.memref_slice %arg7[%mul3A_2, %dma_start3A] : memref<10240x128xf32, #tpu.memory_space<vmem_shared>> -> memref<640x128xf32, #tpu.memory_space<vmem_shared>>
      tpu.enqueue_dma source(%arg4 : memref<640x128xf32, #tpu.memory_space<hbm>>) target(%dma_start3A_9 : memref<640x128xf32, #tpu.memory_space<vmem_shared>>) target_semaphore(%run_scoped3A : memref<!tpu.dma_semaphore, #tpu.memory_space<semaphore_mem>>)
      %dma_wait3A = arith.constant 0 : i32
      %dma_wait3A_10 = tpu.memref_slice %arg7[%mul3A_2, %dma_wait3A] : memref<10240x128xf32, #tpu.memory_space<vmem_shared>> -> memref<640x128xf32, #tpu.memory_space<vmem_shared>>
      tpu.wait_dma2 semaphore(%run_scoped3A : memref<!tpu.dma_semaphore, #tpu.memory_space<semaphore_mem>>) src(%arg4 : memref<640x128xf32, #tpu.memory_space<hbm>>) dst(%dma_wait3A_10 : memref<640x128xf32, #tpu.memory_space<vmem_shared>>)
      tpu.yield
    }) : () -> ()
    "tpu.region"() ({
      %run_scoped3A = tpu.sem_alloc : memref<!tpu.dma_semaphore, #tpu.memory_space<semaphore_mem>>
      %dma_start3A = arith.constant 0 : i32
      %dma_start3A_9 = arith.constant 0 : i32
      %dma_start3A_10 = tpu.memref_slice %arg3[%add3A, %dma_start3A, %dma_start3A_9] : memref<32x158x64xi32, #tpu.memory_space<hbm>> -> memref<1x158x64xi32, #tpu.memory_space<hbm>>
      %dma_start3A_11 = tpu.memref_squeeze %dma_start3A_10 : memref<1x158x64xi32, #tpu.memory_space<hbm>> -> memref<158x64xi32, #tpu.memory_space<hbm>>
      %dma_start3A_12 = arith.constant 0 : i32
      %dma_start3A_13 = arith.constant 0 : i32
      %dma_start3A_14 = tpu.memref_slice %arg3[%add3A, %dma_start3A_12, %dma_start3A_13] : memref<32x158x64xi32, #tpu.memory_space<hbm>> -> memref<1x158x64xi32, #tpu.memory_space<hbm>>
      %dma_start3A_15 = tpu.memref_squeeze %dma_start3A_14 : memref<1x158x64xi32, #tpu.memory_space<hbm>> -> memref<158x64xi32, #tpu.memory_space<hbm>>
      tpu.enqueue_dma source(%dma_start3A_15 : memref<158x64xi32, #tpu.memory_space<hbm>>) target(%arg8 : memref<158x64xi32, #tpu.memory_space<vmem>>) target_semaphore(%run_scoped3A : memref<!tpu.dma_semaphore, #tpu.memory_space<semaphore_mem>>)
      %dma_wait3A = arith.constant 0 : i32
      %dma_wait3A_16 = arith.constant 0 : i32
      %dma_wait3A_17 = tpu.memref_slice %arg3[%add3A, %dma_wait3A, %dma_wait3A_16] : memref<32x158x64xi32, #tpu.memory_space<hbm>> -> memref<1x158x64xi32, #tpu.memory_space<hbm>>
      %dma_wait3A_18 = tpu.memref_squeeze %dma_wait3A_17 : memref<1x158x64xi32, #tpu.memory_space<hbm>> -> memref<158x64xi32, #tpu.memory_space<hbm>>
      %dma_wait3A_19 = arith.constant 0 : i32
      %dma_wait3A_20 = arith.constant 0 : i32
      %dma_wait3A_21 = tpu.memref_slice %arg3[%add3A, %dma_wait3A_19, %dma_wait3A_20] : memref<32x158x64xi32, #tpu.memory_space<hbm>> -> memref<1x158x64xi32, #tpu.memory_space<hbm>>
      %dma_wait3A_22 = tpu.memref_squeeze %dma_wait3A_21 : memref<1x158x64xi32, #tpu.memory_space<hbm>> -> memref<158x64xi32, #tpu.memory_space<hbm>>
      tpu.wait_dma2 semaphore(%run_scoped3A : memref<!tpu.dma_semaphore, #tpu.memory_space<semaphore_mem>>) src(%dma_wait3A_22 : memref<158x64xi32, #tpu.memory_space<hbm>>) dst(%arg8 : memref<158x64xi32, #tpu.memory_space<vmem>>)
      tpu.yield
    }) : () -> ()
    "tpu.region"() ({
      %run_scoped3A = tpu.sem_alloc : memref<!tpu.dma_semaphore, #tpu.memory_space<semaphore_mem>>
      tpu.enqueue_dma source(%arg5 : memref<64x128xf32, #tpu.memory_space<hbm>>) target(%arg10 : memref<64x128xf32, #tpu.memory_space<vmem>>) target_semaphore(%run_scoped3A : memref<!tpu.dma_semaphore, #tpu.memory_space<semaphore_mem>>)
      tpu.wait_dma2 semaphore(%run_scoped3A : memref<!tpu.dma_semaphore, #tpu.memory_space<semaphore_mem>>) src(%arg5 : memref<64x128xf32, #tpu.memory_space<hbm>>) dst(%arg10 : memref<64x128xf32, #tpu.memory_space<vmem>>)
      tpu.yield
    }) : () -> ()
    %barrier3A = arith.constant 0 : index
    tpu.barrier barrier_id(%barrier3A)
    %scan3A = arith.constant 0 : i32
    %scan3A_3 = arith.constant 0 : i32
    %scan3A_4 = arith.constant 158 : i32
    %scan3A_5 = arith.addi %scan3A_3, %scan3A_4 : i32
    %scan3A_6 = arith.constant 1 : i32
    scf.for %scan3A_9 = %scan3A_3 to %scan3A_5 step %scan3A_6  : i32 {
      "tpu.region"() ({
        %run_scoped3A = tpu.sem_alloc : memref<!tpu.dma_semaphore, #tpu.memory_space<semaphore_mem>>
        %dma_start3A = arith.constant 0 : i32
        %dma_start3A_712 = arith.constant 0 : i32
        %dma_start3A_713 = tpu.memref_slice %arg2[%add3A, %scan3A_9, %dma_start3A, %dma_start3A_712] : memref<32x158x8x128xf32, #tpu.memory_space<hbm>> -> memref<1x1x8x128xf32, #tpu.memory_space<hbm>>
        %dma_start3A_714 = tpu.memref_squeeze %dma_start3A_713 : memref<1x1x8x128xf32, #tpu.memory_space<hbm>> -> memref<8x128xf32, #tpu.memory_space<hbm>>
        %dma_start3A_715 = arith.constant 0 : i32
        %dma_start3A_716 = arith.constant 0 : i32
        %dma_start3A_717 = tpu.memref_slice %arg2[%add3A, %scan3A_9, %dma_start3A_715, %dma_start3A_716] : memref<32x158x8x128xf32, #tpu.memory_space<hbm>> -> memref<1x1x8x128xf32, #tpu.memory_space<hbm>>
        %dma_start3A_718 = tpu.memref_squeeze %dma_start3A_717 : memref<1x1x8x128xf32, #tpu.memory_space<hbm>> -> memref<8x128xf32, #tpu.memory_space<hbm>>
        tpu.enqueue_dma source(%dma_start3A_718 : memref<8x128xf32, #tpu.memory_space<hbm>>) target(%arg9 : memref<8x128xf32, #tpu.memory_space<vmem>>) target_semaphore(%run_scoped3A : memref<!tpu.dma_semaphore, #tpu.memory_space<semaphore_mem>>)
        %dma_wait3A = arith.constant 0 : i32
        %dma_wait3A_719 = arith.constant 0 : i32
        %dma_wait3A_720 = tpu.memref_slice %arg2[%add3A, %scan3A_9, %dma_wait3A, %dma_wait3A_719] : memref<32x158x8x128xf32, #tpu.memory_space<hbm>> -> memref<1x1x8x128xf32, #tpu.memory_space<hbm>>
        %dma_wait3A_721 = tpu.memref_squeeze %dma_wait3A_720 : memref<1x1x8x128xf32, #tpu.memory_space<hbm>> -> memref<8x128xf32, #tpu.memory_space<hbm>>
        %dma_wait3A_722 = arith.constant 0 : i32
        %dma_wait3A_723 = arith.constant 0 : i32
        %dma_wait3A_724 = tpu.memref_slice %arg2[%add3A, %scan3A_9, %dma_wait3A_722, %dma_wait3A_723] : memref<32x158x8x128xf32, #tpu.memory_space<hbm>> -> memref<1x1x8x128xf32, #tpu.memory_space<hbm>>
        %dma_wait3A_725 = tpu.memref_squeeze %dma_wait3A_724 : memref<1x1x8x128xf32, #tpu.memory_space<hbm>> -> memref<8x128xf32, #tpu.memory_space<hbm>>
        tpu.wait_dma2 semaphore(%run_scoped3A : memref<!tpu.dma_semaphore, #tpu.memory_space<semaphore_mem>>) src(%dma_wait3A_725 : memref<8x128xf32, #tpu.memory_space<hbm>>) dst(%arg9 : memref<8x128xf32, #tpu.memory_space<vmem>>)
        tpu.yield
      }) : () -> ()
      %get3A = arith.constant 0 : i32
      %get3A_10 = arith.index_cast %get3A : i32 to index
      %get3A_11 = arith.constant 0 : index
      %get3A_12 = tpu.vector_load %arg9[%get3A_10, %get3A_11] {strides = array<i32>} : memref<8x128xf32, #tpu.memory_space<vmem>>, vector<1x16xf32>,
      %get3A_13 = vector.shape_cast %get3A_12 : vector<1x16xf32> to vector<16xf32>
      %swap3A = arith.constant 0 : i32
      %swap3A_14 = arith.index_cast %swap3A : i32 to index
      %swap3A_15 = arith.constant 0 : index
      %swap3A_16 = tpu.vector_load %arg10[%swap3A_14, %swap3A_15] {strides = array<i32>} : memref<64x128xf32, #tpu.memory_space<vmem>>, vector<1x16xf32>,
      %swap3A_17 = vector.shape_cast %swap3A_16 : vector<1x16xf32> to vector<16xf32>
      %swap3A_18 = vector.shape_cast %get3A_13 : vector<16xf32> to vector<1x16xf32>
      tpu.vector_store %arg10[%swap3A_14, %swap3A_15], %swap3A_18 {strides = array<i32>} : memref<64x128xf32, #tpu.memory_space<vmem>>, vector<1x16xf32>,
      %get3A_19 = arith.constant 0 : i32
      %get3A_20 = arith.index_cast %get3A_19 : i32 to index
      %get3A_21 = arith.constant 16 : index
      %get3A_22 = tpu.vector_load %arg9[%get3A_20, %get3A_21] {strides = array<i32>} : memref<8x128xf32, #tpu.memory_space<vmem>>, vector<1x16xf32>,
      %get3A_23 = vector.shape_cast %get3A_22 : vector<1x16xf32> to vector<16xf32>
      %swap3A_24 = arith.constant 1 : i32
      %swap3A_25 = arith.index_cast %swap3A_24 : i32 to index
      %swap3A_26 = arith.constant 0 : index
      %swap3A_27 = tpu.vector_load %arg10[%swap3A_25, %swap3A_26] {strides = array<i32>} : memref<64x128xf32, #tpu.memory_space<vmem>>, vector<1x16xf32>,
      %swap3A_28 = vector.shape_cast %swap3A_27 : vector<1x16xf32> to vector<16xf32>
      %swap3A_29 = vector.shape_cast %get3A_23 : vector<16xf32> to vector<1x16xf32>
      tpu.vector_store %arg10[%swap3A_25, %swap3A_26], %swap3A_29 {strides = array<i32>} : memref<64x128xf32, #tpu.memory_space<vmem>>, vector<1x16xf32>,
      %get3A_30 = arith.constant 0 : i32
      %get3A_31 = arith.index_cast %get3A_30 : i32 to index
      %get3A_32 = arith.constant 32 : index
      %get3A_33 = tpu.vector_load %arg9[%get3A_31, %get3A_32] {strides = array<i32>} : memref<8x128xf32, #tpu.memory_space<vmem>>, vector<1x16xf32>,
      %get3A_34 = vector.shape_cast %get3A_33 : vector<1x16xf32> to vector<16xf32>
      %swap3A_35 = arith.constant 2 : i32
      %swap3A_36 = arith.index_cast %swap3A_35 : i32 to index
      %swap3A_37 = arith.constant 0 : index
      %swap3A_38 = tpu.vector_load %arg10[%swap3A_36, %swap3A_37] {strides = array<i32>} : memref<64x128xf32, #tpu.memory_space<vmem>>, vector<1x16xf32>,
      %swap3A_39 = vector.shape_cast %swap3A_38 : vector<1x16xf32> to vector<16xf32>
      %swap3A_40 = vector.shape_cast %get3A_34 : vector<16xf32> to vector<1x16xf32>
      tpu.vector_store %arg10[%swap3A_36, %swap3A_37], %swap3A_40 {strides = array<i32>} : memref<64x128xf32, #tpu.memory_space<vmem>>, vector<1x16xf32>,
      %get3A_41 = arith.constant 0 : i32
      %get3A_42 = arith.index_cast %get3A_41 : i32 to index
      %get3A_43 = arith.constant 48 : index
      %get3A_44 = tpu.vector_load %arg9[%get3A_42, %get3A_43] {strides = array<i32>} : memref<8x128xf32, #tpu.memory_space<vmem>>, vector<1x16xf32>,
      %get3A_45 = vector.shape_cast %get3A_44 : vector<1x16xf32> to vector<16xf32>
      %swap3A_46 = arith.constant 3 : i32
      %swap3A_47 = arith.index_cast %swap3A_46 : i32 to index
      %swap3A_48 = arith.constant 0 : index
      %swap3A_49 = tpu.vector_load %arg10[%swap3A_47, %swap3A_48] {strides = array<i32>} : memref<64x128xf32, #tpu.memory_space<vmem>>, vector<1x16xf32>,
      %swap3A_50 = vector.shape_cast %swap3A_49 : vector<1x16xf32> to vector<16xf32>
      %swap3A_51 = vector.shape_cast %get3A_45 : vector<16xf32> to vector<1x16xf32>
      tpu.vector_store %arg10[%swap3A_47, %swap3A_48], %swap3A_51 {strides = array<i32>} : memref<64x128xf32, #tpu.memory_space<vmem>>, vector<1x16xf32>,
      %get3A_52 = arith.constant 0 : i32
      %get3A_53 = arith.index_cast %get3A_52 : i32 to index
      %get3A_54 = arith.constant 64 : index
      %get3A_55 = tpu.vector_load %arg9[%get3A_53, %get3A_54] {strides = array<i32>} : memref<8x128xf32, #tpu.memory_space<vmem>>, vector<1x16xf32>,
      %get3A_56 = vector.shape_cast %get3A_55 : vector<1x16xf32> to vector<16xf32>
      %swap3A_57 = arith.constant 4 : i32
      %swap3A_58 = arith.index_cast %swap3A_57 : i32 to index
      %swap3A_59 = arith.constant 0 : index
      %swap3A_60 = tpu.vector_load %arg10[%swap3A_58, %swap3A_59] {strides = array<i32>} : memref<64x128xf32, #tpu.memory_space<vmem>>, vector<1x16xf32>,
      %swap3A_61 = vector.shape_cast %swap3A_60 : vector<1x16xf32> to vector<16xf32>
      %swap3A_62 = vector.shape_cast %get3A_56 : vector<16xf32> to vector<1x16xf32>
      tpu.vector_store %arg10[%swap3A_58, %swap3A_59], %swap3A_62 {strides = array<i32>} : memref<64x128xf32, #tpu.memory_space<vmem>>, vector<1x16xf32>,
      %get3A_63 = arith.constant 0 : i32
      %get3A_64 = arith.index_cast %get3A_63 : i32 to index
      %get3A_65 = arith.constant 80 : index
      %get3A_66 = tpu.vector_load %arg9[%get3A_64, %get3A_65] {strides = array<i32>} : memref<8x128xf32, #tpu.memory_space<vmem>>, vector<1x16xf32>,
      %get3A_67 = vector.shape_cast %get3A_66 : vector<1x16xf32> to vector<16xf32>
      %swap3A_68 = arith.constant 5 : i32
      %swap3A_69 = arith.index_cast %swap3A_68 : i32 to index
      %swap3A_70 = arith.constant 0 : index
      %swap3A_71 = tpu.vector_load %arg10[%swap3A_69, %swap3A_70] {strides = array<i32>} : memref<64x128xf32, #tpu.memory_space<vmem>>, vector<1x16xf32>,
      %swap3A_72 = vector.shape_cast %swap3A_71 : vector<1x16xf32> to vector<16xf32>
      %swap3A_73 = vector.shape_cast %get3A_67 : vector<16xf32> to vector<1x16xf32>
      tpu.vector_store %arg10[%swap3A_69, %swap3A_70], %swap3A_73 {strides = array<i32>} : memref<64x128xf32, #tpu.memory_space<vmem>>, vector<1x16xf32>,
      %get3A_74 = arith.constant 0 : i32
      %get3A_75 = arith.index_cast %get3A_74 : i32 to index
      %get3A_76 = arith.constant 96 : index
      %get3A_77 = tpu.vector_load %arg9[%get3A_75, %get3A_76] {strides = array<i32>} : memref<8x128xf32, #tpu.memory_space<vmem>>, vector<1x16xf32>,
      %get3A_78 = vector.shape_cast %get3A_77 : vector<1x16xf32> to vector<16xf32>
      %swap3A_79 = arith.constant 6 : i32
      %swap3A_80 = arith.index_cast %swap3A_79 : i32 to index
      %swap3A_81 = arith.constant 0 : index
      %swap3A_82 = tpu.vector_load %arg10[%swap3A_80, %swap3A_81] {strides = array<i32>} : memref<64x128xf32, #tpu.memory_space<vmem>>, vector<1x16xf32>,
      %swap3A_83 = vector.shape_cast %swap3A_82 : vector<1x16xf32> to vector<16xf32>
      %swap3A_84 = vector.shape_cast %get3A_78 : vector<16xf32> to vector<1x16xf32>
      tpu.vector_store %arg10[%swap3A_80, %swap3A_81], %swap3A_84 {strides = array<i32>} : memref<64x128xf32, #tpu.memory_space<vmem>>, vector<1x16xf32>,
      %get3A_85 = arith.constant 0 : i32
      %get3A_86 = arith.index_cast %get3A_85 : i32 to index
      %get3A_87 = arith.constant 112 : index
      %get3A_88 = tpu.vector_load %arg9[%get3A_86, %get3A_87] {strides = array<i32>} : memref<8x128xf32, #tpu.memory_space<vmem>>, vector<1x16xf32>,
      %get3A_89 = vector.shape_cast %get3A_88 : vector<1x16xf32> to vector<16xf32>
      %swap3A_90 = arith.constant 7 : i32
      %swap3A_91 = arith.index_cast %swap3A_90 : i32 to index
      %swap3A_92 = arith.constant 0 : index
      %swap3A_93 = tpu.vector_load %arg10[%swap3A_91, %swap3A_92] {strides = array<i32>} : memref<64x128xf32, #tpu.memory_space<vmem>>, vector<1x16xf32>,
      %swap3A_94 = vector.shape_cast %swap3A_93 : vector<1x16xf32> to vector<16xf32>
      %swap3A_95 = vector.shape_cast %get3A_89 : vector<16xf32> to vector<1x16xf32>
      tpu.vector_store %arg10[%swap3A_91, %swap3A_92], %swap3A_95 {strides = array<i32>} : memref<64x128xf32, #tpu.memory_space<vmem>>, vector<1x16xf32>,
      %get3A_96 = arith.constant 1 : i32
      %get3A_97 = arith.index_cast %get3A_96 : i32 to index
      %get3A_98 = arith.constant 0 : index
      %get3A_99 = tpu.vector_load %arg9[%get3A_97, %get3A_98] {strides = array<i32>} : memref<8x128xf32, #tpu.memory_space<vmem>>, vector<1x16xf32>,
      %get3A_100 = vector.shape_cast %get3A_99 : vector<1x16xf32> to vector<16xf32>
      %swap3A_101 = arith.constant 8 : i32
      %swap3A_102 = arith.index_cast %swap3A_101 : i32 to index
      %swap3A_103 = arith.constant 0 : index
      %swap3A_104 = tpu.vector_load %arg10[%swap3A_102, %swap3A_103] {strides = array<i32>} : memref<64x128xf32, #tpu.memory_space<vmem>>, vector<1x16xf32>,
      %swap3A_105 = vector.shape_cast %swap3A_104 : vector<1x16xf32> to vector<16xf32>
      %swap3A_106 = vector.shape_cast %get3A_100 : vector<16xf32> to vector<1x16xf32>
      tpu.vector_store %arg10[%swap3A_102, %swap3A_103], %swap3A_106 {strides = array<i32>} : memref<64x128xf32, #tpu.memory_space<vmem>>, vector<1x16xf32>,
      %get3A_107 = arith.constant 1 : i32
      %get3A_108 = arith.index_cast %get3A_107 : i32 to index
      %get3A_109 = arith.constant 16 : index
      %get3A_110 = tpu.vector_load %arg9[%get3A_108, %get3A_109] {strides = array<i32>} : memref<8x128xf32, #tpu.memory_space<vmem>>, vector<1x16xf32>,
      %get3A_111 = vector.shape_cast %get3A_110 : vector<1x16xf32> to vector<16xf32>
      %swap3A_112 = arith.constant 9 : i32
      %swap3A_113 = arith.index_cast %swap3A_112 : i32 to index
      %swap3A_114 = arith.constant 0 : index
      %swap3A_115 = tpu.vector_load %arg10[%swap3A_113, %swap3A_114] {strides = array<i32>} : memref<64x128xf32, #tpu.memory_space<vmem>>, vector<1x16xf32>,
      %swap3A_116 = vector.shape_cast %swap3A_115 : vector<1x16xf32> to vector<16xf32>
      %swap3A_117 = vector.shape_cast %get3A_111 : vector<16xf32> to vector<1x16xf32>
      tpu.vector_store %arg10[%swap3A_113, %swap3A_114], %swap3A_117 {strides = array<i32>} : memref<64x128xf32, #tpu.memory_space<vmem>>, vector<1x16xf32>,
      %get3A_118 = arith.constant 1 : i32
      %get3A_119 = arith.index_cast %get3A_118 : i32 to index
      %get3A_120 = arith.constant 32 : index
      %get3A_121 = tpu.vector_load %arg9[%get3A_119, %get3A_120] {strides = array<i32>} : memref<8x128xf32, #tpu.memory_space<vmem>>, vector<1x16xf32>,
      %get3A_122 = vector.shape_cast %get3A_121 : vector<1x16xf32> to vector<16xf32>
      %swap3A_123 = arith.constant 10 : i32
      %swap3A_124 = arith.index_cast %swap3A_123 : i32 to index
      %swap3A_125 = arith.constant 0 : index
      %swap3A_126 = tpu.vector_load %arg10[%swap3A_124, %swap3A_125] {strides = array<i32>} : memref<64x128xf32, #tpu.memory_space<vmem>>, vector<1x16xf32>,
      %swap3A_127 = vector.shape_cast %swap3A_126 : vector<1x16xf32> to vector<16xf32>
      %swap3A_128 = vector.shape_cast %get3A_122 : vector<16xf32> to vector<1x16xf32>
      tpu.vector_store %arg10[%swap3A_124, %swap3A_125], %swap3A_128 {strides = array<i32>} : memref<64x128xf32, #tpu.memory_space<vmem>>, vector<1x16xf32>,
      %get3A_129 = arith.constant 1 : i32
      %get3A_130 = arith.index_cast %get3A_129 : i32 to index
      %get3A_131 = arith.constant 48 : index
      %get3A_132 = tpu.vector_load %arg9[%get3A_130, %get3A_131] {strides = array<i32>} : memref<8x128xf32, #tpu.memory_space<vmem>>, vector<1x16xf32>,
      %get3A_133 = vector.shape_cast %get3A_132 : vector<1x16xf32> to vector<16xf32>
      %swap3A_134 = arith.constant 11 : i32
      %swap3A_135 = arith.index_cast %swap3A_134 : i32 to index
      %swap3A_136 = arith.constant 0 : index
      %swap3A_137 = tpu.vector_load %arg10[%swap3A_135, %swap3A_136] {strides = array<i32>} : memref<64x128xf32, #tpu.memory_space<vmem>>, vector<1x16xf32>,
      %swap3A_138 = vector.shape_cast %swap3A_137 : vector<1x16xf32> to vector<16xf32>
      %swap3A_139 = vector.shape_cast %get3A_133 : vector<16xf32> to vector<1x16xf32>
      tpu.vector_store %arg10[%swap3A_135, %swap3A_136], %swap3A_139 {strides = array<i32>} : memref<64x128xf32, #tpu.memory_space<vmem>>, vector<1x16xf32>,
      %get3A_140 = arith.constant 1 : i32
      %get3A_141 = arith.index_cast %get3A_140 : i32 to index
      %get3A_142 = arith.constant 64 : index
      %get3A_143 = tpu.vector_load %arg9[%get3A_141, %get3A_142] {strides = array<i32>} : memref<8x128xf32, #tpu.memory_space<vmem>>, vector<1x16xf32>,
      %get3A_144 = vector.shape_cast %get3A_143 : vector<1x16xf32> to vector<16xf32>
      %swap3A_145 = arith.constant 12 : i32
      %swap3A_146 = arith.index_cast %swap3A_145 : i32 to index
      %swap3A_147 = arith.constant 0 : index
      %swap3A_148 = tpu.vector_load %arg10[%swap3A_146, %swap3A_147] {strides = array<i32>} : memref<64x128xf32, #tpu.memory_space<vmem>>, vector<1x16xf32>,
      %swap3A_149 = vector.shape_cast %swap3A_148 : vector<1x16xf32> to vector<16xf32>
      %swap3A_150 = vector.shape_cast %get3A_144 : vector<16xf32> to vector<1x16xf32>
      tpu.vector_store %arg10[%swap3A_146, %swap3A_147], %swap3A_150 {strides = array<i32>} : memref<64x128xf32, #tpu.memory_space<vmem>>, vector<1x16xf32>,
      %get3A_151 = arith.constant 1 : i32
      %get3A_152 = arith.index_cast %get3A_151 : i32 to index
      %get3A_153 = arith.constant 80 : index
      %get3A_154 = tpu.vector_load %arg9[%get3A_152, %get3A_153] {strides = array<i32>} : memref<8x128xf32, #tpu.memory_space<vmem>>, vector<1x16xf32>,
      %get3A_155 = vector.shape_cast %get3A_154 : vector<1x16xf32> to vector<16xf32>
      %swap3A_156 = arith.constant 13 : i32
      %swap3A_157 = arith.index_cast %swap3A_156 : i32 to index
      %swap3A_158 = arith.constant 0 : index
      %swap3A_159 = tpu.vector_load %arg10[%swap3A_157, %swap3A_158] {strides = array<i32>} : memref<64x128xf32, #tpu.memory_space<vmem>>, vector<1x16xf32>,
      %swap3A_160 = vector.shape_cast %swap3A_159 : vector<1x16xf32> to vector<16xf32>
      %swap3A_161 = vector.shape_cast %get3A_155 : vector<16xf32> to vector<1x16xf32>
      tpu.vector_store %arg10[%swap3A_157, %swap3A_158], %swap3A_161 {strides = array<i32>} : memref<64x128xf32, #tpu.memory_space<vmem>>, vector<1x16xf32>,
      %get3A_162 = arith.constant 1 : i32
      %get3A_163 = arith.index_cast %get3A_162 : i32 to index
      %get3A_164 = arith.constant 96 : index
      %get3A_165 = tpu.vector_load %arg9[%get3A_163, %get3A_164] {strides = array<i32>} : memref<8x128xf32, #tpu.memory_space<vmem>>, vector<1x16xf32>,
      %get3A_166 = vector.shape_cast %get3A_165 : vector<1x16xf32> to vector<16xf32>
      %swap3A_167 = arith.constant 14 : i32
      %swap3A_168 = arith.index_cast %swap3A_167 : i32 to index
      %swap3A_169 = arith.constant 0 : index
      %swap3A_170 = tpu.vector_load %arg10[%swap3A_168, %swap3A_169] {strides = array<i32>} : memref<64x128xf32, #tpu.memory_space<vmem>>, vector<1x16xf32>,
      %swap3A_171 = vector.shape_cast %swap3A_170 : vector<1x16xf32> to vector<16xf32>
      %swap3A_172 = vector.shape_cast %get3A_166 : vector<16xf32> to vector<1x16xf32>
      tpu.vector_store %arg10[%swap3A_168, %swap3A_169], %swap3A_172 {strides = array<i32>} : memref<64x128xf32, #tpu.memory_space<vmem>>, vector<1x16xf32>,
      %get3A_173 = arith.constant 1 : i32
      %get3A_174 = arith.index_cast %get3A_173 : i32 to index
      %get3A_175 = arith.constant 112 : index
      %get3A_176 = tpu.vector_load %arg9[%get3A_174, %get3A_175] {strides = array<i32>} : memref<8x128xf32, #tpu.memory_space<vmem>>, vector<1x16xf32>,
      %get3A_177 = vector.shape_cast %get3A_176 : vector<1x16xf32> to vector<16xf32>
      %swap3A_178 = arith.constant 15 : i32
      %swap3A_179 = arith.index_cast %swap3A_178 : i32 to index
      %swap3A_180 = arith.constant 0 : index
      %swap3A_181 = tpu.vector_load %arg10[%swap3A_179, %swap3A_180] {strides = array<i32>} : memref<64x128xf32, #tpu.memory_space<vmem>>, vector<1x16xf32>,
      %swap3A_182 = vector.shape_cast %swap3A_181 : vector<1x16xf32> to vector<16xf32>
      %swap3A_183 = vector.shape_cast %get3A_177 : vector<16xf32> to vector<1x16xf32>
      tpu.vector_store %arg10[%swap3A_179, %swap3A_180], %swap3A_183 {strides = array<i32>} : memref<64x128xf32, #tpu.memory_space<vmem>>, vector<1x16xf32>,
      %get3A_184 = arith.constant 2 : i32
      %get3A_185 = arith.index_cast %get3A_184 : i32 to index
      %get3A_186 = arith.constant 0 : index
      %get3A_187 = tpu.vector_load %arg9[%get3A_185, %get3A_186] {strides = array<i32>} : memref<8x128xf32, #tpu.memory_space<vmem>>, vector<1x16xf32>,
      %get3A_188 = vector.shape_cast %get3A_187 : vector<1x16xf32> to vector<16xf32>
      %swap3A_189 = arith.constant 16 : i32
      %swap3A_190 = arith.index_cast %swap3A_189 : i32 to index
      %swap3A_191 = arith.constant 0 : index
      %swap3A_192 = tpu.vector_load %arg10[%swap3A_190, %swap3A_191] {strides = array<i32>} : memref<64x128xf32, #tpu.memory_space<vmem>>, vector<1x16xf32>,
      %swap3A_193 = vector.shape_cast %swap3A_192 : vector<1x16xf32> to vector<16xf32>
      %swap3A_194 = vector.shape_cast %get3A_188 : vector<16xf32> to vector<1x16xf32>
      tpu.vector_store %arg10[%swap3A_190, %swap3A_191], %swap3A_194 {strides = array<i32>} : memref<64x128xf32, #tpu.memory_space<vmem>>, vector<1x16xf32>,
      %get3A_195 = arith.constant 2 : i32
      %get3A_196 = arith.index_cast %get3A_195 : i32 to index
      %get3A_197 = arith.constant 16 : index
      %get3A_198 = tpu.vector_load %arg9[%get3A_196, %get3A_197] {strides = array<i32>} : memref<8x128xf32, #tpu.memory_space<vmem>>, vector<1x16xf32>,
      %get3A_199 = vector.shape_cast %get3A_198 : vector<1x16xf32> to vector<16xf32>
      %swap3A_200 = arith.constant 17 : i32
      %swap3A_201 = arith.index_cast %swap3A_200 : i32 to index
      %swap3A_202 = arith.constant 0 : index
      %swap3A_203 = tpu.vector_load %arg10[%swap3A_201, %swap3A_202] {strides = array<i32>} : memref<64x128xf32, #tpu.memory_space<vmem>>, vector<1x16xf32>,
      %swap3A_204 = vector.shape_cast %swap3A_203 : vector<1x16xf32> to vector<16xf32>
      %swap3A_205 = vector.shape_cast %get3A_199 : vector<16xf32> to vector<1x16xf32>
      tpu.vector_store %arg10[%swap3A_201, %swap3A_202], %swap3A_205 {strides = array<i32>} : memref<64x128xf32, #tpu.memory_space<vmem>>, vector<1x16xf32>,
      %get3A_206 = arith.constant 2 : i32
      %get3A_207 = arith.index_cast %get3A_206 : i32 to index
      %get3A_208 = arith.constant 32 : index
      %get3A_209 = tpu.vector_load %arg9[%get3A_207, %get3A_208] {strides = array<i32>} : memref<8x128xf32, #tpu.memory_space<vmem>>, vector<1x16xf32>,
      %get3A_210 = vector.shape_cast %get3A_209 : vector<1x16xf32> to vector<16xf32>
      %swap3A_211 = arith.constant 18 : i32
      %swap3A_212 = arith.index_cast %swap3A_211 : i32 to index
      %swap3A_213 = arith.constant 0 : index
      %swap3A_214 = tpu.vector_load %arg10[%swap3A_212, %swap3A_213] {strides = array<i32>} : memref<64x128xf32, #tpu.memory_space<vmem>>, vector<1x16xf32>,
      %swap3A_215 = vector.shape_cast %swap3A_214 : vector<1x16xf32> to vector<16xf32>
      %swap3A_216 = vector.shape_cast %get3A_210 : vector<16xf32> to vector<1x16xf32>
      tpu.vector_store %arg10[%swap3A_212, %swap3A_213], %swap3A_216 {strides = array<i32>} : memref<64x128xf32, #tpu.memory_space<vmem>>, vector<1x16xf32>,
      %get3A_217 = arith.constant 2 : i32
      %get3A_218 = arith.index_cast %get3A_217 : i32 to index
      %get3A_219 = arith.constant 48 : index
      %get3A_220 = tpu.vector_load %arg9[%get3A_218, %get3A_219] {strides = array<i32>} : memref<8x128xf32, #tpu.memory_space<vmem>>, vector<1x16xf32>,
      %get3A_221 = vector.shape_cast %get3A_220 : vector<1x16xf32> to vector<16xf32>
      %swap3A_222 = arith.constant 19 : i32
      %swap3A_223 = arith.index_cast %swap3A_222 : i32 to index
      %swap3A_224 = arith.constant 0 : index
      %swap3A_225 = tpu.vector_load %arg10[%swap3A_223, %swap3A_224] {strides = array<i32>} : memref<64x128xf32, #tpu.memory_space<vmem>>, vector<1x16xf32>,
      %swap3A_226 = vector.shape_cast %swap3A_225 : vector<1x16xf32> to vector<16xf32>
      %swap3A_227 = vector.shape_cast %get3A_221 : vector<16xf32> to vector<1x16xf32>
      tpu.vector_store %arg10[%swap3A_223, %swap3A_224], %swap3A_227 {strides = array<i32>} : memref<64x128xf32, #tpu.memory_space<vmem>>, vector<1x16xf32>,
      %get3A_228 = arith.constant 2 : i32
      %get3A_229 = arith.index_cast %get3A_228 : i32 to index
      %get3A_230 = arith.constant 64 : index
      %get3A_231 = tpu.vector_load %arg9[%get3A_229, %get3A_230] {strides = array<i32>} : memref<8x128xf32, #tpu.memory_space<vmem>>, vector<1x16xf32>,
      %get3A_232 = vector.shape_cast %get3A_231 : vector<1x16xf32> to vector<16xf32>
      %swap3A_233 = arith.constant 20 : i32
      %swap3A_234 = arith.index_cast %swap3A_233 : i32 to index
      %swap3A_235 = arith.constant 0 : index
      %swap3A_236 = tpu.vector_load %arg10[%swap3A_234, %swap3A_235] {strides = array<i32>} : memref<64x128xf32, #tpu.memory_space<vmem>>, vector<1x16xf32>,
      %swap3A_237 = vector.shape_cast %swap3A_236 : vector<1x16xf32> to vector<16xf32>
      %swap3A_238 = vector.shape_cast %get3A_232 : vector<16xf32> to vector<1x16xf32>
      tpu.vector_store %arg10[%swap3A_234, %swap3A_235], %swap3A_238 {strides = array<i32>} : memref<64x128xf32, #tpu.memory_space<vmem>>, vector<1x16xf32>,
      %get3A_239 = arith.constant 2 : i32
      %get3A_240 = arith.index_cast %get3A_239 : i32 to index
      %get3A_241 = arith.constant 80 : index
      %get3A_242 = tpu.vector_load %arg9[%get3A_240, %get3A_241] {strides = array<i32>} : memref<8x128xf32, #tpu.memory_space<vmem>>, vector<1x16xf32>,
      %get3A_243 = vector.shape_cast %get3A_242 : vector<1x16xf32> to vector<16xf32>
      %swap3A_244 = arith.constant 21 : i32
      %swap3A_245 = arith.index_cast %swap3A_244 : i32 to index
      %swap3A_246 = arith.constant 0 : index
      %swap3A_247 = tpu.vector_load %arg10[%swap3A_245, %swap3A_246] {strides = array<i32>} : memref<64x128xf32, #tpu.memory_space<vmem>>, vector<1x16xf32>,
      %swap3A_248 = vector.shape_cast %swap3A_247 : vector<1x16xf32> to vector<16xf32>
      %swap3A_249 = vector.shape_cast %get3A_243 : vector<16xf32> to vector<1x16xf32>
      tpu.vector_store %arg10[%swap3A_245, %swap3A_246], %swap3A_249 {strides = array<i32>} : memref<64x128xf32, #tpu.memory_space<vmem>>, vector<1x16xf32>,
      %get3A_250 = arith.constant 2 : i32
      %get3A_251 = arith.index_cast %get3A_250 : i32 to index
      %get3A_252 = arith.constant 96 : index
      %get3A_253 = tpu.vector_load %arg9[%get3A_251, %get3A_252] {strides = array<i32>} : memref<8x128xf32, #tpu.memory_space<vmem>>, vector<1x16xf32>,
      %get3A_254 = vector.shape_cast %get3A_253 : vector<1x16xf32> to vector<16xf32>
      %swap3A_255 = arith.constant 22 : i32
      %swap3A_256 = arith.index_cast %swap3A_255 : i32 to index
      %swap3A_257 = arith.constant 0 : index
      %swap3A_258 = tpu.vector_load %arg10[%swap3A_256, %swap3A_257] {strides = array<i32>} : memref<64x128xf32, #tpu.memory_space<vmem>>, vector<1x16xf32>,
      %swap3A_259 = vector.shape_cast %swap3A_258 : vector<1x16xf32> to vector<16xf32>
      %swap3A_260 = vector.shape_cast %get3A_254 : vector<16xf32> to vector<1x16xf32>
      tpu.vector_store %arg10[%swap3A_256, %swap3A_257], %swap3A_260 {strides = array<i32>} : memref<64x128xf32, #tpu.memory_space<vmem>>, vector<1x16xf32>,
      %get3A_261 = arith.constant 2 : i32
      %get3A_262 = arith.index_cast %get3A_261 : i32 to index
      %get3A_263 = arith.constant 112 : index
      %get3A_264 = tpu.vector_load %arg9[%get3A_262, %get3A_263] {strides = array<i32>} : memref<8x128xf32, #tpu.memory_space<vmem>>, vector<1x16xf32>,
      %get3A_265 = vector.shape_cast %get3A_264 : vector<1x16xf32> to vector<16xf32>
      %swap3A_266 = arith.constant 23 : i32
      %swap3A_267 = arith.index_cast %swap3A_266 : i32 to index
      %swap3A_268 = arith.constant 0 : index
      %swap3A_269 = tpu.vector_load %arg10[%swap3A_267, %swap3A_268] {strides = array<i32>} : memref<64x128xf32, #tpu.memory_space<vmem>>, vector<1x16xf32>,
      %swap3A_270 = vector.shape_cast %swap3A_269 : vector<1x16xf32> to vector<16xf32>
      %swap3A_271 = vector.shape_cast %get3A_265 : vector<16xf32> to vector<1x16xf32>
      tpu.vector_store %arg10[%swap3A_267, %swap3A_268], %swap3A_271 {strides = array<i32>} : memref<64x128xf32, #tpu.memory_space<vmem>>, vector<1x16xf32>,
      %get3A_272 = arith.constant 3 : i32
      %get3A_273 = arith.index_cast %get3A_272 : i32 to index
      %get3A_274 = arith.constant 0 : index
      %get3A_275 = tpu.vector_load %arg9[%get3A_273, %get3A_274] {strides = array<i32>} : memref<8x128xf32, #tpu.memory_space<vmem>>, vector<1x16xf32>,
      %get3A_276 = vector.shape_cast %get3A_275 : vector<1x16xf32> to vector<16xf32>
      %swap3A_277 = arith.constant 24 : i32
      %swap3A_278 = arith.index_cast %swap3A_277 : i32 to index
      %swap3A_279 = arith.constant 0 : index
      %swap3A_280 = tpu.vector_load %arg10[%swap3A_278, %swap3A_279] {strides = array<i32>} : memref<64x128xf32, #tpu.memory_space<vmem>>, vector<1x16xf32>,
      %swap3A_281 = vector.shape_cast %swap3A_280 : vector<1x16xf32> to vector<16xf32>
      %swap3A_282 = vector.shape_cast %get3A_276 : vector<16xf32> to vector<1x16xf32>
      tpu.vector_store %arg10[%swap3A_278, %swap3A_279], %swap3A_282 {strides = array<i32>} : memref<64x128xf32, #tpu.memory_space<vmem>>, vector<1x16xf32>,
      %get3A_283 = arith.constant 3 : i32
      %get3A_284 = arith.index_cast %get3A_283 : i32 to index
      %get3A_285 = arith.constant 16 : index
      %get3A_286 = tpu.vector_load %arg9[%get3A_284, %get3A_285] {strides = array<i32>} : memref<8x128xf32, #tpu.memory_space<vmem>>, vector<1x16xf32>,
      %get3A_287 = vector.shape_cast %get3A_286 : vector<1x16xf32> to vector<16xf32>
      %swap3A_288 = arith.constant 25 : i32
      %swap3A_289 = arith.index_cast %swap3A_288 : i32 to index
      %swap3A_290 = arith.constant 0 : index
      %swap3A_291 = tpu.vector_load %arg10[%swap3A_289, %swap3A_290] {strides = array<i32>} : memref<64x128xf32, #tpu.memory_space<vmem>>, vector<1x16xf32>,
      %swap3A_292 = vector.shape_cast %swap3A_291 : vector<1x16xf32> to vector<16xf32>
      %swap3A_293 = vector.shape_cast %get3A_287 : vector<16xf32> to vector<1x16xf32>
      tpu.vector_store %arg10[%swap3A_289, %swap3A_290], %swap3A_293 {strides = array<i32>} : memref<64x128xf32, #tpu.memory_space<vmem>>, vector<1x16xf32>,
      %get3A_294 = arith.constant 3 : i32
      %get3A_295 = arith.index_cast %get3A_294 : i32 to index
      %get3A_296 = arith.constant 32 : index
      %get3A_297 = tpu.vector_load %arg9[%get3A_295, %get3A_296] {strides = array<i32>} : memref<8x128xf32, #tpu.memory_space<vmem>>, vector<1x16xf32>,
      %get3A_298 = vector.shape_cast %get3A_297 : vector<1x16xf32> to vector<16xf32>
      %swap3A_299 = arith.constant 26 : i32
      %swap3A_300 = arith.index_cast %swap3A_299 : i32 to index
      %swap3A_301 = arith.constant 0 : index
      %swap3A_302 = tpu.vector_load %arg10[%swap3A_300, %swap3A_301] {strides = array<i32>} : memref<64x128xf32, #tpu.memory_space<vmem>>, vector<1x16xf32>,
      %swap3A_303 = vector.shape_cast %swap3A_302 : vector<1x16xf32> to vector<16xf32>
      %swap3A_304 = vector.shape_cast %get3A_298 : vector<16xf32> to vector<1x16xf32>
      tpu.vector_store %arg10[%swap3A_300, %swap3A_301], %swap3A_304 {strides = array<i32>} : memref<64x128xf32, #tpu.memory_space<vmem>>, vector<1x16xf32>,
      %get3A_305 = arith.constant 3 : i32
      %get3A_306 = arith.index_cast %get3A_305 : i32 to index
      %get3A_307 = arith.constant 48 : index
      %get3A_308 = tpu.vector_load %arg9[%get3A_306, %get3A_307] {strides = array<i32>} : memref<8x128xf32, #tpu.memory_space<vmem>>, vector<1x16xf32>,
      %get3A_309 = vector.shape_cast %get3A_308 : vector<1x16xf32> to vector<16xf32>
      %swap3A_310 = arith.constant 27 : i32
      %swap3A_311 = arith.index_cast %swap3A_310 : i32 to index
      %swap3A_312 = arith.constant 0 : index
      %swap3A_313 = tpu.vector_load %arg10[%swap3A_311, %swap3A_312] {strides = array<i32>} : memref<64x128xf32, #tpu.memory_space<vmem>>, vector<1x16xf32>,
      %swap3A_314 = vector.shape_cast %swap3A_313 : vector<1x16xf32> to vector<16xf32>
      %swap3A_315 = vector.shape_cast %get3A_309 : vector<16xf32> to vector<1x16xf32>
      tpu.vector_store %arg10[%swap3A_311, %swap3A_312], %swap3A_315 {strides = array<i32>} : memref<64x128xf32, #tpu.memory_space<vmem>>, vector<1x16xf32>,
      %get3A_316 = arith.constant 3 : i32
      %get3A_317 = arith.index_cast %get3A_316 : i32 to index
      %get3A_318 = arith.constant 64 : index
      %get3A_319 = tpu.vector_load %arg9[%get3A_317, %get3A_318] {strides = array<i32>} : memref<8x128xf32, #tpu.memory_space<vmem>>, vector<1x16xf32>,
      %get3A_320 = vector.shape_cast %get3A_319 : vector<1x16xf32> to vector<16xf32>
      %swap3A_321 = arith.constant 28 : i32
      %swap3A_322 = arith.index_cast %swap3A_321 : i32 to index
      %swap3A_323 = arith.constant 0 : index
      %swap3A_324 = tpu.vector_load %arg10[%swap3A_322, %swap3A_323] {strides = array<i32>} : memref<64x128xf32, #tpu.memory_space<vmem>>, vector<1x16xf32>,
      %swap3A_325 = vector.shape_cast %swap3A_324 : vector<1x16xf32> to vector<16xf32>
      %swap3A_326 = vector.shape_cast %get3A_320 : vector<16xf32> to vector<1x16xf32>
      tpu.vector_store %arg10[%swap3A_322, %swap3A_323], %swap3A_326 {strides = array<i32>} : memref<64x128xf32, #tpu.memory_space<vmem>>, vector<1x16xf32>,
      %get3A_327 = arith.constant 3 : i32
      %get3A_328 = arith.index_cast %get3A_327 : i32 to index
      %get3A_329 = arith.constant 80 : index
      %get3A_330 = tpu.vector_load %arg9[%get3A_328, %get3A_329] {strides = array<i32>} : memref<8x128xf32, #tpu.memory_space<vmem>>, vector<1x16xf32>,
      %get3A_331 = vector.shape_cast %get3A_330 : vector<1x16xf32> to vector<16xf32>
      %swap3A_332 = arith.constant 29 : i32
      %swap3A_333 = arith.index_cast %swap3A_332 : i32 to index
      %swap3A_334 = arith.constant 0 : index
      %swap3A_335 = tpu.vector_load %arg10[%swap3A_333, %swap3A_334] {strides = array<i32>} : memref<64x128xf32, #tpu.memory_space<vmem>>, vector<1x16xf32>,
      %swap3A_336 = vector.shape_cast %swap3A_335 : vector<1x16xf32> to vector<16xf32>
      %swap3A_337 = vector.shape_cast %get3A_331 : vector<16xf32> to vector<1x16xf32>
      tpu.vector_store %arg10[%swap3A_333, %swap3A_334], %swap3A_337 {strides = array<i32>} : memref<64x128xf32, #tpu.memory_space<vmem>>, vector<1x16xf32>,
      %get3A_338 = arith.constant 3 : i32
      %get3A_339 = arith.index_cast %get3A_338 : i32 to index
      %get3A_340 = arith.constant 96 : index
      %get3A_341 = tpu.vector_load %arg9[%get3A_339, %get3A_340] {strides = array<i32>} : memref<8x128xf32, #tpu.memory_space<vmem>>, vector<1x16xf32>,
      %get3A_342 = vector.shape_cast %get3A_341 : vector<1x16xf32> to vector<16xf32>
      %swap3A_343 = arith.constant 30 : i32
      %swap3A_344 = arith.index_cast %swap3A_343 : i32 to index
      %swap3A_345 = arith.constant 0 : index
      %swap3A_346 = tpu.vector_load %arg10[%swap3A_344, %swap3A_345] {strides = array<i32>} : memref<64x128xf32, #tpu.memory_space<vmem>>, vector<1x16xf32>,
      %swap3A_347 = vector.shape_cast %swap3A_346 : vector<1x16xf32> to vector<16xf32>
      %swap3A_348 = vector.shape_cast %get3A_342 : vector<16xf32> to vector<1x16xf32>
      tpu.vector_store %arg10[%swap3A_344, %swap3A_345], %swap3A_348 {strides = array<i32>} : memref<64x128xf32, #tpu.memory_space<vmem>>, vector<1x16xf32>,
      %get3A_349 = arith.constant 3 : i32
      %get3A_350 = arith.index_cast %get3A_349 : i32 to index
      %get3A_351 = arith.constant 112 : index
      %get3A_352 = tpu.vector_load %arg9[%get3A_350, %get3A_351] {strides = array<i32>} : memref<8x128xf32, #tpu.memory_space<vmem>>, vector<1x16xf32>,
      %get3A_353 = vector.shape_cast %get3A_352 : vector<1x16xf32> to vector<16xf32>
      %swap3A_354 = arith.constant 31 : i32
      %swap3A_355 = arith.index_cast %swap3A_354 : i32 to index
      %swap3A_356 = arith.constant 0 : index
      %swap3A_357 = tpu.vector_load %arg10[%swap3A_355, %swap3A_356] {strides = array<i32>} : memref<64x128xf32, #tpu.memory_space<vmem>>, vector<1x16xf32>,
      %swap3A_358 = vector.shape_cast %swap3A_357 : vector<1x16xf32> to vector<16xf32>
      %swap3A_359 = vector.shape_cast %get3A_353 : vector<16xf32> to vector<1x16xf32>
      tpu.vector_store %arg10[%swap3A_355, %swap3A_356], %swap3A_359 {strides = array<i32>} : memref<64x128xf32, #tpu.memory_space<vmem>>, vector<1x16xf32>,
      %get3A_360 = arith.constant 4 : i32
      %get3A_361 = arith.index_cast %get3A_360 : i32 to index
      %get3A_362 = arith.constant 0 : index
      %get3A_363 = tpu.vector_load %arg9[%get3A_361, %get3A_362] {strides = array<i32>} : memref<8x128xf32, #tpu.memory_space<vmem>>, vector<1x16xf32>,
      %get3A_364 = vector.shape_cast %get3A_363 : vector<1x16xf32> to vector<16xf32>
      %swap3A_365 = arith.constant 32 : i32
      %swap3A_366 = arith.index_cast %swap3A_365 : i32 to index
      %swap3A_367 = arith.constant 0 : index
      %swap3A_368 = tpu.vector_load %arg10[%swap3A_366, %swap3A_367] {strides = array<i32>} : memref<64x128xf32, #tpu.memory_space<vmem>>, vector<1x16xf32>,
      %swap3A_369 = vector.shape_cast %swap3A_368 : vector<1x16xf32> to vector<16xf32>
      %swap3A_370 = vector.shape_cast %get3A_364 : vector<16xf32> to vector<1x16xf32>
      tpu.vector_store %arg10[%swap3A_366, %swap3A_367], %swap3A_370 {strides = array<i32>} : memref<64x128xf32, #tpu.memory_space<vmem>>, vector<1x16xf32>,
      %get3A_371 = arith.constant 4 : i32
      %get3A_372 = arith.index_cast %get3A_371 : i32 to index
      %get3A_373 = arith.constant 16 : index
      %get3A_374 = tpu.vector_load %arg9[%get3A_372, %get3A_373] {strides = array<i32>} : memref<8x128xf32, #tpu.memory_space<vmem>>, vector<1x16xf32>,
      %get3A_375 = vector.shape_cast %get3A_374 : vector<1x16xf32> to vector<16xf32>
      %swap3A_376 = arith.constant 33 : i32
      %swap3A_377 = arith.index_cast %swap3A_376 : i32 to index
      %swap3A_378 = arith.constant 0 : index
      %swap3A_379 = tpu.vector_load %arg10[%swap3A_377, %swap3A_378] {strides = array<i32>} : memref<64x128xf32, #tpu.memory_space<vmem>>, vector<1x16xf32>,
      %swap3A_380 = vector.shape_cast %swap3A_379 : vector<1x16xf32> to vector<16xf32>
      %swap3A_381 = vector.shape_cast %get3A_375 : vector<16xf32> to vector<1x16xf32>
      tpu.vector_store %arg10[%swap3A_377, %swap3A_378], %swap3A_381 {strides = array<i32>} : memref<64x128xf32, #tpu.memory_space<vmem>>, vector<1x16xf32>,
      %get3A_382 = arith.constant 4 : i32
      %get3A_383 = arith.index_cast %get3A_382 : i32 to index
      %get3A_384 = arith.constant 32 : index
      %get3A_385 = tpu.vector_load %arg9[%get3A_383, %get3A_384] {strides = array<i32>} : memref<8x128xf32, #tpu.memory_space<vmem>>, vector<1x16xf32>,
      %get3A_386 = vector.shape_cast %get3A_385 : vector<1x16xf32> to vector<16xf32>
      %swap3A_387 = arith.constant 34 : i32
      %swap3A_388 = arith.index_cast %swap3A_387 : i32 to index
      %swap3A_389 = arith.constant 0 : index
      %swap3A_390 = tpu.vector_load %arg10[%swap3A_388, %swap3A_389] {strides = array<i32>} : memref<64x128xf32, #tpu.memory_space<vmem>>, vector<1x16xf32>,
      %swap3A_391 = vector.shape_cast %swap3A_390 : vector<1x16xf32> to vector<16xf32>
      %swap3A_392 = vector.shape_cast %get3A_386 : vector<16xf32> to vector<1x16xf32>
      tpu.vector_store %arg10[%swap3A_388, %swap3A_389], %swap3A_392 {strides = array<i32>} : memref<64x128xf32, #tpu.memory_space<vmem>>, vector<1x16xf32>,
      %get3A_393 = arith.constant 4 : i32
      %get3A_394 = arith.index_cast %get3A_393 : i32 to index
      %get3A_395 = arith.constant 48 : index
      %get3A_396 = tpu.vector_load %arg9[%get3A_394, %get3A_395] {strides = array<i32>} : memref<8x128xf32, #tpu.memory_space<vmem>>, vector<1x16xf32>,
      %get3A_397 = vector.shape_cast %get3A_396 : vector<1x16xf32> to vector<16xf32>
      %swap3A_398 = arith.constant 35 : i32
      %swap3A_399 = arith.index_cast %swap3A_398 : i32 to index
      %swap3A_400 = arith.constant 0 : index
      %swap3A_401 = tpu.vector_load %arg10[%swap3A_399, %swap3A_400] {strides = array<i32>} : memref<64x128xf32, #tpu.memory_space<vmem>>, vector<1x16xf32>,
      %swap3A_402 = vector.shape_cast %swap3A_401 : vector<1x16xf32> to vector<16xf32>
      %swap3A_403 = vector.shape_cast %get3A_397 : vector<16xf32> to vector<1x16xf32>
      tpu.vector_store %arg10[%swap3A_399, %swap3A_400], %swap3A_403 {strides = array<i32>} : memref<64x128xf32, #tpu.memory_space<vmem>>, vector<1x16xf32>,
      %get3A_404 = arith.constant 4 : i32
      %get3A_405 = arith.index_cast %get3A_404 : i32 to index
      %get3A_406 = arith.constant 64 : index
      %get3A_407 = tpu.vector_load %arg9[%get3A_405, %get3A_406] {strides = array<i32>} : memref<8x128xf32, #tpu.memory_space<vmem>>, vector<1x16xf32>,
      %get3A_408 = vector.shape_cast %get3A_407 : vector<1x16xf32> to vector<16xf32>
      %swap3A_409 = arith.constant 36 : i32
      %swap3A_410 = arith.index_cast %swap3A_409 : i32 to index
      %swap3A_411 = arith.constant 0 : index
      %swap3A_412 = tpu.vector_load %arg10[%swap3A_410, %swap3A_411] {strides = array<i32>} : memref<64x128xf32, #tpu.memory_space<vmem>>, vector<1x16xf32>,
      %swap3A_413 = vector.shape_cast %swap3A_412 : vector<1x16xf32> to vector<16xf32>
      %swap3A_414 = vector.shape_cast %get3A_408 : vector<16xf32> to vector<1x16xf32>
      tpu.vector_store %arg10[%swap3A_410, %swap3A_411], %swap3A_414 {strides = array<i32>} : memref<64x128xf32, #tpu.memory_space<vmem>>, vector<1x16xf32>,
      %get3A_415 = arith.constant 4 : i32
      %get3A_416 = arith.index_cast %get3A_415 : i32 to index
      %get3A_417 = arith.constant 80 : index
      %get3A_418 = tpu.vector_load %arg9[%get3A_416, %get3A_417] {strides = array<i32>} : memref<8x128xf32, #tpu.memory_space<vmem>>, vector<1x16xf32>,
      %get3A_419 = vector.shape_cast %get3A_418 : vector<1x16xf32> to vector<16xf32>
      %swap3A_420 = arith.constant 37 : i32
      %swap3A_421 = arith.index_cast %swap3A_420 : i32 to index
      %swap3A_422 = arith.constant 0 : index
      %swap3A_423 = tpu.vector_load %arg10[%swap3A_421, %swap3A_422] {strides = array<i32>} : memref<64x128xf32, #tpu.memory_space<vmem>>, vector<1x16xf32>,
      %swap3A_424 = vector.shape_cast %swap3A_423 : vector<1x16xf32> to vector<16xf32>
      %swap3A_425 = vector.shape_cast %get3A_419 : vector<16xf32> to vector<1x16xf32>
      tpu.vector_store %arg10[%swap3A_421, %swap3A_422], %swap3A_425 {strides = array<i32>} : memref<64x128xf32, #tpu.memory_space<vmem>>, vector<1x16xf32>,
      %get3A_426 = arith.constant 4 : i32
      %get3A_427 = arith.index_cast %get3A_426 : i32 to index
      %get3A_428 = arith.constant 96 : index
      %get3A_429 = tpu.vector_load %arg9[%get3A_427, %get3A_428] {strides = array<i32>} : memref<8x128xf32, #tpu.memory_space<vmem>>, vector<1x16xf32>,
      %get3A_430 = vector.shape_cast %get3A_429 : vector<1x16xf32> to vector<16xf32>
      %swap3A_431 = arith.constant 38 : i32
      %swap3A_432 = arith.index_cast %swap3A_431 : i32 to index
      %swap3A_433 = arith.constant 0 : index
      %swap3A_434 = tpu.vector_load %arg10[%swap3A_432, %swap3A_433] {strides = array<i32>} : memref<64x128xf32, #tpu.memory_space<vmem>>, vector<1x16xf32>,
      %swap3A_435 = vector.shape_cast %swap3A_434 : vector<1x16xf32> to vector<16xf32>
      %swap3A_436 = vector.shape_cast %get3A_430 : vector<16xf32> to vector<1x16xf32>
      tpu.vector_store %arg10[%swap3A_432, %swap3A_433], %swap3A_436 {strides = array<i32>} : memref<64x128xf32, #tpu.memory_space<vmem>>, vector<1x16xf32>,
      %get3A_437 = arith.constant 4 : i32
      %get3A_438 = arith.index_cast %get3A_437 : i32 to index
      %get3A_439 = arith.constant 112 : index
      %get3A_440 = tpu.vector_load %arg9[%get3A_438, %get3A_439] {strides = array<i32>} : memref<8x128xf32, #tpu.memory_space<vmem>>, vector<1x16xf32>,
      %get3A_441 = vector.shape_cast %get3A_440 : vector<1x16xf32> to vector<16xf32>
      %swap3A_442 = arith.constant 39 : i32
      %swap3A_443 = arith.index_cast %swap3A_442 : i32 to index
      %swap3A_444 = arith.constant 0 : index
      %swap3A_445 = tpu.vector_load %arg10[%swap3A_443, %swap3A_444] {strides = array<i32>} : memref<64x128xf32, #tpu.memory_space<vmem>>, vector<1x16xf32>,
      %swap3A_446 = vector.shape_cast %swap3A_445 : vector<1x16xf32> to vector<16xf32>
      %swap3A_447 = vector.shape_cast %get3A_441 : vector<16xf32> to vector<1x16xf32>
      tpu.vector_store %arg10[%swap3A_443, %swap3A_444], %swap3A_447 {strides = array<i32>} : memref<64x128xf32, #tpu.memory_space<vmem>>, vector<1x16xf32>,
      %get3A_448 = arith.constant 5 : i32
      %get3A_449 = arith.index_cast %get3A_448 : i32 to index
      %get3A_450 = arith.constant 0 : index
      %get3A_451 = tpu.vector_load %arg9[%get3A_449, %get3A_450] {strides = array<i32>} : memref<8x128xf32, #tpu.memory_space<vmem>>, vector<1x16xf32>,
      %get3A_452 = vector.shape_cast %get3A_451 : vector<1x16xf32> to vector<16xf32>
      %swap3A_453 = arith.constant 40 : i32
      %swap3A_454 = arith.index_cast %swap3A_453 : i32 to index
      %swap3A_455 = arith.constant 0 : index
      %swap3A_456 = tpu.vector_load %arg10[%swap3A_454, %swap3A_455] {strides = array<i32>} : memref<64x128xf32, #tpu.memory_space<vmem>>, vector<1x16xf32>,
      %swap3A_457 = vector.shape_cast %swap3A_456 : vector<1x16xf32> to vector<16xf32>
      %swap3A_458 = vector.shape_cast %get3A_452 : vector<16xf32> to vector<1x16xf32>
      tpu.vector_store %arg10[%swap3A_454, %swap3A_455], %swap3A_458 {strides = array<i32>} : memref<64x128xf32, #tpu.memory_space<vmem>>, vector<1x16xf32>,
      %get3A_459 = arith.constant 5 : i32
      %get3A_460 = arith.index_cast %get3A_459 : i32 to index
      %get3A_461 = arith.constant 16 : index
      %get3A_462 = tpu.vector_load %arg9[%get3A_460, %get3A_461] {strides = array<i32>} : memref<8x128xf32, #tpu.memory_space<vmem>>, vector<1x16xf32>,
      %get3A_463 = vector.shape_cast %get3A_462 : vector<1x16xf32> to vector<16xf32>
      %swap3A_464 = arith.constant 41 : i32
      %swap3A_465 = arith.index_cast %swap3A_464 : i32 to index
      %swap3A_466 = arith.constant 0 : index
      %swap3A_467 = tpu.vector_load %arg10[%swap3A_465, %swap3A_466] {strides = array<i32>} : memref<64x128xf32, #tpu.memory_space<vmem>>, vector<1x16xf32>,
      %swap3A_468 = vector.shape_cast %swap3A_467 : vector<1x16xf32> to vector<16xf32>
      %swap3A_469 = vector.shape_cast %get3A_463 : vector<16xf32> to vector<1x16xf32>
      tpu.vector_store %arg10[%swap3A_465, %swap3A_466], %swap3A_469 {strides = array<i32>} : memref<64x128xf32, #tpu.memory_space<vmem>>, vector<1x16xf32>,
      %get3A_470 = arith.constant 5 : i32
      %get3A_471 = arith.index_cast %get3A_470 : i32 to index
      %get3A_472 = arith.constant 32 : index
      %get3A_473 = tpu.vector_load %arg9[%get3A_471, %get3A_472] {strides = array<i32>} : memref<8x128xf32, #tpu.memory_space<vmem>>, vector<1x16xf32>,
      %get3A_474 = vector.shape_cast %get3A_473 : vector<1x16xf32> to vector<16xf32>
      %swap3A_475 = arith.constant 42 : i32
      %swap3A_476 = arith.index_cast %swap3A_475 : i32 to index
      %swap3A_477 = arith.constant 0 : index
      %swap3A_478 = tpu.vector_load %arg10[%swap3A_476, %swap3A_477] {strides = array<i32>} : memref<64x128xf32, #tpu.memory_space<vmem>>, vector<1x16xf32>,
      %swap3A_479 = vector.shape_cast %swap3A_478 : vector<1x16xf32> to vector<16xf32>
      %swap3A_480 = vector.shape_cast %get3A_474 : vector<16xf32> to vector<1x16xf32>
      tpu.vector_store %arg10[%swap3A_476, %swap3A_477], %swap3A_480 {strides = array<i32>} : memref<64x128xf32, #tpu.memory_space<vmem>>, vector<1x16xf32>,
      %get3A_481 = arith.constant 5 : i32
      %get3A_482 = arith.index_cast %get3A_481 : i32 to index
      %get3A_483 = arith.constant 48 : index
      %get3A_484 = tpu.vector_load %arg9[%get3A_482, %get3A_483] {strides = array<i32>} : memref<8x128xf32, #tpu.memory_space<vmem>>, vector<1x16xf32>,
      %get3A_485 = vector.shape_cast %get3A_484 : vector<1x16xf32> to vector<16xf32>
      %swap3A_486 = arith.constant 43 : i32
      %swap3A_487 = arith.index_cast %swap3A_486 : i32 to index
      %swap3A_488 = arith.constant 0 : index
      %swap3A_489 = tpu.vector_load %arg10[%swap3A_487, %swap3A_488] {strides = array<i32>} : memref<64x128xf32, #tpu.memory_space<vmem>>, vector<1x16xf32>,
      %swap3A_490 = vector.shape_cast %swap3A_489 : vector<1x16xf32> to vector<16xf32>
      %swap3A_491 = vector.shape_cast %get3A_485 : vector<16xf32> to vector<1x16xf32>
      tpu.vector_store %arg10[%swap3A_487, %swap3A_488], %swap3A_491 {strides = array<i32>} : memref<64x128xf32, #tpu.memory_space<vmem>>, vector<1x16xf32>,
      %get3A_492 = arith.constant 5 : i32
      %get3A_493 = arith.index_cast %get3A_492 : i32 to index
      %get3A_494 = arith.constant 64 : index
      %get3A_495 = tpu.vector_load %arg9[%get3A_493, %get3A_494] {strides = array<i32>} : memref<8x128xf32, #tpu.memory_space<vmem>>, vector<1x16xf32>,
      %get3A_496 = vector.shape_cast %get3A_495 : vector<1x16xf32> to vector<16xf32>
      %swap3A_497 = arith.constant 44 : i32
      %swap3A_498 = arith.index_cast %swap3A_497 : i32 to index
      %swap3A_499 = arith.constant 0 : index
      %swap3A_500 = tpu.vector_load %arg10[%swap3A_498, %swap3A_499] {strides = array<i32>} : memref<64x128xf32, #tpu.memory_space<vmem>>, vector<1x16xf32>,
      %swap3A_501 = vector.shape_cast %swap3A_500 : vector<1x16xf32> to vector<16xf32>
      %swap3A_502 = vector.shape_cast %get3A_496 : vector<16xf32> to vector<1x16xf32>
      tpu.vector_store %arg10[%swap3A_498, %swap3A_499], %swap3A_502 {strides = array<i32>} : memref<64x128xf32, #tpu.memory_space<vmem>>, vector<1x16xf32>,
      %get3A_503 = arith.constant 5 : i32
      %get3A_504 = arith.index_cast %get3A_503 : i32 to index
      %get3A_505 = arith.constant 80 : index
      %get3A_506 = tpu.vector_load %arg9[%get3A_504, %get3A_505] {strides = array<i32>} : memref<8x128xf32, #tpu.memory_space<vmem>>, vector<1x16xf32>,
      %get3A_507 = vector.shape_cast %get3A_506 : vector<1x16xf32> to vector<16xf32>
      %swap3A_508 = arith.constant 45 : i32
      %swap3A_509 = arith.index_cast %swap3A_508 : i32 to index
      %swap3A_510 = arith.constant 0 : index
      %swap3A_511 = tpu.vector_load %arg10[%swap3A_509, %swap3A_510] {strides = array<i32>} : memref<64x128xf32, #tpu.memory_space<vmem>>, vector<1x16xf32>,
      %swap3A_512 = vector.shape_cast %swap3A_511 : vector<1x16xf32> to vector<16xf32>
      %swap3A_513 = vector.shape_cast %get3A_507 : vector<16xf32> to vector<1x16xf32>
      tpu.vector_store %arg10[%swap3A_509, %swap3A_510], %swap3A_513 {strides = array<i32>} : memref<64x128xf32, #tpu.memory_space<vmem>>, vector<1x16xf32>,
      %get3A_514 = arith.constant 5 : i32
      %get3A_515 = arith.index_cast %get3A_514 : i32 to index
      %get3A_516 = arith.constant 96 : index
      %get3A_517 = tpu.vector_load %arg9[%get3A_515, %get3A_516] {strides = array<i32>} : memref<8x128xf32, #tpu.memory_space<vmem>>, vector<1x16xf32>,
      %get3A_518 = vector.shape_cast %get3A_517 : vector<1x16xf32> to vector<16xf32>
      %swap3A_519 = arith.constant 46 : i32
      %swap3A_520 = arith.index_cast %swap3A_519 : i32 to index
      %swap3A_521 = arith.constant 0 : index
      %swap3A_522 = tpu.vector_load %arg10[%swap3A_520, %swap3A_521] {strides = array<i32>} : memref<64x128xf32, #tpu.memory_space<vmem>>, vector<1x16xf32>,
      %swap3A_523 = vector.shape_cast %swap3A_522 : vector<1x16xf32> to vector<16xf32>
      %swap3A_524 = vector.shape_cast %get3A_518 : vector<16xf32> to vector<1x16xf32>
      tpu.vector_store %arg10[%swap3A_520, %swap3A_521], %swap3A_524 {strides = array<i32>} : memref<64x128xf32, #tpu.memory_space<vmem>>, vector<1x16xf32>,
      %get3A_525 = arith.constant 5 : i32
      %get3A_526 = arith.index_cast %get3A_525 : i32 to index
      %get3A_527 = arith.constant 112 : index
      %get3A_528 = tpu.vector_load %arg9[%get3A_526, %get3A_527] {strides = array<i32>} : memref<8x128xf32, #tpu.memory_space<vmem>>, vector<1x16xf32>,
      %get3A_529 = vector.shape_cast %get3A_528 : vector<1x16xf32> to vector<16xf32>
      %swap3A_530 = arith.constant 47 : i32
      %swap3A_531 = arith.index_cast %swap3A_530 : i32 to index
      %swap3A_532 = arith.constant 0 : index
      %swap3A_533 = tpu.vector_load %arg10[%swap3A_531, %swap3A_532] {strides = array<i32>} : memref<64x128xf32, #tpu.memory_space<vmem>>, vector<1x16xf32>,
      %swap3A_534 = vector.shape_cast %swap3A_533 : vector<1x16xf32> to vector<16xf32>
      %swap3A_535 = vector.shape_cast %get3A_529 : vector<16xf32> to vector<1x16xf32>
      tpu.vector_store %arg10[%swap3A_531, %swap3A_532], %swap3A_535 {strides = array<i32>} : memref<64x128xf32, #tpu.memory_space<vmem>>, vector<1x16xf32>,
      %get3A_536 = arith.constant 6 : i32
      %get3A_537 = arith.index_cast %get3A_536 : i32 to index
      %get3A_538 = arith.constant 0 : index
      %get3A_539 = tpu.vector_load %arg9[%get3A_537, %get3A_538] {strides = array<i32>} : memref<8x128xf32, #tpu.memory_space<vmem>>, vector<1x16xf32>,
      %get3A_540 = vector.shape_cast %get3A_539 : vector<1x16xf32> to vector<16xf32>
      %swap3A_541 = arith.constant 48 : i32
      %swap3A_542 = arith.index_cast %swap3A_541 : i32 to index
      %swap3A_543 = arith.constant 0 : index
      %swap3A_544 = tpu.vector_load %arg10[%swap3A_542, %swap3A_543] {strides = array<i32>} : memref<64x128xf32, #tpu.memory_space<vmem>>, vector<1x16xf32>,
      %swap3A_545 = vector.shape_cast %swap3A_544 : vector<1x16xf32> to vector<16xf32>
      %swap3A_546 = vector.shape_cast %get3A_540 : vector<16xf32> to vector<1x16xf32>
      tpu.vector_store %arg10[%swap3A_542, %swap3A_543], %swap3A_546 {strides = array<i32>} : memref<64x128xf32, #tpu.memory_space<vmem>>, vector<1x16xf32>,
      %get3A_547 = arith.constant 6 : i32
      %get3A_548 = arith.index_cast %get3A_547 : i32 to index
      %get3A_549 = arith.constant 16 : index
      %get3A_550 = tpu.vector_load %arg9[%get3A_548, %get3A_549] {strides = array<i32>} : memref<8x128xf32, #tpu.memory_space<vmem>>, vector<1x16xf32>,
      %get3A_551 = vector.shape_cast %get3A_550 : vector<1x16xf32> to vector<16xf32>
      %swap3A_552 = arith.constant 49 : i32
      %swap3A_553 = arith.index_cast %swap3A_552 : i32 to index
      %swap3A_554 = arith.constant 0 : index
      %swap3A_555 = tpu.vector_load %arg10[%swap3A_553, %swap3A_554] {strides = array<i32>} : memref<64x128xf32, #tpu.memory_space<vmem>>, vector<1x16xf32>,
      %swap3A_556 = vector.shape_cast %swap3A_555 : vector<1x16xf32> to vector<16xf32>
      %swap3A_557 = vector.shape_cast %get3A_551 : vector<16xf32> to vector<1x16xf32>
      tpu.vector_store %arg10[%swap3A_553, %swap3A_554], %swap3A_557 {strides = array<i32>} : memref<64x128xf32, #tpu.memory_space<vmem>>, vector<1x16xf32>,
      %get3A_558 = arith.constant 6 : i32
      %get3A_559 = arith.index_cast %get3A_558 : i32 to index
      %get3A_560 = arith.constant 32 : index
      %get3A_561 = tpu.vector_load %arg9[%get3A_559, %get3A_560] {strides = array<i32>} : memref<8x128xf32, #tpu.memory_space<vmem>>, vector<1x16xf32>,
      %get3A_562 = vector.shape_cast %get3A_561 : vector<1x16xf32> to vector<16xf32>
      %swap3A_563 = arith.constant 50 : i32
      %swap3A_564 = arith.index_cast %swap3A_563 : i32 to index
      %swap3A_565 = arith.constant 0 : index
      %swap3A_566 = tpu.vector_load %arg10[%swap3A_564, %swap3A_565] {strides = array<i32>} : memref<64x128xf32, #tpu.memory_space<vmem>>, vector<1x16xf32>,
      %swap3A_567 = vector.shape_cast %swap3A_566 : vector<1x16xf32> to vector<16xf32>
      %swap3A_568 = vector.shape_cast %get3A_562 : vector<16xf32> to vector<1x16xf32>
      tpu.vector_store %arg10[%swap3A_564, %swap3A_565], %swap3A_568 {strides = array<i32>} : memref<64x128xf32, #tpu.memory_space<vmem>>, vector<1x16xf32>,
      %get3A_569 = arith.constant 6 : i32
      %get3A_570 = arith.index_cast %get3A_569 : i32 to index
      %get3A_571 = arith.constant 48 : index
      %get3A_572 = tpu.vector_load %arg9[%get3A_570, %get3A_571] {strides = array<i32>} : memref<8x128xf32, #tpu.memory_space<vmem>>, vector<1x16xf32>,
      %get3A_573 = vector.shape_cast %get3A_572 : vector<1x16xf32> to vector<16xf32>
      %swap3A_574 = arith.constant 51 : i32
      %swap3A_575 = arith.index_cast %swap3A_574 : i32 to index
      %swap3A_576 = arith.constant 0 : index
      %swap3A_577 = tpu.vector_load %arg10[%swap3A_575, %swap3A_576] {strides = array<i32>} : memref<64x128xf32, #tpu.memory_space<vmem>>, vector<1x16xf32>,
      %swap3A_578 = vector.shape_cast %swap3A_577 : vector<1x16xf32> to vector<16xf32>
      %swap3A_579 = vector.shape_cast %get3A_573 : vector<16xf32> to vector<1x16xf32>
      tpu.vector_store %arg10[%swap3A_575, %swap3A_576], %swap3A_579 {strides = array<i32>} : memref<64x128xf32, #tpu.memory_space<vmem>>, vector<1x16xf32>,
      %get3A_580 = arith.constant 6 : i32
      %get3A_581 = arith.index_cast %get3A_580 : i32 to index
      %get3A_582 = arith.constant 64 : index
      %get3A_583 = tpu.vector_load %arg9[%get3A_581, %get3A_582] {strides = array<i32>} : memref<8x128xf32, #tpu.memory_space<vmem>>, vector<1x16xf32>,
      %get3A_584 = vector.shape_cast %get3A_583 : vector<1x16xf32> to vector<16xf32>
      %swap3A_585 = arith.constant 52 : i32
      %swap3A_586 = arith.index_cast %swap3A_585 : i32 to index
      %swap3A_587 = arith.constant 0 : index
      %swap3A_588 = tpu.vector_load %arg10[%swap3A_586, %swap3A_587] {strides = array<i32>} : memref<64x128xf32, #tpu.memory_space<vmem>>, vector<1x16xf32>,
      %swap3A_589 = vector.shape_cast %swap3A_588 : vector<1x16xf32> to vector<16xf32>
      %swap3A_590 = vector.shape_cast %get3A_584 : vector<16xf32> to vector<1x16xf32>
      tpu.vector_store %arg10[%swap3A_586, %swap3A_587], %swap3A_590 {strides = array<i32>} : memref<64x128xf32, #tpu.memory_space<vmem>>, vector<1x16xf32>,
      %get3A_591 = arith.constant 6 : i32
      %get3A_592 = arith.index_cast %get3A_591 : i32 to index
      %get3A_593 = arith.constant 80 : index
      %get3A_594 = tpu.vector_load %arg9[%get3A_592, %get3A_593] {strides = array<i32>} : memref<8x128xf32, #tpu.memory_space<vmem>>, vector<1x16xf32>,
      %get3A_595 = vector.shape_cast %get3A_594 : vector<1x16xf32> to vector<16xf32>
      %swap3A_596 = arith.constant 53 : i32
      %swap3A_597 = arith.index_cast %swap3A_596 : i32 to index
      %swap3A_598 = arith.constant 0 : index
      %swap3A_599 = tpu.vector_load %arg10[%swap3A_597, %swap3A_598] {strides = array<i32>} : memref<64x128xf32, #tpu.memory_space<vmem>>, vector<1x16xf32>,
      %swap3A_600 = vector.shape_cast %swap3A_599 : vector<1x16xf32> to vector<16xf32>
      %swap3A_601 = vector.shape_cast %get3A_595 : vector<16xf32> to vector<1x16xf32>
      tpu.vector_store %arg10[%swap3A_597, %swap3A_598], %swap3A_601 {strides = array<i32>} : memref<64x128xf32, #tpu.memory_space<vmem>>, vector<1x16xf32>,
      %get3A_602 = arith.constant 6 : i32
      %get3A_603 = arith.index_cast %get3A_602 : i32 to index
      %get3A_604 = arith.constant 96 : index
      %get3A_605 = tpu.vector_load %arg9[%get3A_603, %get3A_604] {strides = array<i32>} : memref<8x128xf32, #tpu.memory_space<vmem>>, vector<1x16xf32>,
      %get3A_606 = vector.shape_cast %get3A_605 : vector<1x16xf32> to vector<16xf32>
      %swap3A_607 = arith.constant 54 : i32
      %swap3A_608 = arith.index_cast %swap3A_607 : i32 to index
      %swap3A_609 = arith.constant 0 : index
      %swap3A_610 = tpu.vector_load %arg10[%swap3A_608, %swap3A_609] {strides = array<i32>} : memref<64x128xf32, #tpu.memory_space<vmem>>, vector<1x16xf32>,
      %swap3A_611 = vector.shape_cast %swap3A_610 : vector<1x16xf32> to vector<16xf32>
      %swap3A_612 = vector.shape_cast %get3A_606 : vector<16xf32> to vector<1x16xf32>
      tpu.vector_store %arg10[%swap3A_608, %swap3A_609], %swap3A_612 {strides = array<i32>} : memref<64x128xf32, #tpu.memory_space<vmem>>, vector<1x16xf32>,
      %get3A_613 = arith.constant 6 : i32
      %get3A_614 = arith.index_cast %get3A_613 : i32 to index
      %get3A_615 = arith.constant 112 : index
      %get3A_616 = tpu.vector_load %arg9[%get3A_614, %get3A_615] {strides = array<i32>} : memref<8x128xf32, #tpu.memory_space<vmem>>, vector<1x16xf32>,
      %get3A_617 = vector.shape_cast %get3A_616 : vector<1x16xf32> to vector<16xf32>
      %swap3A_618 = arith.constant 55 : i32
      %swap3A_619 = arith.index_cast %swap3A_618 : i32 to index
      %swap3A_620 = arith.constant 0 : index
      %swap3A_621 = tpu.vector_load %arg10[%swap3A_619, %swap3A_620] {strides = array<i32>} : memref<64x128xf32, #tpu.memory_space<vmem>>, vector<1x16xf32>,
      %swap3A_622 = vector.shape_cast %swap3A_621 : vector<1x16xf32> to vector<16xf32>
      %swap3A_623 = vector.shape_cast %get3A_617 : vector<16xf32> to vector<1x16xf32>
      tpu.vector_store %arg10[%swap3A_619, %swap3A_620], %swap3A_623 {strides = array<i32>} : memref<64x128xf32, #tpu.memory_space<vmem>>, vector<1x16xf32>,
      %get3A_624 = arith.constant 7 : i32
      %get3A_625 = arith.index_cast %get3A_624 : i32 to index
      %get3A_626 = arith.constant 0 : index
      %get3A_627 = tpu.vector_load %arg9[%get3A_625, %get3A_626] {strides = array<i32>} : memref<8x128xf32, #tpu.memory_space<vmem>>, vector<1x16xf32>,
      %get3A_628 = vector.shape_cast %get3A_627 : vector<1x16xf32> to vector<16xf32>
      %swap3A_629 = arith.constant 56 : i32
      %swap3A_630 = arith.index_cast %swap3A_629 : i32 to index
      %swap3A_631 = arith.constant 0 : index
      %swap3A_632 = tpu.vector_load %arg10[%swap3A_630, %swap3A_631] {strides = array<i32>} : memref<64x128xf32, #tpu.memory_space<vmem>>, vector<1x16xf32>,
      %swap3A_633 = vector.shape_cast %swap3A_632 : vector<1x16xf32> to vector<16xf32>
      %swap3A_634 = vector.shape_cast %get3A_628 : vector<16xf32> to vector<1x16xf32>
      tpu.vector_store %arg10[%swap3A_630, %swap3A_631], %swap3A_634 {strides = array<i32>} : memref<64x128xf32, #tpu.memory_space<vmem>>, vector<1x16xf32>,
      %get3A_635 = arith.constant 7 : i32
      %get3A_636 = arith.index_cast %get3A_635 : i32 to index
      %get3A_637 = arith.constant 16 : index
      %get3A_638 = tpu.vector_load %arg9[%get3A_636, %get3A_637] {strides = array<i32>} : memref<8x128xf32, #tpu.memory_space<vmem>>, vector<1x16xf32>,
      %get3A_639 = vector.shape_cast %get3A_638 : vector<1x16xf32> to vector<16xf32>
      %swap3A_640 = arith.constant 57 : i32
      %swap3A_641 = arith.index_cast %swap3A_640 : i32 to index
      %swap3A_642 = arith.constant 0 : index
      %swap3A_643 = tpu.vector_load %arg10[%swap3A_641, %swap3A_642] {strides = array<i32>} : memref<64x128xf32, #tpu.memory_space<vmem>>, vector<1x16xf32>,
      %swap3A_644 = vector.shape_cast %swap3A_643 : vector<1x16xf32> to vector<16xf32>
      %swap3A_645 = vector.shape_cast %get3A_639 : vector<16xf32> to vector<1x16xf32>
      tpu.vector_store %arg10[%swap3A_641, %swap3A_642], %swap3A_645 {strides = array<i32>} : memref<64x128xf32, #tpu.memory_space<vmem>>, vector<1x16xf32>,
      %get3A_646 = arith.constant 7 : i32
      %get3A_647 = arith.index_cast %get3A_646 : i32 to index
      %get3A_648 = arith.constant 32 : index
      %get3A_649 = tpu.vector_load %arg9[%get3A_647, %get3A_648] {strides = array<i32>} : memref<8x128xf32, #tpu.memory_space<vmem>>, vector<1x16xf32>,
      %get3A_650 = vector.shape_cast %get3A_649 : vector<1x16xf32> to vector<16xf32>
      %swap3A_651 = arith.constant 58 : i32
      %swap3A_652 = arith.index_cast %swap3A_651 : i32 to index
      %swap3A_653 = arith.constant 0 : index
      %swap3A_654 = tpu.vector_load %arg10[%swap3A_652, %swap3A_653] {strides = array<i32>} : memref<64x128xf32, #tpu.memory_space<vmem>>, vector<1x16xf32>,
      %swap3A_655 = vector.shape_cast %swap3A_654 : vector<1x16xf32> to vector<16xf32>
      %swap3A_656 = vector.shape_cast %get3A_650 : vector<16xf32> to vector<1x16xf32>
      tpu.vector_store %arg10[%swap3A_652, %swap3A_653], %swap3A_656 {strides = array<i32>} : memref<64x128xf32, #tpu.memory_space<vmem>>, vector<1x16xf32>,
      %get3A_657 = arith.constant 7 : i32
      %get3A_658 = arith.index_cast %get3A_657 : i32 to index
      %get3A_659 = arith.constant 48 : index
      %get3A_660 = tpu.vector_load %arg9[%get3A_658, %get3A_659] {strides = array<i32>} : memref<8x128xf32, #tpu.memory_space<vmem>>, vector<1x16xf32>,
      %get3A_661 = vector.shape_cast %get3A_660 : vector<1x16xf32> to vector<16xf32>
      %swap3A_662 = arith.constant 59 : i32
      %swap3A_663 = arith.index_cast %swap3A_662 : i32 to index
      %swap3A_664 = arith.constant 0 : index
      %swap3A_665 = tpu.vector_load %arg10[%swap3A_663, %swap3A_664] {strides = array<i32>} : memref<64x128xf32, #tpu.memory_space<vmem>>, vector<1x16xf32>,
      %swap3A_666 = vector.shape_cast %swap3A_665 : vector<1x16xf32> to vector<16xf32>
      %swap3A_667 = vector.shape_cast %get3A_661 : vector<16xf32> to vector<1x16xf32>
      tpu.vector_store %arg10[%swap3A_663, %swap3A_664], %swap3A_667 {strides = array<i32>} : memref<64x128xf32, #tpu.memory_space<vmem>>, vector<1x16xf32>,
      %get3A_668 = arith.constant 7 : i32
      %get3A_669 = arith.index_cast %get3A_668 : i32 to index
      %get3A_670 = arith.constant 64 : index
      %get3A_671 = tpu.vector_load %arg9[%get3A_669, %get3A_670] {strides = array<i32>} : memref<8x128xf32, #tpu.memory_space<vmem>>, vector<1x16xf32>,
      %get3A_672 = vector.shape_cast %get3A_671 : vector<1x16xf32> to vector<16xf32>
      %swap3A_673 = arith.constant 60 : i32
      %swap3A_674 = arith.index_cast %swap3A_673 : i32 to index
      %swap3A_675 = arith.constant 0 : index
      %swap3A_676 = tpu.vector_load %arg10[%swap3A_674, %swap3A_675] {strides = array<i32>} : memref<64x128xf32, #tpu.memory_space<vmem>>, vector<1x16xf32>,
      %swap3A_677 = vector.shape_cast %swap3A_676 : vector<1x16xf32> to vector<16xf32>
      %swap3A_678 = vector.shape_cast %get3A_672 : vector<16xf32> to vector<1x16xf32>
      tpu.vector_store %arg10[%swap3A_674, %swap3A_675], %swap3A_678 {strides = array<i32>} : memref<64x128xf32, #tpu.memory_space<vmem>>, vector<1x16xf32>,
      %get3A_679 = arith.constant 7 : i32
      %get3A_680 = arith.index_cast %get3A_679 : i32 to index
      %get3A_681 = arith.constant 80 : index
      %get3A_682 = tpu.vector_load %arg9[%get3A_680, %get3A_681] {strides = array<i32>} : memref<8x128xf32, #tpu.memory_space<vmem>>, vector<1x16xf32>,
      %get3A_683 = vector.shape_cast %get3A_682 : vector<1x16xf32> to vector<16xf32>
      %swap3A_684 = arith.constant 61 : i32
      %swap3A_685 = arith.index_cast %swap3A_684 : i32 to index
      %swap3A_686 = arith.constant 0 : index
      %swap3A_687 = tpu.vector_load %arg10[%swap3A_685, %swap3A_686] {strides = array<i32>} : memref<64x128xf32, #tpu.memory_space<vmem>>, vector<1x16xf32>,
      %swap3A_688 = vector.shape_cast %swap3A_687 : vector<1x16xf32> to vector<16xf32>
      %swap3A_689 = vector.shape_cast %get3A_683 : vector<16xf32> to vector<1x16xf32>
      tpu.vector_store %arg10[%swap3A_685, %swap3A_686], %swap3A_689 {strides = array<i32>} : memref<64x128xf32, #tpu.memory_space<vmem>>, vector<1x16xf32>,
      %get3A_690 = arith.constant 7 : i32
      %get3A_691 = arith.index_cast %get3A_690 : i32 to index
      %get3A_692 = arith.constant 96 : index
      %get3A_693 = tpu.vector_load %arg9[%get3A_691, %get3A_692] {strides = array<i32>} : memref<8x128xf32, #tpu.memory_space<vmem>>, vector<1x16xf32>,
      %get3A_694 = vector.shape_cast %get3A_693 : vector<1x16xf32> to vector<16xf32>
      %swap3A_695 = arith.constant 62 : i32
      %swap3A_696 = arith.index_cast %swap3A_695 : i32 to index
      %swap3A_697 = arith.constant 0 : index
      %swap3A_698 = tpu.vector_load %arg10[%swap3A_696, %swap3A_697] {strides = array<i32>} : memref<64x128xf32, #tpu.memory_space<vmem>>, vector<1x16xf32>,
      %swap3A_699 = vector.shape_cast %swap3A_698 : vector<1x16xf32> to vector<16xf32>
      %swap3A_700 = vector.shape_cast %get3A_694 : vector<16xf32> to vector<1x16xf32>
      tpu.vector_store %arg10[%swap3A_696, %swap3A_697], %swap3A_700 {strides = array<i32>} : memref<64x128xf32, #tpu.memory_space<vmem>>, vector<1x16xf32>,
      %get3A_701 = arith.constant 7 : i32
      %get3A_702 = arith.index_cast %get3A_701 : i32 to index
      %get3A_703 = arith.constant 112 : index
      %get3A_704 = tpu.vector_load %arg9[%get3A_702, %get3A_703] {strides = array<i32>} : memref<8x128xf32, #tpu.memory_space<vmem>>, vector<1x16xf32>,
      %get3A_705 = vector.shape_cast %get3A_704 : vector<1x16xf32> to vector<16xf32>
      %swap3A_706 = arith.constant 63 : i32
      %swap3A_707 = arith.index_cast %swap3A_706 : i32 to index
      %swap3A_708 = arith.constant 0 : index
      %swap3A_709 = tpu.vector_load %arg10[%swap3A_707, %swap3A_708] {strides = array<i32>} : memref<64x128xf32, #tpu.memory_space<vmem>>, vector<1x16xf32>,
      %swap3A_710 = vector.shape_cast %swap3A_709 : vector<1x16xf32> to vector<16xf32>
      %swap3A_711 = vector.shape_cast %get3A_705 : vector<16xf32> to vector<1x16xf32>
      tpu.vector_store %arg10[%swap3A_707, %swap3A_708], %swap3A_711 {strides = array<i32>} : memref<64x128xf32, #tpu.memory_space<vmem>>, vector<1x16xf32>,
      "tpu.region"() ({
        %run_scoped3A = tpu.sem_alloc : memref<!tpu.dma_semaphore, #tpu.memory_space<semaphore_mem>>
        %dma_start3A = arith.constant 0 : i32
        %dma_start3A_712 = tpu.memref_slice %arg8[%scan3A_9, %dma_start3A] : memref<158x64xi32, #tpu.memory_space<vmem>> -> memref<1x64xi32, #tpu.memory_space<vmem>>
        %dma_start3A_713 = tpu.memref_squeeze %dma_start3A_712 : memref<1x64xi32, #tpu.memory_space<vmem>> -> memref<64xi32, #tpu.memory_space<vmem>>
        %dma_start3A_714 = arith.constant 0 : i32
        %dma_start3A_715 = arith.constant 0 : i32
        %dma_start3A_716 = tpu.memref_slice %arg7[%dma_start3A_714, %dma_start3A_715] : memref<10240x128xf32, #tpu.memory_space<vmem_shared>> -> memref<10240x128xf32, #tpu.memory_space<vmem_shared>>
        tpu.enqueue_indirect_dma source(%arg10 : memref<64x128xf32, #tpu.memory_space<vmem>>) target(%dma_start3A_716 : memref<10240x128xf32, #tpu.memory_space<vmem_shared>>) offsets(%dma_start3A_713 : memref<64xi32, #tpu.memory_space<vmem>>) semaphore(%run_scoped3A : memref<!tpu.dma_semaphore, #tpu.memory_space<semaphore_mem>>) {add = true}
        %dma_wait3A = arith.constant 0 : i32
        %dma_wait3A_717 = tpu.memref_slice %arg8[%scan3A_9, %dma_wait3A] : memref<158x64xi32, #tpu.memory_space<vmem>> -> memref<1x64xi32, #tpu.memory_space<vmem>>
        %dma_wait3A_718 = tpu.memref_squeeze %dma_wait3A_717 : memref<1x64xi32, #tpu.memory_space<vmem>> -> memref<64xi32, #tpu.memory_space<vmem>>
        %dma_wait3A_719 = arith.constant 0 : i32
        %dma_wait3A_720 = arith.constant 0 : i32
        %dma_wait3A_721 = tpu.memref_slice %arg7[%dma_wait3A_719, %dma_wait3A_720] : memref<10240x128xf32, #tpu.memory_space<vmem_shared>> -> memref<10240x128xf32, #tpu.memory_space<vmem_shared>>
        tpu.wait_indirect_dma semaphore(%run_scoped3A : memref<!tpu.dma_semaphore, #tpu.memory_space<semaphore_mem>>) src(%arg10 : memref<64x128xf32, #tpu.memory_space<vmem>>) dst(%dma_wait3A_721 : memref<10240x128xf32, #tpu.memory_space<vmem_shared>>)
        tpu.yield
      }) : () -> ()
    }
    %scan3A_7 = arith.constant 158 : i32
    %barrier3A_8 = arith.constant 0 : index
    tpu.barrier barrier_id(%barrier3A_8)
    "tpu.region"() ({
      %run_scoped3A = tpu.sem_alloc : memref<!tpu.dma_semaphore, #tpu.memory_space<semaphore_mem>>
      %dma_start3A = arith.constant 0 : i32
      %dma_start3A_9 = tpu.memref_slice %arg6[%arg0, %mul3A_2, %dma_start3A] : memref<2x10240x128xf32, #tpu.memory_space<hbm>> -> memref<1x640x128xf32, #tpu.memory_space<hbm>>
      %dma_start3A_10 = tpu.memref_squeeze %dma_start3A_9 : memref<1x640x128xf32, #tpu.memory_space<hbm>> -> memref<640x128xf32, #tpu.memory_space<hbm>>
      %dma_start3A_11 = arith.constant 0 : i32
      %dma_start3A_12 = tpu.memref_slice %arg7[%mul3A_2, %dma_start3A_11] : memref<10240x128xf32, #tpu.memory_space<vmem_shared>> -> memref<640x128xf32, #tpu.memory_space<vmem_shared>>
      tpu.enqueue_dma source(%dma_start3A_12 : memref<640x128xf32, #tpu.memory_space<vmem_shared>>) target(%dma_start3A_10 : memref<640x128xf32, #tpu.memory_space<hbm>>) target_semaphore(%run_scoped3A : memref<!tpu.dma_semaphore, #tpu.memory_space<semaphore_mem>>)
      %dma_wait3A = arith.constant 0 : i32
      %dma_wait3A_13 = tpu.memref_slice %arg6[%arg0, %mul3A_2, %dma_wait3A] : memref<2x10240x128xf32, #tpu.memory_space<hbm>> -> memref<1x640x128xf32, #tpu.memory_space<hbm>>
      %dma_wait3A_14 = tpu.memref_squeeze %dma_wait3A_13 : memref<1x640x128xf32, #tpu.memory_space<hbm>> -> memref<640x128xf32, #tpu.memory_space<hbm>>
      %dma_wait3A_15 = arith.constant 0 : i32
      %dma_wait3A_16 = tpu.memref_slice %arg7[%mul3A_2, %dma_wait3A_15] : memref<10240x128xf32, #tpu.memory_space<vmem_shared>> -> memref<640x128xf32, #tpu.memory_space<vmem_shared>>
      tpu.wait_dma2 semaphore(%run_scoped3A : memref<!tpu.dma_semaphore, #tpu.memory_space<semaphore_mem>>) src(%dma_wait3A_16 : memref<640x128xf32, #tpu.memory_space<vmem_shared>>) dst(%dma_wait3A_14 : memref<640x128xf32, #tpu.memory_space<hbm>>)
      tpu.yield
    }) : () -> ()
    return
  }
}

#map = affine_map<(d0, d1) -> (0, 0, 0, 0)>
#map1 = affine_map<(d0, d1) -> (0, 0, 0)>
#map2 = affine_map<(d0, d1) -> (0, 0)>
module attributes {stable_mosaic.version = 14 : i64} {
  func.func @body(%arg0: i32, %arg1: i32, %arg2: memref<32x158x8x128xf32, #tpu.memory_space<hbm>>, %arg3: memref<32x158x64xi32, #tpu.memory_space<hbm>>, %arg4: memref<640x128xf32, #tpu.memory_space<hbm>>, %arg5: memref<64x128xf32, #tpu.memory_space<hbm>>, %arg6: memref<2x10240x128xf32, #tpu.memory_space<hbm>>, %arg7: memref<10240x128xf32, #tpu.memory_space<vmem_shared>>, %arg8: memref<158x64xi32, #tpu.memory_space<vmem>>, %arg9: memref<8x128xf32, #tpu.memory_space<vmem>>, %arg10: memref<64x128xf32, #tpu.memory_space<vmem>>) attributes {dimension_semantics = [#tpu.dimension_semantics<core_parallel>, #tpu.dimension_semantics<subcore_parallel>], iteration_bounds = array<i64: 2, 16>, scalar_prefetch = 0 : i64, scratch_operands = 4 : i64, tpu.core_type = #tpu.core_type<sc_vector_subcore>, window_params = [{transform_indices = #map}, {transform_indices = #map1}, {transform_indices = #map2}, {transform_indices = #map2}, {transform_indices = #map1}]} {
    %mul3A = arith.constant 16 : i32
    %mul3A_0 = arith.muli %arg0, %mul3A : i32
    %add3A = arith.addi %mul3A_0, %arg1 : i32
    %mul3A_1 = arith.constant 640 : i32
    %mul3A_2 = arith.muli %arg1, %mul3A_1 : i32
    "tpu.region"() ({
      %run_scoped3A = tpu.sem_alloc : memref<!tpu.dma_semaphore, #tpu.memory_space<semaphore_mem>>
      %dma_start3A = arith.constant 0 : i32
      %dma_start3A_9 = tpu.memref_slice %arg7[%mul3A_2, %dma_start3A] : memref<10240x128xf32, #tpu.memory_space<vmem_shared>> -> memref<640x128xf32, #tpu.memory_space<vmem_shared>>
      tpu.enqueue_dma source(%arg4 : memref<640x128xf32, #tpu.memory_space<hbm>>) target(%dma_start3A_9 : memref<640x128xf32, #tpu.memory_space<vmem_shared>>) target_semaphore(%run_scoped3A : memref<!tpu.dma_semaphore, #tpu.memory_space<semaphore_mem>>)
      %dma_wait3A = arith.constant 0 : i32
      %dma_wait3A_10 = tpu.memref_slice %arg7[%mul3A_2, %dma_wait3A] : memref<10240x128xf32, #tpu.memory_space<vmem_shared>> -> memref<640x128xf32, #tpu.memory_space<vmem_shared>>
      tpu.wait_dma2 semaphore(%run_scoped3A : memref<!tpu.dma_semaphore, #tpu.memory_space<semaphore_mem>>) src(%arg4 : memref<640x128xf32, #tpu.memory_space<hbm>>) dst(%dma_wait3A_10 : memref<640x128xf32, #tpu.memory_space<vmem_shared>>)
      tpu.yield
    }) : () -> ()
    "tpu.region"() ({
      %run_scoped3A = tpu.sem_alloc : memref<!tpu.dma_semaphore, #tpu.memory_space<semaphore_mem>>
      %dma_start3A = arith.constant 0 : i32
      %dma_start3A_9 = arith.constant 0 : i32
      %dma_start3A_10 = tpu.memref_slice %arg3[%add3A, %dma_start3A, %dma_start3A_9] : memref<32x158x64xi32, #tpu.memory_space<hbm>> -> memref<1x158x64xi32, #tpu.memory_space<hbm>>
      %dma_start3A_11 = tpu.memref_squeeze %dma_start3A_10 : memref<1x158x64xi32, #tpu.memory_space<hbm>> -> memref<158x64xi32, #tpu.memory_space<hbm>>
      %dma_start3A_12 = arith.constant 0 : i32
      %dma_start3A_13 = arith.constant 0 : i32
      %dma_start3A_14 = tpu.memref_slice %arg3[%add3A, %dma_start3A_12, %dma_start3A_13] : memref<32x158x64xi32, #tpu.memory_space<hbm>> -> memref<1x158x64xi32, #tpu.memory_space<hbm>>
      %dma_start3A_15 = tpu.memref_squeeze %dma_start3A_14 : memref<1x158x64xi32, #tpu.memory_space<hbm>> -> memref<158x64xi32, #tpu.memory_space<hbm>>
      tpu.enqueue_dma source(%dma_start3A_15 : memref<158x64xi32, #tpu.memory_space<hbm>>) target(%arg8 : memref<158x64xi32, #tpu.memory_space<vmem>>) target_semaphore(%run_scoped3A : memref<!tpu.dma_semaphore, #tpu.memory_space<semaphore_mem>>)
      %dma_wait3A = arith.constant 0 : i32
      %dma_wait3A_16 = arith.constant 0 : i32
      %dma_wait3A_17 = tpu.memref_slice %arg3[%add3A, %dma_wait3A, %dma_wait3A_16] : memref<32x158x64xi32, #tpu.memory_space<hbm>> -> memref<1x158x64xi32, #tpu.memory_space<hbm>>
      %dma_wait3A_18 = tpu.memref_squeeze %dma_wait3A_17 : memref<1x158x64xi32, #tpu.memory_space<hbm>> -> memref<158x64xi32, #tpu.memory_space<hbm>>
      %dma_wait3A_19 = arith.constant 0 : i32
      %dma_wait3A_20 = arith.constant 0 : i32
      %dma_wait3A_21 = tpu.memref_slice %arg3[%add3A, %dma_wait3A_19, %dma_wait3A_20] : memref<32x158x64xi32, #tpu.memory_space<hbm>> -> memref<1x158x64xi32, #tpu.memory_space<hbm>>
      %dma_wait3A_22 = tpu.memref_squeeze %dma_wait3A_21 : memref<1x158x64xi32, #tpu.memory_space<hbm>> -> memref<158x64xi32, #tpu.memory_space<hbm>>
      tpu.wait_dma2 semaphore(%run_scoped3A : memref<!tpu.dma_semaphore, #tpu.memory_space<semaphore_mem>>) src(%dma_wait3A_22 : memref<158x64xi32, #tpu.memory_space<hbm>>) dst(%arg8 : memref<158x64xi32, #tpu.memory_space<vmem>>)
      tpu.yield
    }) : () -> ()
    "tpu.region"() ({
      %run_scoped3A = tpu.sem_alloc : memref<!tpu.dma_semaphore, #tpu.memory_space<semaphore_mem>>
      tpu.enqueue_dma source(%arg5 : memref<64x128xf32, #tpu.memory_space<hbm>>) target(%arg10 : memref<64x128xf32, #tpu.memory_space<vmem>>) target_semaphore(%run_scoped3A : memref<!tpu.dma_semaphore, #tpu.memory_space<semaphore_mem>>)
      tpu.wait_dma2 semaphore(%run_scoped3A : memref<!tpu.dma_semaphore, #tpu.memory_space<semaphore_mem>>) src(%arg5 : memref<64x128xf32, #tpu.memory_space<hbm>>) dst(%arg10 : memref<64x128xf32, #tpu.memory_space<vmem>>)
      tpu.yield
    }) : () -> ()
    %barrier3A = arith.constant 0 : index
    tpu.barrier barrier_id(%barrier3A)
    %scan3A = arith.constant 0 : i32
    %scan3A_3 = arith.constant 0 : i32
    %scan3A_4 = arith.constant 158 : i32
    %scan3A_5 = arith.addi %scan3A_3, %scan3A_4 : i32
    %scan3A_6 = arith.constant 1 : i32
    scf.for %scan3A_9 = %scan3A_3 to %scan3A_5 step %scan3A_6  : i32 {
      "tpu.region"() ({
        %run_scoped3A = tpu.sem_alloc : memref<!tpu.dma_semaphore, #tpu.memory_space<semaphore_mem>>
        %dma_start3A = arith.constant 0 : i32
        %dma_start3A_712 = arith.constant 0 : i32
        %dma_start3A_713 = tpu.memref_slice %arg2[%add3A, %scan3A_9, %dma_start3A, %dma_start3A_712] : memref<32x158x8x128xf32, #tpu.memory_space<hbm>> -> memref<1x1x8x128xf32, #tpu.memory_space<hbm>>
        %dma_start3A_714 = tpu.memref_squeeze %dma_start3A_713 : memref<1x1x8x128xf32, #tpu.memory_space<hbm>> -> memref<8x128xf32, #tpu.memory_space<hbm>>
        %dma_start3A_715 = arith.constant 0 : i32
        %dma_start3A_716 = arith.constant 0 : i32
        %dma_start3A_717 = tpu.memref_slice %arg2[%add3A, %scan3A_9, %dma_start3A_715, %dma_start3A_716] : memref<32x158x8x128xf32, #tpu.memory_space<hbm>> -> memref<1x1x8x128xf32, #tpu.memory_space<hbm>>
        %dma_start3A_718 = tpu.memref_squeeze %dma_start3A_717 : memref<1x1x8x128xf32, #tpu.memory_space<hbm>> -> memref<8x128xf32, #tpu.memory_space<hbm>>
        tpu.enqueue_dma source(%dma_start3A_718 : memref<8x128xf32, #tpu.memory_space<hbm>>) target(%arg9 : memref<8x128xf32, #tpu.memory_space<vmem>>) target_semaphore(%run_scoped3A : memref<!tpu.dma_semaphore, #tpu.memory_space<semaphore_mem>>)
        %dma_wait3A = arith.constant 0 : i32
        %dma_wait3A_719 = arith.constant 0 : i32
        %dma_wait3A_720 = tpu.memref_slice %arg2[%add3A, %scan3A_9, %dma_wait3A, %dma_wait3A_719] : memref<32x158x8x128xf32, #tpu.memory_space<hbm>> -> memref<1x1x8x128xf32, #tpu.memory_space<hbm>>
        %dma_wait3A_721 = tpu.memref_squeeze %dma_wait3A_720 : memref<1x1x8x128xf32, #tpu.memory_space<hbm>> -> memref<8x128xf32, #tpu.memory_space<hbm>>
        %dma_wait3A_722 = arith.constant 0 : i32
        %dma_wait3A_723 = arith.constant 0 : i32
        %dma_wait3A_724 = tpu.memref_slice %arg2[%add3A, %scan3A_9, %dma_wait3A_722, %dma_wait3A_723] : memref<32x158x8x128xf32, #tpu.memory_space<hbm>> -> memref<1x1x8x128xf32, #tpu.memory_space<hbm>>
        %dma_wait3A_725 = tpu.memref_squeeze %dma_wait3A_724 : memref<1x1x8x128xf32, #tpu.memory_space<hbm>> -> memref<8x128xf32, #tpu.memory_space<hbm>>
        tpu.wait_dma2 semaphore(%run_scoped3A : memref<!tpu.dma_semaphore, #tpu.memory_space<semaphore_mem>>) src(%dma_wait3A_725 : memref<8x128xf32, #tpu.memory_space<hbm>>) dst(%arg9 : memref<8x128xf32, #tpu.memory_space<vmem>>)
        tpu.yield
      }) : () -> ()
      %get3A = arith.constant 0 : i32
      %get3A_10 = arith.index_cast %get3A : i32 to index
      %get3A_11 = arith.constant 0 : index
      %get3A_12 = tpu.vector_load %arg9[%get3A_10, %get3A_11] {strides = array<i32>} : memref<8x128xf32, #tpu.memory_space<vmem>>, vector<1x16xf32>,
      %get3A_13 = vector.shape_cast %get3A_12 : vector<1x16xf32> to vector<16xf32>
      %swap3A = arith.constant 0 : i32
      %swap3A_14 = arith.index_cast %swap3A : i32 to index
      %swap3A_15 = arith.constant 0 : index
      %swap3A_16 = tpu.vector_load %arg10[%swap3A_14, %swap3A_15] {strides = array<i32>} : memref<64x128xf32, #tpu.memory_space<vmem>>, vector<1x16xf32>,
      %swap3A_17 = vector.shape_cast %swap3A_16 : vector<1x16xf32> to vector<16xf32>
      %swap3A_18 = vector.shape_cast %get3A_13 : vector<16xf32> to vector<1x16xf32>
      tpu.vector_store %arg10[%swap3A_14, %swap3A_15], %swap3A_18 {strides = array<i32>} : memref<64x128xf32, #tpu.memory_space<vmem>>, vector<1x16xf32>,
      %get3A_19 = arith.constant 0 : i32
      %get3A_20 = arith.index_cast %get3A_19 : i32 to index
      %get3A_21 = arith.constant 16 : index
      %get3A_22 = tpu.vector_load %arg9[%get3A_20, %get3A_21] {strides = array<i32>} : memref<8x128xf32, #tpu.memory_space<vmem>>, vector<1x16xf32>,
      %get3A_23 = vector.shape_cast %get3A_22 : vector<1x16xf32> to vector<16xf32>
      %swap3A_24 = arith.constant 1 : i32
      %swap3A_25 = arith.index_cast %swap3A_24 : i32 to index
      %swap3A_26 = arith.constant 0 : index
      %swap3A_27 = tpu.vector_load %arg10[%swap3A_25, %swap3A_26] {strides = array<i32>} : memref<64x128xf32, #tpu.memory_space<vmem>>, vector<1x16xf32>,
      %swap3A_28 = vector.shape_cast %swap3A_27 : vector<1x16xf32> to vector<16xf32>
      %swap3A_29 = vector.shape_cast %get3A_23 : vector<16xf32> to vector<1x16xf32>
      tpu.vector_store %arg10[%swap3A_25, %swap3A_26], %swap3A_29 {strides = array<i32>} : memref<64x128xf32, #tpu.memory_space<vmem>>, vector<1x16xf32>,
      %get3A_30 = arith.constant 0 : i32
      %get3A_31 = arith.index_cast %get3A_30 : i32 to index
      %get3A_32 = arith.constant 32 : index
      %get3A_33 = tpu.vector_load %arg9[%get3A_31, %get3A_32] {strides = array<i32>} : memref<8x128xf32, #tpu.memory_space<vmem>>, vector<1x16xf32>,
      %get3A_34 = vector.shape_cast %get3A_33 : vector<1x16xf32> to vector<16xf32>
      %swap3A_35 = arith.constant 2 : i32
      %swap3A_36 = arith.index_cast %swap3A_35 : i32 to index
      %swap3A_37 = arith.constant 0 : index
      %swap3A_38 = tpu.vector_load %arg10[%swap3A_36, %swap3A_37] {strides = array<i32>} : memref<64x128xf32, #tpu.memory_space<vmem>>, vector<1x16xf32>,
      %swap3A_39 = vector.shape_cast %swap3A_38 : vector<1x16xf32> to vector<16xf32>
      %swap3A_40 = vector.shape_cast %get3A_34 : vector<16xf32> to vector<1x16xf32>
      tpu.vector_store %arg10[%swap3A_36, %swap3A_37], %swap3A_40 {strides = array<i32>} : memref<64x128xf32, #tpu.memory_space<vmem>>, vector<1x16xf32>,
      %get3A_41 = arith.constant 0 : i32
      %get3A_42 = arith.index_cast %get3A_41 : i32 to index
      %get3A_43 = arith.constant 48 : index
      %get3A_44 = tpu.vector_load %arg9[%get3A_42, %get3A_43] {strides = array<i32>} : memref<8x128xf32, #tpu.memory_space<vmem>>, vector<1x16xf32>,
      %get3A_45 = vector.shape_cast %get3A_44 : vector<1x16xf32> to vector<16xf32>
      %swap3A_46 = arith.constant 3 : i32
      %swap3A_47 = arith.index_cast %swap3A_46 : i32 to index
      %swap3A_48 = arith.constant 0 : index
      %swap3A_49 = tpu.vector_load %arg10[%swap3A_47, %swap3A_48] {strides = array<i32>} : memref<64x128xf32, #tpu.memory_space<vmem>>, vector<1x16xf32>,
      %swap3A_50 = vector.shape_cast %swap3A_49 : vector<1x16xf32> to vector<16xf32>
      %swap3A_51 = vector.shape_cast %get3A_45 : vector<16xf32> to vector<1x16xf32>
      tpu.vector_store %arg10[%swap3A_47, %swap3A_48], %swap3A_51 {strides = array<i32>} : memref<64x128xf32, #tpu.memory_space<vmem>>, vector<1x16xf32>,
      %get3A_52 = arith.constant 0 : i32
      %get3A_53 = arith.index_cast %get3A_52 : i32 to index
      %get3A_54 = arith.constant 64 : index
      %get3A_55 = tpu.vector_load %arg9[%get3A_53, %get3A_54] {strides = array<i32>} : memref<8x128xf32, #tpu.memory_space<vmem>>, vector<1x16xf32>,
      %get3A_56 = vector.shape_cast %get3A_55 : vector<1x16xf32> to vector<16xf32>
      %swap3A_57 = arith.constant 4 : i32
      %swap3A_58 = arith.index_cast %swap3A_57 : i32 to index
      %swap3A_59 = arith.constant 0 : index
      %swap3A_60 = tpu.vector_load %arg10[%swap3A_58, %swap3A_59] {strides = array<i32>} : memref<64x128xf32, #tpu.memory_space<vmem>>, vector<1x16xf32>,
      %swap3A_61 = vector.shape_cast %swap3A_60 : vector<1x16xf32> to vector<16xf32>
      %swap3A_62 = vector.shape_cast %get3A_56 : vector<16xf32> to vector<1x16xf32>
      tpu.vector_store %arg10[%swap3A_58, %swap3A_59], %swap3A_62 {strides = array<i32>} : memref<64x128xf32, #tpu.memory_space<vmem>>, vector<1x16xf32>,
      %get3A_63 = arith.constant 0 : i32
      %get3A_64 = arith.index_cast %get3A_63 : i32 to index
      %get3A_65 = arith.constant 80 : index
      %get3A_66 = tpu.vector_load %arg9[%get3A_64, %get3A_65] {strides = array<i32>} : memref<8x128xf32, #tpu.memory_space<vmem>>, vector<1x16xf32>,
      %get3A_67 = vector.shape_cast %get3A_66 : vector<1x16xf32> to vector<16xf32>
      %swap3A_68 = arith.constant 5 : i32
      %swap3A_69 = arith.index_cast %swap3A_68 : i32 to index
      %swap3A_70 = arith.constant 0 : index
      %swap3A_71 = tpu.vector_load %arg10[%swap3A_69, %swap3A_70] {strides = array<i32>} : memref<64x128xf32, #tpu.memory_space<vmem>>, vector<1x16xf32>,
      %swap3A_72 = vector.shape_cast %swap3A_71 : vector<1x16xf32> to vector<16xf32>
      %swap3A_73 = vector.shape_cast %get3A_67 : vector<16xf32> to vector<1x16xf32>
      tpu.vector_store %arg10[%swap3A_69, %swap3A_70], %swap3A_73 {strides = array<i32>} : memref<64x128xf32, #tpu.memory_space<vmem>>, vector<1x16xf32>,
      %get3A_74 = arith.constant 0 : i32
      %get3A_75 = arith.index_cast %get3A_74 : i32 to index
      %get3A_76 = arith.constant 96 : index
      %get3A_77 = tpu.vector_load %arg9[%get3A_75, %get3A_76] {strides = array<i32>} : memref<8x128xf32, #tpu.memory_space<vmem>>, vector<1x16xf32>,
      %get3A_78 = vector.shape_cast %get3A_77 : vector<1x16xf32> to vector<16xf32>
      %swap3A_79 = arith.constant 6 : i32
      %swap3A_80 = arith.index_cast %swap3A_79 : i32 to index
      %swap3A_81 = arith.constant 0 : index
      %swap3A_82 = tpu.vector_load %arg10[%swap3A_80, %swap3A_81] {strides = array<i32>} : memref<64x128xf32, #tpu.memory_space<vmem>>, vector<1x16xf32>,
      %swap3A_83 = vector.shape_cast %swap3A_82 : vector<1x16xf32> to vector<16xf32>
      %swap3A_84 = vector.shape_cast %get3A_78 : vector<16xf32> to vector<1x16xf32>
      tpu.vector_store %arg10[%swap3A_80, %swap3A_81], %swap3A_84 {strides = array<i32>} : memref<64x128xf32, #tpu.memory_space<vmem>>, vector<1x16xf32>,
      %get3A_85 = arith.constant 0 : i32
      %get3A_86 = arith.index_cast %get3A_85 : i32 to index
      %get3A_87 = arith.constant 112 : index
      %get3A_88 = tpu.vector_load %arg9[%get3A_86, %get3A_87] {strides = array<i32>} : memref<8x128xf32, #tpu.memory_space<vmem>>, vector<1x16xf32>,
      %get3A_89 = vector.shape_cast %get3A_88 : vector<1x16xf32> to vector<16xf32>
      %swap3A_90 = arith.constant 7 : i32
      %swap3A_91 = arith.index_cast %swap3A_90 : i32 to index
      %swap3A_92 = arith.constant 0 : index
      %swap3A_93 = tpu.vector_load %arg10[%swap3A_91, %swap3A_92] {strides = array<i32>} : memref<64x128xf32, #tpu.memory_space<vmem>>, vector<1x16xf32>,
      %swap3A_94 = vector.shape_cast %swap3A_93 : vector<1x16xf32> to vector<16xf32>
      %swap3A_95 = vector.shape_cast %get3A_89 : vector<16xf32> to vector<1x16xf32>
      tpu.vector_store %arg10[%swap3A_91, %swap3A_92], %swap3A_95 {strides = array<i32>} : memref<64x128xf32, #tpu.memory_space<vmem>>, vector<1x16xf32>,
      %get3A_96 = arith.constant 1 : i32
      %get3A_97 = arith.index_cast %get3A_96 : i32 to index
      %get3A_98 = arith.constant 0 : index
      %get3A_99 = tpu.vector_load %arg9[%get3A_97, %get3A_98] {strides = array<i32>} : memref<8x128xf32, #tpu.memory_space<vmem>>, vector<1x16xf32>,
      %get3A_100 = vector.shape_cast %get3A_99 : vector<1x16xf32> to vector<16xf32>
      %swap3A_101 = arith.constant 8 : i32
      %swap3A_102 = arith.index_cast %swap3A_101 : i32 to index
      %swap3A_103 = arith.constant 0 : index
      %swap3A_104 = tpu.vector_load %arg10[%swap3A_102, %swap3A_103] {strides = array<i32>} : memref<64x128xf32, #tpu.memory_space<vmem>>, vector<1x16xf32>,
      %swap3A_105 = vector.shape_cast %swap3A_104 : vector<1x16xf32> to vector<16xf32>
      %swap3A_106 = vector.shape_cast %get3A_100 : vector<16xf32> to vector<1x16xf32>
      tpu.vector_store %arg10[%swap3A_102, %swap3A_103], %swap3A_106 {strides = array<i32>} : memref<64x128xf32, #tpu.memory_space<vmem>>, vector<1x16xf32>,
      %get3A_107 = arith.constant 1 : i32
      %get3A_108 = arith.index_cast %get3A_107 : i32 to index
      %get3A_109 = arith.constant 16 : index
      %get3A_110 = tpu.vector_load %arg9[%get3A_108, %get3A_109] {strides = array<i32>} : memref<8x128xf32, #tpu.memory_space<vmem>>, vector<1x16xf32>,
      %get3A_111 = vector.shape_cast %get3A_110 : vector<1x16xf32> to vector<16xf32>
      %swap3A_112 = arith.constant 9 : i32
      %swap3A_113 = arith.index_cast %swap3A_112 : i32 to index
      %swap3A_114 = arith.constant 0 : index
      %swap3A_115 = tpu.vector_load %arg10[%swap3A_113, %swap3A_114] {strides = array<i32>} : memref<64x128xf32, #tpu.memory_space<vmem>>, vector<1x16xf32>,
      %swap3A_116 = vector.shape_cast %swap3A_115 : vector<1x16xf32> to vector<16xf32>
      %swap3A_117 = vector.shape_cast %get3A_111 : vector<16xf32> to vector<1x16xf32>
      tpu.vector_store %arg10[%swap3A_113, %swap3A_114], %swap3A_117 {strides = array<i32>} : memref<64x128xf32, #tpu.memory_space<vmem>>, vector<1x16xf32>,
      %get3A_118 = arith.constant 1 : i32
      %get3A_119 = arith.index_cast %get3A_118 : i32 to index
      %get3A_120 = arith.constant 32 : index
      %get3A_121 = tpu.vector_load %arg9[%get3A_119, %get3A_120] {strides = array<i32>} : memref<8x128xf32, #tpu.memory_space<vmem>>, vector<1x16xf32>,
      %get3A_122 = vector.shape_cast %get3A_121 : vector<1x16xf32> to vector<16xf32>
      %swap3A_123 = arith.constant 10 : i32
      %swap3A_124 = arith.index_cast %swap3A_123 : i32 to index
      %swap3A_125 = arith.constant 0 : index
      %swap3A_126 = tpu.vector_load %arg10[%swap3A_124, %swap3A_125] {strides = array<i32>} : memref<64x128xf32, #tpu.memory_space<vmem>>, vector<1x16xf32>,
      %swap3A_127 = vector.shape_cast %swap3A_126 : vector<1x16xf32> to vector<16xf32>
      %swap3A_128 = vector.shape_cast %get3A_122 : vector<16xf32> to vector<1x16xf32>
      tpu.vector_store %arg10[%swap3A_124, %swap3A_125], %swap3A_128 {strides = array<i32>} : memref<64x128xf32, #tpu.memory_space<vmem>>, vector<1x16xf32>,
      %get3A_129 = arith.constant 1 : i32
      %get3A_130 = arith.index_cast %get3A_129 : i32 to index
      %get3A_131 = arith.constant 48 : index
      %get3A_132 = tpu.vector_load %arg9[%get3A_130, %get3A_131] {strides = array<i32>} : memref<8x128xf32, #tpu.memory_space<vmem>>, vector<1x16xf32>,
      %get3A_133 = vector.shape_cast %get3A_132 : vector<1x16xf32> to vector<16xf32>
      %swap3A_134 = arith.constant 11 : i32
      %swap3A_135 = arith.index_cast %swap3A_134 : i32 to index
      %swap3A_136 = arith.constant 0 : index
      %swap3A_137 = tpu.vector_load %arg10[%swap3A_135, %swap3A_136] {strides = array<i32>} : memref<64x128xf32, #tpu.memory_space<vmem>>, vector<1x16xf32>,
      %swap3A_138 = vector.shape_cast %swap3A_137 : vector<1x16xf32> to vector<16xf32>
      %swap3A_139 = vector.shape_cast %get3A_133 : vector<16xf32> to vector<1x16xf32>
      tpu.vector_store %arg10[%swap3A_135, %swap3A_136], %swap3A_139 {strides = array<i32>} : memref<64x128xf32, #tpu.memory_space<vmem>>, vector<1x16xf32>,
      %get3A_140 = arith.constant 1 : i32
      %get3A_141 = arith.index_cast %get3A_140 : i32 to index
      %get3A_142 = arith.constant 64 : index
      %get3A_143 = tpu.vector_load %arg9[%get3A_141, %get3A_142] {strides = array<i32>} : memref<8x128xf32, #tpu.memory_space<vmem>>, vector<1x16xf32>,
      %get3A_144 = vector.shape_cast %get3A_143 : vector<1x16xf32> to vector<16xf32>
      %swap3A_145 = arith.constant 12 : i32
      %swap3A_146 = arith.index_cast %swap3A_145 : i32 to index
      %swap3A_147 = arith.constant 0 : index
      %swap3A_148 = tpu.vector_load %arg10[%swap3A_146, %swap3A_147] {strides = array<i32>} : memref<64x128xf32, #tpu.memory_space<vmem>>, vector<1x16xf32>,
      %swap3A_149 = vector.shape_cast %swap3A_148 : vector<1x16xf32> to vector<16xf32>
      %swap3A_150 = vector.shape_cast %get3A_144 : vector<16xf32> to vector<1x16xf32>
      tpu.vector_store %arg10[%swap3A_146, %swap3A_147], %swap3A_150 {strides = array<i32>} : memref<64x128xf32, #tpu.memory_space<vmem>>, vector<1x16xf32>,
      %get3A_151 = arith.constant 1 : i32
      %get3A_152 = arith.index_cast %get3A_151 : i32 to index
      %get3A_153 = arith.constant 80 : index
      %get3A_154 = tpu.vector_load %arg9[%get3A_152, %get3A_153] {strides = array<i32>} : memref<8x128xf32, #tpu.memory_space<vmem>>, vector<1x16xf32>,
      %get3A_155 = vector.shape_cast %get3A_154 : vector<1x16xf32> to vector<16xf32>
      %swap3A_156 = arith.constant 13 : i32
      %swap3A_157 = arith.index_cast %swap3A_156 : i32 to index
      %swap3A_158 = arith.constant 0 : index
      %swap3A_159 = tpu.vector_load %arg10[%swap3A_157, %swap3A_158] {strides = array<i32>} : memref<64x128xf32, #tpu.memory_space<vmem>>, vector<1x16xf32>,
      %swap3A_160 = vector.shape_cast %swap3A_159 : vector<1x16xf32> to vector<16xf32>
      %swap3A_161 = vector.shape_cast %get3A_155 : vector<16xf32> to vector<1x16xf32>
      tpu.vector_store %arg10[%swap3A_157, %swap3A_158], %swap3A_161 {strides = array<i32>} : memref<64x128xf32, #tpu.memory_space<vmem>>, vector<1x16xf32>,
      %get3A_162 = arith.constant 1 : i32
      %get3A_163 = arith.index_cast %get3A_162 : i32 to index
      %get3A_164 = arith.constant 96 : index
      %get3A_165 = tpu.vector_load %arg9[%get3A_163, %get3A_164] {strides = array<i32>} : memref<8x128xf32, #tpu.memory_space<vmem>>, vector<1x16xf32>,
      %get3A_166 = vector.shape_cast %get3A_165 : vector<1x16xf32> to vector<16xf32>
      %swap3A_167 = arith.constant 14 : i32
      %swap3A_168 = arith.index_cast %swap3A_167 : i32 to index
      %swap3A_169 = arith.constant 0 : index
      %swap3A_170 = tpu.vector_load %arg10[%swap3A_168, %swap3A_169] {strides = array<i32>} : memref<64x128xf32, #tpu.memory_space<vmem>>, vector<1x16xf32>,
      %swap3A_171 = vector.shape_cast %swap3A_170 : vector<1x16xf32> to vector<16xf32>
      %swap3A_172 = vector.shape_cast %get3A_166 : vector<16xf32> to vector<1x16xf32>
      tpu.vector_store %arg10[%swap3A_168, %swap3A_169], %swap3A_172 {strides = array<i32>} : memref<64x128xf32, #tpu.memory_space<vmem>>, vector<1x16xf32>,
      %get3A_173 = arith.constant 1 : i32
      %get3A_174 = arith.index_cast %get3A_173 : i32 to index
      %get3A_175 = arith.constant 112 : index
      %get3A_176 = tpu.vector_load %arg9[%get3A_174, %get3A_175] {strides = array<i32>} : memref<8x128xf32, #tpu.memory_space<vmem>>, vector<1x16xf32>,
      %get3A_177 = vector.shape_cast %get3A_176 : vector<1x16xf32> to vector<16xf32>
      %swap3A_178 = arith.constant 15 : i32
      %swap3A_179 = arith.index_cast %swap3A_178 : i32 to index
      %swap3A_180 = arith.constant 0 : index
      %swap3A_181 = tpu.vector_load %arg10[%swap3A_179, %swap3A_180] {strides = array<i32>} : memref<64x128xf32, #tpu.memory_space<vmem>>, vector<1x16xf32>,
      %swap3A_182 = vector.shape_cast %swap3A_181 : vector<1x16xf32> to vector<16xf32>
      %swap3A_183 = vector.shape_cast %get3A_177 : vector<16xf32> to vector<1x16xf32>
      tpu.vector_store %arg10[%swap3A_179, %swap3A_180], %swap3A_183 {strides = array<i32>} : memref<64x128xf32, #tpu.memory_space<vmem>>, vector<1x16xf32>,
      %get3A_184 = arith.constant 2 : i32
      %get3A_185 = arith.index_cast %get3A_184 : i32 to index
      %get3A_186 = arith.constant 0 : index
      %get3A_187 = tpu.vector_load %arg9[%get3A_185, %get3A_186] {strides = array<i32>} : memref<8x128xf32, #tpu.memory_space<vmem>>, vector<1x16xf32>,
      %get3A_188 = vector.shape_cast %get3A_187 : vector<1x16xf32> to vector<16xf32>
      %swap3A_189 = arith.constant 16 : i32
      %swap3A_190 = arith.index_cast %swap3A_189 : i32 to index
      %swap3A_191 = arith.constant 0 : index
      %swap3A_192 = tpu.vector_load %arg10[%swap3A_190, %swap3A_191] {strides = array<i32>} : memref<64x128xf32, #tpu.memory_space<vmem>>, vector<1x16xf32>,
      %swap3A_193 = vector.shape_cast %swap3A_192 : vector<1x16xf32> to vector<16xf32>
      %swap3A_194 = vector.shape_cast %get3A_188 : vector<16xf32> to vector<1x16xf32>
      tpu.vector_store %arg10[%swap3A_190, %swap3A_191], %swap3A_194 {strides = array<i32>} : memref<64x128xf32, #tpu.memory_space<vmem>>, vector<1x16xf32>,
      %get3A_195 = arith.constant 2 : i32
      %get3A_196 = arith.index_cast %get3A_195 : i32 to index
      %get3A_197 = arith.constant 16 : index
      %get3A_198 = tpu.vector_load %arg9[%get3A_196, %get3A_197] {strides = array<i32>} : memref<8x128xf32, #tpu.memory_space<vmem>>, vector<1x16xf32>,
      %get3A_199 = vector.shape_cast %get3A_198 : vector<1x16xf32> to vector<16xf32>
      %swap3A_200 = arith.constant 17 : i32
      %swap3A_201 = arith.index_cast %swap3A_200 : i32 to index
      %swap3A_202 = arith.constant 0 : index
      %swap3A_203 = tpu.vector_load %arg10[%swap3A_201, %swap3A_202] {strides = array<i32>} : memref<64x128xf32, #tpu.memory_space<vmem>>, vector<1x16xf32>,
      %swap3A_204 = vector.shape_cast %swap3A_203 : vector<1x16xf32> to vector<16xf32>
      %swap3A_205 = vector.shape_cast %get3A_199 : vector<16xf32> to vector<1x16xf32>
      tpu.vector_store %arg10[%swap3A_201, %swap3A_202], %swap3A_205 {strides = array<i32>} : memref<64x128xf32, #tpu.memory_space<vmem>>, vector<1x16xf32>,
      %get3A_206 = arith.constant 2 : i32
      %get3A_207 = arith.index_cast %get3A_206 : i32 to index
      %get3A_208 = arith.constant 32 : index
      %get3A_209 = tpu.vector_load %arg9[%get3A_207, %get3A_208] {strides = array<i32>} : memref<8x128xf32, #tpu.memory_space<vmem>>, vector<1x16xf32>,
      %get3A_210 = vector.shape_cast %get3A_209 : vector<1x16xf32> to vector<16xf32>
      %swap3A_211 = arith.constant 18 : i32
      %swap3A_212 = arith.index_cast %swap3A_211 : i32 to index
      %swap3A_213 = arith.constant 0 : index
      %swap3A_214 = tpu.vector_load %arg10[%swap3A_212, %swap3A_213] {strides = array<i32>} : memref<64x128xf32, #tpu.memory_space<vmem>>, vector<1x16xf32>,
      %swap3A_215 = vector.shape_cast %swap3A_214 : vector<1x16xf32> to vector<16xf32>
      %swap3A_216 = vector.shape_cast %get3A_210 : vector<16xf32> to vector<1x16xf32>
      tpu.vector_store %arg10[%swap3A_212, %swap3A_213], %swap3A_216 {strides = array<i32>} : memref<64x128xf32, #tpu.memory_space<vmem>>, vector<1x16xf32>,
      %get3A_217 = arith.constant 2 : i32
      %get3A_218 = arith.index_cast %get3A_217 : i32 to index
      %get3A_219 = arith.constant 48 : index
      %get3A_220 = tpu.vector_load %arg9[%get3A_218, %get3A_219] {strides = array<i32>} : memref<8x128xf32, #tpu.memory_space<vmem>>, vector<1x16xf32>,
      %get3A_221 = vector.shape_cast %get3A_220 : vector<1x16xf32> to vector<16xf32>
      %swap3A_222 = arith.constant 19 : i32
      %swap3A_223 = arith.index_cast %swap3A_222 : i32 to index
      %swap3A_224 = arith.constant 0 : index
      %swap3A_225 = tpu.vector_load %arg10[%swap3A_223, %swap3A_224] {strides = array<i32>} : memref<64x128xf32, #tpu.memory_space<vmem>>, vector<1x16xf32>,
      %swap3A_226 = vector.shape_cast %swap3A_225 : vector<1x16xf32> to vector<16xf32>
      %swap3A_227 = vector.shape_cast %get3A_221 : vector<16xf32> to vector<1x16xf32>
      tpu.vector_store %arg10[%swap3A_223, %swap3A_224], %swap3A_227 {strides = array<i32>} : memref<64x128xf32, #tpu.memory_space<vmem>>, vector<1x16xf32>,
      %get3A_228 = arith.constant 2 : i32
      %get3A_229 = arith.index_cast %get3A_228 : i32 to index
      %get3A_230 = arith.constant 64 : index
      %get3A_231 = tpu.vector_load %arg9[%get3A_229, %get3A_230] {strides = array<i32>} : memref<8x128xf32, #tpu.memory_space<vmem>>, vector<1x16xf32>,
      %get3A_232 = vector.shape_cast %get3A_231 : vector<1x16xf32> to vector<16xf32>
      %swap3A_233 = arith.constant 20 : i32
      %swap3A_234 = arith.index_cast %swap3A_233 : i32 to index
      %swap3A_235 = arith.constant 0 : index
      %swap3A_236 = tpu.vector_load %arg10[%swap3A_234, %swap3A_235] {strides = array<i32>} : memref<64x128xf32, #tpu.memory_space<vmem>>, vector<1x16xf32>,
      %swap3A_237 = vector.shape_cast %swap3A_236 : vector<1x16xf32> to vector<16xf32>
      %swap3A_238 = vector.shape_cast %get3A_232 : vector<16xf32> to vector<1x16xf32>
      tpu.vector_store %arg10[%swap3A_234, %swap3A_235], %swap3A_238 {strides = array<i32>} : memref<64x128xf32, #tpu.memory_space<vmem>>, vector<1x16xf32>,
      %get3A_239 = arith.constant 2 : i32
      %get3A_240 = arith.index_cast %get3A_239 : i32 to index
      %get3A_241 = arith.constant 80 : index
      %get3A_242 = tpu.vector_load %arg9[%get3A_240, %get3A_241] {strides = array<i32>} : memref<8x128xf32, #tpu.memory_space<vmem>>, vector<1x16xf32>,
      %get3A_243 = vector.shape_cast %get3A_242 : vector<1x16xf32> to vector<16xf32>
      %swap3A_244 = arith.constant 21 : i32
      %swap3A_245 = arith.index_cast %swap3A_244 : i32 to index
      %swap3A_246 = arith.constant 0 : index
      %swap3A_247 = tpu.vector_load %arg10[%swap3A_245, %swap3A_246] {strides = array<i32>} : memref<64x128xf32, #tpu.memory_space<vmem>>, vector<1x16xf32>,
      %swap3A_248 = vector.shape_cast %swap3A_247 : vector<1x16xf32> to vector<16xf32>
      %swap3A_249 = vector.shape_cast %get3A_243 : vector<16xf32> to vector<1x16xf32>
      tpu.vector_store %arg10[%swap3A_245, %swap3A_246], %swap3A_249 {strides = array<i32>} : memref<64x128xf32, #tpu.memory_space<vmem>>, vector<1x16xf32>,
      %get3A_250 = arith.constant 2 : i32
      %get3A_251 = arith.index_cast %get3A_250 : i32 to index
      %get3A_252 = arith.constant 96 : index
      %get3A_253 = tpu.vector_load %arg9[%get3A_251, %get3A_252] {strides = array<i32>} : memref<8x128xf32, #tpu.memory_space<vmem>>, vector<1x16xf32>,
      %get3A_254 = vector.shape_cast %get3A_253 : vector<1x16xf32> to vector<16xf32>
      %swap3A_255 = arith.constant 22 : i32
      %swap3A_256 = arith.index_cast %swap3A_255 : i32 to index
      %swap3A_257 = arith.constant 0 : index
      %swap3A_258 = tpu.vector_load %arg10[%swap3A_256, %swap3A_257] {strides = array<i32>} : memref<64x128xf32, #tpu.memory_space<vmem>>, vector<1x16xf32>,
      %swap3A_259 = vector.shape_cast %swap3A_258 : vector<1x16xf32> to vector<16xf32>
      %swap3A_260 = vector.shape_cast %get3A_254 : vector<16xf32> to vector<1x16xf32>
      tpu.vector_store %arg10[%swap3A_256, %swap3A_257], %swap3A_260 {strides = array<i32>} : memref<64x128xf32, #tpu.memory_space<vmem>>, vector<1x16xf32>,
      %get3A_261 = arith.constant 2 : i32
      %get3A_262 = arith.index_cast %get3A_261 : i32 to index
      %get3A_263 = arith.constant 112 : index
      %get3A_264 = tpu.vector_load %arg9[%get3A_262, %get3A_263] {strides = array<i32>} : memref<8x128xf32, #tpu.memory_space<vmem>>, vector<1x16xf32>,
      %get3A_265 = vector.shape_cast %get3A_264 : vector<1x16xf32> to vector<16xf32>
      %swap3A_266 = arith.constant 23 : i32
      %swap3A_267 = arith.index_cast %swap3A_266 : i32 to index
      %swap3A_268 = arith.constant 0 : index
      %swap3A_269 = tpu.vector_load %arg10[%swap3A_267, %swap3A_268] {strides = array<i32>} : memref<64x128xf32, #tpu.memory_space<vmem>>, vector<1x16xf32>,
      %swap3A_270 = vector.shape_cast %swap3A_269 : vector<1x16xf32> to vector<16xf32>
      %swap3A_271 = vector.shape_cast %get3A_265 : vector<16xf32> to vector<1x16xf32>
      tpu.vector_store %arg10[%swap3A_267, %swap3A_268], %swap3A_271 {strides = array<i32>} : memref<64x128xf32, #tpu.memory_space<vmem>>, vector<1x16xf32>,
      %get3A_272 = arith.constant 3 : i32
      %get3A_273 = arith.index_cast %get3A_272 : i32 to index
      %get3A_274 = arith.constant 0 : index
      %get3A_275 = tpu.vector_load %arg9[%get3A_273, %get3A_274] {strides = array<i32>} : memref<8x128xf32, #tpu.memory_space<vmem>>, vector<1x16xf32>,
      %get3A_276 = vector.shape_cast %get3A_275 : vector<1x16xf32> to vector<16xf32>
      %swap3A_277 = arith.constant 24 : i32
      %swap3A_278 = arith.index_cast %swap3A_277 : i32 to index
      %swap3A_279 = arith.constant 0 : index
      %swap3A_280 = tpu.vector_load %arg10[%swap3A_278, %swap3A_279] {strides = array<i32>} : memref<64x128xf32, #tpu.memory_space<vmem>>, vector<1x16xf32>,
      %swap3A_281 = vector.shape_cast %swap3A_280 : vector<1x16xf32> to vector<16xf32>
      %swap3A_282 = vector.shape_cast %get3A_276 : vector<16xf32> to vector<1x16xf32>
      tpu.vector_store %arg10[%swap3A_278, %swap3A_279], %swap3A_282 {strides = array<i32>} : memref<64x128xf32, #tpu.memory_space<vmem>>, vector<1x16xf32>,
      %get3A_283 = arith.constant 3 : i32
      %get3A_284 = arith.index_cast %get3A_283 : i32 to index
      %get3A_285 = arith.constant 16 : index
      %get3A_286 = tpu.vector_load %arg9[%get3A_284, %get3A_285] {strides = array<i32>} : memref<8x128xf32, #tpu.memory_space<vmem>>, vector<1x16xf32>,
      %get3A_287 = vector.shape_cast %get3A_286 : vector<1x16xf32> to vector<16xf32>
      %swap3A_288 = arith.constant 25 : i32
      %swap3A_289 = arith.index_cast %swap3A_288 : i32 to index
      %swap3A_290 = arith.constant 0 : index
      %swap3A_291 = tpu.vector_load %arg10[%swap3A_289, %swap3A_290] {strides = array<i32>} : memref<64x128xf32, #tpu.memory_space<vmem>>, vector<1x16xf32>,
      %swap3A_292 = vector.shape_cast %swap3A_291 : vector<1x16xf32> to vector<16xf32>
      %swap3A_293 = vector.shape_cast %get3A_287 : vector<16xf32> to vector<1x16xf32>
      tpu.vector_store %arg10[%swap3A_289, %swap3A_290], %swap3A_293 {strides = array<i32>} : memref<64x128xf32, #tpu.memory_space<vmem>>, vector<1x16xf32>,
      %get3A_294 = arith.constant 3 : i32
      %get3A_295 = arith.index_cast %get3A_294 : i32 to index
      %get3A_296 = arith.constant 32 : index
      %get3A_297 = tpu.vector_load %arg9[%get3A_295, %get3A_296] {strides = array<i32>} : memref<8x128xf32, #tpu.memory_space<vmem>>, vector<1x16xf32>,
      %get3A_298 = vector.shape_cast %get3A_297 : vector<1x16xf32> to vector<16xf32>
      %swap3A_299 = arith.constant 26 : i32
      %swap3A_300 = arith.index_cast %swap3A_299 : i32 to index
      %swap3A_301 = arith.constant 0 : index
      %swap3A_302 = tpu.vector_load %arg10[%swap3A_300, %swap3A_301] {strides = array<i32>} : memref<64x128xf32, #tpu.memory_space<vmem>>, vector<1x16xf32>,
      %swap3A_303 = vector.shape_cast %swap3A_302 : vector<1x16xf32> to vector<16xf32>
      %swap3A_304 = vector.shape_cast %get3A_298 : vector<16xf32> to vector<1x16xf32>
      tpu.vector_store %arg10[%swap3A_300, %swap3A_301], %swap3A_304 {strides = array<i32>} : memref<64x128xf32, #tpu.memory_space<vmem>>, vector<1x16xf32>,
      %get3A_305 = arith.constant 3 : i32
      %get3A_306 = arith.index_cast %get3A_305 : i32 to index
      %get3A_307 = arith.constant 48 : index
      %get3A_308 = tpu.vector_load %arg9[%get3A_306, %get3A_307] {strides = array<i32>} : memref<8x128xf32, #tpu.memory_space<vmem>>, vector<1x16xf32>,
      %get3A_309 = vector.shape_cast %get3A_308 : vector<1x16xf32> to vector<16xf32>
      %swap3A_310 = arith.constant 27 : i32
      %swap3A_311 = arith.index_cast %swap3A_310 : i32 to index
      %swap3A_312 = arith.constant 0 : index
      %swap3A_313 = tpu.vector_load %arg10[%swap3A_311, %swap3A_312] {strides = array<i32>} : memref<64x128xf32, #tpu.memory_space<vmem>>, vector<1x16xf32>,
      %swap3A_314 = vector.shape_cast %swap3A_313 : vector<1x16xf32> to vector<16xf32>
      %swap3A_315 = vector.shape_cast %get3A_309 : vector<16xf32> to vector<1x16xf32>
      tpu.vector_store %arg10[%swap3A_311, %swap3A_312], %swap3A_315 {strides = array<i32>} : memref<64x128xf32, #tpu.memory_space<vmem>>, vector<1x16xf32>,
      %get3A_316 = arith.constant 3 : i32
      %get3A_317 = arith.index_cast %get3A_316 : i32 to index
      %get3A_318 = arith.constant 64 : index
      %get3A_319 = tpu.vector_load %arg9[%get3A_317, %get3A_318] {strides = array<i32>} : memref<8x128xf32, #tpu.memory_space<vmem>>, vector<1x16xf32>,
      %get3A_320 = vector.shape_cast %get3A_319 : vector<1x16xf32> to vector<16xf32>
      %swap3A_321 = arith.constant 28 : i32
      %swap3A_322 = arith.index_cast %swap3A_321 : i32 to index
      %swap3A_323 = arith.constant 0 : index
      %swap3A_324 = tpu.vector_load %arg10[%swap3A_322, %swap3A_323] {strides = array<i32>} : memref<64x128xf32, #tpu.memory_space<vmem>>, vector<1x16xf32>,
      %swap3A_325 = vector.shape_cast %swap3A_324 : vector<1x16xf32> to vector<16xf32>
      %swap3A_326 = vector.shape_cast %get3A_320 : vector<16xf32> to vector<1x16xf32>
      tpu.vector_store %arg10[%swap3A_322, %swap3A_323], %swap3A_326 {strides = array<i32>} : memref<64x128xf32, #tpu.memory_space<vmem>>, vector<1x16xf32>,
      %get3A_327 = arith.constant 3 : i32
      %get3A_328 = arith.index_cast %get3A_327 : i32 to index
      %get3A_329 = arith.constant 80 : index
      %get3A_330 = tpu.vector_load %arg9[%get3A_328, %get3A_329] {strides = array<i32>} : memref<8x128xf32, #tpu.memory_space<vmem>>, vector<1x16xf32>,
      %get3A_331 = vector.shape_cast %get3A_330 : vector<1x16xf32> to vector<16xf32>
      %swap3A_332 = arith.constant 29 : i32
      %swap3A_333 = arith.index_cast %swap3A_332 : i32 to index
      %swap3A_334 = arith.constant 0 : index
      %swap3A_335 = tpu.vector_load %arg10[%swap3A_333, %swap3A_334] {strides = array<i32>} : memref<64x128xf32, #tpu.memory_space<vmem>>, vector<1x16xf32>,
      %swap3A_336 = vector.shape_cast %swap3A_335 : vector<1x16xf32> to vector<16xf32>
      %swap3A_337 = vector.shape_cast %get3A_331 : vector<16xf32> to vector<1x16xf32>
      tpu.vector_store %arg10[%swap3A_333, %swap3A_334], %swap3A_337 {strides = array<i32>} : memref<64x128xf32, #tpu.memory_space<vmem>>, vector<1x16xf32>,
      %get3A_338 = arith.constant 3 : i32
      %get3A_339 = arith.index_cast %get3A_338 : i32 to index
      %get3A_340 = arith.constant 96 : index
      %get3A_341 = tpu.vector_load %arg9[%get3A_339, %get3A_340] {strides = array<i32>} : memref<8x128xf32, #tpu.memory_space<vmem>>, vector<1x16xf32>,
      %get3A_342 = vector.shape_cast %get3A_341 : vector<1x16xf32> to vector<16xf32>
      %swap3A_343 = arith.constant 30 : i32
      %swap3A_344 = arith.index_cast %swap3A_343 : i32 to index
      %swap3A_345 = arith.constant 0 : index
      %swap3A_346 = tpu.vector_load %arg10[%swap3A_344, %swap3A_345] {strides = array<i32>} : memref<64x128xf32, #tpu.memory_space<vmem>>, vector<1x16xf32>,
      %swap3A_347 = vector.shape_cast %swap3A_346 : vector<1x16xf32> to vector<16xf32>
      %swap3A_348 = vector.shape_cast %get3A_342 : vector<16xf32> to vector<1x16xf32>
      tpu.vector_store %arg10[%swap3A_344, %swap3A_345], %swap3A_348 {strides = array<i32>} : memref<64x128xf32, #tpu.memory_space<vmem>>, vector<1x16xf32>,
      %get3A_349 = arith.constant 3 : i32
      %get3A_350 = arith.index_cast %get3A_349 : i32 to index
      %get3A_351 = arith.constant 112 : index
      %get3A_352 = tpu.vector_load %arg9[%get3A_350, %get3A_351] {strides = array<i32>} : memref<8x128xf32, #tpu.memory_space<vmem>>, vector<1x16xf32>,
      %get3A_353 = vector.shape_cast %get3A_352 : vector<1x16xf32> to vector<16xf32>
      %swap3A_354 = arith.constant 31 : i32
      %swap3A_355 = arith.index_cast %swap3A_354 : i32 to index
      %swap3A_356 = arith.constant 0 : index
      %swap3A_357 = tpu.vector_load %arg10[%swap3A_355, %swap3A_356] {strides = array<i32>} : memref<64x128xf32, #tpu.memory_space<vmem>>, vector<1x16xf32>,
      %swap3A_358 = vector.shape_cast %swap3A_357 : vector<1x16xf32> to vector<16xf32>
      %swap3A_359 = vector.shape_cast %get3A_353 : vector<16xf32> to vector<1x16xf32>
      tpu.vector_store %arg10[%swap3A_355, %swap3A_356], %swap3A_359 {strides = array<i32>} : memref<64x128xf32, #tpu.memory_space<vmem>>, vector<1x16xf32>,
      %get3A_360 = arith.constant 4 : i32
      %get3A_361 = arith.index_cast %get3A_360 : i32 to index
      %get3A_362 = arith.constant 0 : index
      %get3A_363 = tpu.vector_load %arg9[%get3A_361, %get3A_362] {strides = array<i32>} : memref<8x128xf32, #tpu.memory_space<vmem>>, vector<1x16xf32>,
      %get3A_364 = vector.shape_cast %get3A_363 : vector<1x16xf32> to vector<16xf32>
      %swap3A_365 = arith.constant 32 : i32
      %swap3A_366 = arith.index_cast %swap3A_365 : i32 to index
      %swap3A_367 = arith.constant 0 : index
      %swap3A_368 = tpu.vector_load %arg10[%swap3A_366, %swap3A_367] {strides = array<i32>} : memref<64x128xf32, #tpu.memory_space<vmem>>, vector<1x16xf32>,
      %swap3A_369 = vector.shape_cast %swap3A_368 : vector<1x16xf32> to vector<16xf32>
      %swap3A_370 = vector.shape_cast %get3A_364 : vector<16xf32> to vector<1x16xf32>
      tpu.vector_store %arg10[%swap3A_366, %swap3A_367], %swap3A_370 {strides = array<i32>} : memref<64x128xf32, #tpu.memory_space<vmem>>, vector<1x16xf32>,
      %get3A_371 = arith.constant 4 : i32
      %get3A_372 = arith.index_cast %get3A_371 : i32 to index
      %get3A_373 = arith.constant 16 : index
      %get3A_374 = tpu.vector_load %arg9[%get3A_372, %get3A_373] {strides = array<i32>} : memref<8x128xf32, #tpu.memory_space<vmem>>, vector<1x16xf32>,
      %get3A_375 = vector.shape_cast %get3A_374 : vector<1x16xf32> to vector<16xf32>
      %swap3A_376 = arith.constant 33 : i32
      %swap3A_377 = arith.index_cast %swap3A_376 : i32 to index
      %swap3A_378 = arith.constant 0 : index
      %swap3A_379 = tpu.vector_load %arg10[%swap3A_377, %swap3A_378] {strides = array<i32>} : memref<64x128xf32, #tpu.memory_space<vmem>>, vector<1x16xf32>,
      %swap3A_380 = vector.shape_cast %swap3A_379 : vector<1x16xf32> to vector<16xf32>
      %swap3A_381 = vector.shape_cast %get3A_375 : vector<16xf32> to vector<1x16xf32>
      tpu.vector_store %arg10[%swap3A_377, %swap3A_378], %swap3A_381 {strides = array<i32>} : memref<64x128xf32, #tpu.memory_space<vmem>>, vector<1x16xf32>,
      %get3A_382 = arith.constant 4 : i32
      %get3A_383 = arith.index_cast %get3A_382 : i32 to index
      %get3A_384 = arith.constant 32 : index
      %get3A_385 = tpu.vector_load %arg9[%get3A_383, %get3A_384] {strides = array<i32>} : memref<8x128xf32, #tpu.memory_space<vmem>>, vector<1x16xf32>,
      %get3A_386 = vector.shape_cast %get3A_385 : vector<1x16xf32> to vector<16xf32>
      %swap3A_387 = arith.constant 34 : i32
      %swap3A_388 = arith.index_cast %swap3A_387 : i32 to index
      %swap3A_389 = arith.constant 0 : index
      %swap3A_390 = tpu.vector_load %arg10[%swap3A_388, %swap3A_389] {strides = array<i32>} : memref<64x128xf32, #tpu.memory_space<vmem>>, vector<1x16xf32>,
      %swap3A_391 = vector.shape_cast %swap3A_390 : vector<1x16xf32> to vector<16xf32>
      %swap3A_392 = vector.shape_cast %get3A_386 : vector<16xf32> to vector<1x16xf32>
      tpu.vector_store %arg10[%swap3A_388, %swap3A_389], %swap3A_392 {strides = array<i32>} : memref<64x128xf32, #tpu.memory_space<vmem>>, vector<1x16xf32>,
      %get3A_393 = arith.constant 4 : i32
      %get3A_394 = arith.index_cast %get3A_393 : i32 to index
      %get3A_395 = arith.constant 48 : index
      %get3A_396 = tpu.vector_load %arg9[%get3A_394, %get3A_395] {strides = array<i32>} : memref<8x128xf32, #tpu.memory_space<vmem>>, vector<1x16xf32>,
      %get3A_397 = vector.shape_cast %get3A_396 : vector<1x16xf32> to vector<16xf32>
      %swap3A_398 = arith.constant 35 : i32
      %swap3A_399 = arith.index_cast %swap3A_398 : i32 to index
      %swap3A_400 = arith.constant 0 : index
      %swap3A_401 = tpu.vector_load %arg10[%swap3A_399, %swap3A_400] {strides = array<i32>} : memref<64x128xf32, #tpu.memory_space<vmem>>, vector<1x16xf32>,
      %swap3A_402 = vector.shape_cast %swap3A_401 : vector<1x16xf32> to vector<16xf32>
      %swap3A_403 = vector.shape_cast %get3A_397 : vector<16xf32> to vector<1x16xf32>
      tpu.vector_store %arg10[%swap3A_399, %swap3A_400], %swap3A_403 {strides = array<i32>} : memref<64x128xf32, #tpu.memory_space<vmem>>, vector<1x16xf32>,
      %get3A_404 = arith.constant 4 : i32
      %get3A_405 = arith.index_cast %get3A_404 : i32 to index
      %get3A_406 = arith.constant 64 : index
      %get3A_407 = tpu.vector_load %arg9[%get3A_405, %get3A_406] {strides = array<i32>} : memref<8x128xf32, #tpu.memory_space<vmem>>, vector<1x16xf32>,
      %get3A_408 = vector.shape_cast %get3A_407 : vector<1x16xf32> to vector<16xf32>
      %swap3A_409 = arith.constant 36 : i32
      %swap3A_410 = arith.index_cast %swap3A_409 : i32 to index
      %swap3A_411 = arith.constant 0 : index
      %swap3A_412 = tpu.vector_load %arg10[%swap3A_410, %swap3A_411] {strides = array<i32>} : memref<64x128xf32, #tpu.memory_space<vmem>>, vector<1x16xf32>,
      %swap3A_413 = vector.shape_cast %swap3A_412 : vector<1x16xf32> to vector<16xf32>
      %swap3A_414 = vector.shape_cast %get3A_408 : vector<16xf32> to vector<1x16xf32>
      tpu.vector_store %arg10[%swap3A_410, %swap3A_411], %swap3A_414 {strides = array<i32>} : memref<64x128xf32, #tpu.memory_space<vmem>>, vector<1x16xf32>,
      %get3A_415 = arith.constant 4 : i32
      %get3A_416 = arith.index_cast %get3A_415 : i32 to index
      %get3A_417 = arith.constant 80 : index
      %get3A_418 = tpu.vector_load %arg9[%get3A_416, %get3A_417] {strides = array<i32>} : memref<8x128xf32, #tpu.memory_space<vmem>>, vector<1x16xf32>,
      %get3A_419 = vector.shape_cast %get3A_418 : vector<1x16xf32> to vector<16xf32>
      %swap3A_420 = arith.constant 37 : i32
      %swap3A_421 = arith.index_cast %swap3A_420 : i32 to index
      %swap3A_422 = arith.constant 0 : index
      %swap3A_423 = tpu.vector_load %arg10[%swap3A_421, %swap3A_422] {strides = array<i32>} : memref<64x128xf32, #tpu.memory_space<vmem>>, vector<1x16xf32>,
      %swap3A_424 = vector.shape_cast %swap3A_423 : vector<1x16xf32> to vector<16xf32>
      %swap3A_425 = vector.shape_cast %get3A_419 : vector<16xf32> to vector<1x16xf32>
      tpu.vector_store %arg10[%swap3A_421, %swap3A_422], %swap3A_425 {strides = array<i32>} : memref<64x128xf32, #tpu.memory_space<vmem>>, vector<1x16xf32>,
      %get3A_426 = arith.constant 4 : i32
      %get3A_427 = arith.index_cast %get3A_426 : i32 to index
      %get3A_428 = arith.constant 96 : index
      %get3A_429 = tpu.vector_load %arg9[%get3A_427, %get3A_428] {strides = array<i32>} : memref<8x128xf32, #tpu.memory_space<vmem>>, vector<1x16xf32>,
      %get3A_430 = vector.shape_cast %get3A_429 : vector<1x16xf32> to vector<16xf32>
      %swap3A_431 = arith.constant 38 : i32
      %swap3A_432 = arith.index_cast %swap3A_431 : i32 to index
      %swap3A_433 = arith.constant 0 : index
      %swap3A_434 = tpu.vector_load %arg10[%swap3A_432, %swap3A_433] {strides = array<i32>} : memref<64x128xf32, #tpu.memory_space<vmem>>, vector<1x16xf32>,
      %swap3A_435 = vector.shape_cast %swap3A_434 : vector<1x16xf32> to vector<16xf32>
      %swap3A_436 = vector.shape_cast %get3A_430 : vector<16xf32> to vector<1x16xf32>
      tpu.vector_store %arg10[%swap3A_432, %swap3A_433], %swap3A_436 {strides = array<i32>} : memref<64x128xf32, #tpu.memory_space<vmem>>, vector<1x16xf32>,
      %get3A_437 = arith.constant 4 : i32
      %get3A_438 = arith.index_cast %get3A_437 : i32 to index
      %get3A_439 = arith.constant 112 : index
      %get3A_440 = tpu.vector_load %arg9[%get3A_438, %get3A_439] {strides = array<i32>} : memref<8x128xf32, #tpu.memory_space<vmem>>, vector<1x16xf32>,
      %get3A_441 = vector.shape_cast %get3A_440 : vector<1x16xf32> to vector<16xf32>
      %swap3A_442 = arith.constant 39 : i32
      %swap3A_443 = arith.index_cast %swap3A_442 : i32 to index
      %swap3A_444 = arith.constant 0 : index
      %swap3A_445 = tpu.vector_load %arg10[%swap3A_443, %swap3A_444] {strides = array<i32>} : memref<64x128xf32, #tpu.memory_space<vmem>>, vector<1x16xf32>,
      %swap3A_446 = vector.shape_cast %swap3A_445 : vector<1x16xf32> to vector<16xf32>
      %swap3A_447 = vector.shape_cast %get3A_441 : vector<16xf32> to vector<1x16xf32>
      tpu.vector_store %arg10[%swap3A_443, %swap3A_444], %swap3A_447 {strides = array<i32>} : memref<64x128xf32, #tpu.memory_space<vmem>>, vector<1x16xf32>,
      %get3A_448 = arith.constant 5 : i32
      %get3A_449 = arith.index_cast %get3A_448 : i32 to index
      %get3A_450 = arith.constant 0 : index
      %get3A_451 = tpu.vector_load %arg9[%get3A_449, %get3A_450] {strides = array<i32>} : memref<8x128xf32, #tpu.memory_space<vmem>>, vector<1x16xf32>,
      %get3A_452 = vector.shape_cast %get3A_451 : vector<1x16xf32> to vector<16xf32>
      %swap3A_453 = arith.constant 40 : i32
      %swap3A_454 = arith.index_cast %swap3A_453 : i32 to index
      %swap3A_455 = arith.constant 0 : index
      %swap3A_456 = tpu.vector_load %arg10[%swap3A_454, %swap3A_455] {strides = array<i32>} : memref<64x128xf32, #tpu.memory_space<vmem>>, vector<1x16xf32>,
      %swap3A_457 = vector.shape_cast %swap3A_456 : vector<1x16xf32> to vector<16xf32>
      %swap3A_458 = vector.shape_cast %get3A_452 : vector<16xf32> to vector<1x16xf32>
      tpu.vector_store %arg10[%swap3A_454, %swap3A_455], %swap3A_458 {strides = array<i32>} : memref<64x128xf32, #tpu.memory_space<vmem>>, vector<1x16xf32>,
      %get3A_459 = arith.constant 5 : i32
      %get3A_460 = arith.index_cast %get3A_459 : i32 to index
      %get3A_461 = arith.constant 16 : index
      %get3A_462 = tpu.vector_load %arg9[%get3A_460, %get3A_461] {strides = array<i32>} : memref<8x128xf32, #tpu.memory_space<vmem>>, vector<1x16xf32>,
      %get3A_463 = vector.shape_cast %get3A_462 : vector<1x16xf32> to vector<16xf32>
      %swap3A_464 = arith.constant 41 : i32
      %swap3A_465 = arith.index_cast %swap3A_464 : i32 to index
      %swap3A_466 = arith.constant 0 : index
      %swap3A_467 = tpu.vector_load %arg10[%swap3A_465, %swap3A_466] {strides = array<i32>} : memref<64x128xf32, #tpu.memory_space<vmem>>, vector<1x16xf32>,
      %swap3A_468 = vector.shape_cast %swap3A_467 : vector<1x16xf32> to vector<16xf32>
      %swap3A_469 = vector.shape_cast %get3A_463 : vector<16xf32> to vector<1x16xf32>
      tpu.vector_store %arg10[%swap3A_465, %swap3A_466], %swap3A_469 {strides = array<i32>} : memref<64x128xf32, #tpu.memory_space<vmem>>, vector<1x16xf32>,
      %get3A_470 = arith.constant 5 : i32
      %get3A_471 = arith.index_cast %get3A_470 : i32 to index
      %get3A_472 = arith.constant 32 : index
      %get3A_473 = tpu.vector_load %arg9[%get3A_471, %get3A_472] {strides = array<i32>} : memref<8x128xf32, #tpu.memory_space<vmem>>, vector<1x16xf32>,
      %get3A_474 = vector.shape_cast %get3A_473 : vector<1x16xf32> to vector<16xf32>
      %swap3A_475 = arith.constant 42 : i32
      %swap3A_476 = arith.index_cast %swap3A_475 : i32 to index
      %swap3A_477 = arith.constant 0 : index
      %swap3A_478 = tpu.vector_load %arg10[%swap3A_476, %swap3A_477] {strides = array<i32>} : memref<64x128xf32, #tpu.memory_space<vmem>>, vector<1x16xf32>,
      %swap3A_479 = vector.shape_cast %swap3A_478 : vector<1x16xf32> to vector<16xf32>
      %swap3A_480 = vector.shape_cast %get3A_474 : vector<16xf32> to vector<1x16xf32>
      tpu.vector_store %arg10[%swap3A_476, %swap3A_477], %swap3A_480 {strides = array<i32>} : memref<64x128xf32, #tpu.memory_space<vmem>>, vector<1x16xf32>,
      %get3A_481 = arith.constant 5 : i32
      %get3A_482 = arith.index_cast %get3A_481 : i32 to index
      %get3A_483 = arith.constant 48 : index
      %get3A_484 = tpu.vector_load %arg9[%get3A_482, %get3A_483] {strides = array<i32>} : memref<8x128xf32, #tpu.memory_space<vmem>>, vector<1x16xf32>,
      %get3A_485 = vector.shape_cast %get3A_484 : vector<1x16xf32> to vector<16xf32>
      %swap3A_486 = arith.constant 43 : i32
      %swap3A_487 = arith.index_cast %swap3A_486 : i32 to index
      %swap3A_488 = arith.constant 0 : index
      %swap3A_489 = tpu.vector_load %arg10[%swap3A_487, %swap3A_488] {strides = array<i32>} : memref<64x128xf32, #tpu.memory_space<vmem>>, vector<1x16xf32>,
      %swap3A_490 = vector.shape_cast %swap3A_489 : vector<1x16xf32> to vector<16xf32>
      %swap3A_491 = vector.shape_cast %get3A_485 : vector<16xf32> to vector<1x16xf32>
      tpu.vector_store %arg10[%swap3A_487, %swap3A_488], %swap3A_491 {strides = array<i32>} : memref<64x128xf32, #tpu.memory_space<vmem>>, vector<1x16xf32>,
      %get3A_492 = arith.constant 5 : i32
      %get3A_493 = arith.index_cast %get3A_492 : i32 to index
      %get3A_494 = arith.constant 64 : index
      %get3A_495 = tpu.vector_load %arg9[%get3A_493, %get3A_494] {strides = array<i32>} : memref<8x128xf32, #tpu.memory_space<vmem>>, vector<1x16xf32>,
      %get3A_496 = vector.shape_cast %get3A_495 : vector<1x16xf32> to vector<16xf32>
      %swap3A_497 = arith.constant 44 : i32
      %swap3A_498 = arith.index_cast %swap3A_497 : i32 to index
      %swap3A_499 = arith.constant 0 : index
      %swap3A_500 = tpu.vector_load %arg10[%swap3A_498, %swap3A_499] {strides = array<i32>} : memref<64x128xf32, #tpu.memory_space<vmem>>, vector<1x16xf32>,
      %swap3A_501 = vector.shape_cast %swap3A_500 : vector<1x16xf32> to vector<16xf32>
      %swap3A_502 = vector.shape_cast %get3A_496 : vector<16xf32> to vector<1x16xf32>
      tpu.vector_store %arg10[%swap3A_498, %swap3A_499], %swap3A_502 {strides = array<i32>} : memref<64x128xf32, #tpu.memory_space<vmem>>, vector<1x16xf32>,
      %get3A_503 = arith.constant 5 : i32
      %get3A_504 = arith.index_cast %get3A_503 : i32 to index
      %get3A_505 = arith.constant 80 : index
      %get3A_506 = tpu.vector_load %arg9[%get3A_504, %get3A_505] {strides = array<i32>} : memref<8x128xf32, #tpu.memory_space<vmem>>, vector<1x16xf32>,
      %get3A_507 = vector.shape_cast %get3A_506 : vector<1x16xf32> to vector<16xf32>
      %swap3A_508 = arith.constant 45 : i32
      %swap3A_509 = arith.index_cast %swap3A_508 : i32 to index
      %swap3A_510 = arith.constant 0 : index
      %swap3A_511 = tpu.vector_load %arg10[%swap3A_509, %swap3A_510] {strides = array<i32>} : memref<64x128xf32, #tpu.memory_space<vmem>>, vector<1x16xf32>,
      %swap3A_512 = vector.shape_cast %swap3A_511 : vector<1x16xf32> to vector<16xf32>
      %swap3A_513 = vector.shape_cast %get3A_507 : vector<16xf32> to vector<1x16xf32>
      tpu.vector_store %arg10[%swap3A_509, %swap3A_510], %swap3A_513 {strides = array<i32>} : memref<64x128xf32, #tpu.memory_space<vmem>>, vector<1x16xf32>,
      %get3A_514 = arith.constant 5 : i32
      %get3A_515 = arith.index_cast %get3A_514 : i32 to index
      %get3A_516 = arith.constant 96 : index
      %get3A_517 = tpu.vector_load %arg9[%get3A_515, %get3A_516] {strides = array<i32>} : memref<8x128xf32, #tpu.memory_space<vmem>>, vector<1x16xf32>,
      %get3A_518 = vector.shape_cast %get3A_517 : vector<1x16xf32> to vector<16xf32>
      %swap3A_519 = arith.constant 46 : i32
      %swap3A_520 = arith.index_cast %swap3A_519 : i32 to index
      %swap3A_521 = arith.constant 0 : index
      %swap3A_522 = tpu.vector_load %arg10[%swap3A_520, %swap3A_521] {strides = array<i32>} : memref<64x128xf32, #tpu.memory_space<vmem>>, vector<1x16xf32>,
      %swap3A_523 = vector.shape_cast %swap3A_522 : vector<1x16xf32> to vector<16xf32>
      %swap3A_524 = vector.shape_cast %get3A_518 : vector<16xf32> to vector<1x16xf32>
      tpu.vector_store %arg10[%swap3A_520, %swap3A_521], %swap3A_524 {strides = array<i32>} : memref<64x128xf32, #tpu.memory_space<vmem>>, vector<1x16xf32>,
      %get3A_525 = arith.constant 5 : i32
      %get3A_526 = arith.index_cast %get3A_525 : i32 to index
      %get3A_527 = arith.constant 112 : index
      %get3A_528 = tpu.vector_load %arg9[%get3A_526, %get3A_527] {strides = array<i32>} : memref<8x128xf32, #tpu.memory_space<vmem>>, vector<1x16xf32>,
      %get3A_529 = vector.shape_cast %get3A_528 : vector<1x16xf32> to vector<16xf32>
      %swap3A_530 = arith.constant 47 : i32
      %swap3A_531 = arith.index_cast %swap3A_530 : i32 to index
      %swap3A_532 = arith.constant 0 : index
      %swap3A_533 = tpu.vector_load %arg10[%swap3A_531, %swap3A_532] {strides = array<i32>} : memref<64x128xf32, #tpu.memory_space<vmem>>, vector<1x16xf32>,
      %swap3A_534 = vector.shape_cast %swap3A_533 : vector<1x16xf32> to vector<16xf32>
      %swap3A_535 = vector.shape_cast %get3A_529 : vector<16xf32> to vector<1x16xf32>
      tpu.vector_store %arg10[%swap3A_531, %swap3A_532], %swap3A_535 {strides = array<i32>} : memref<64x128xf32, #tpu.memory_space<vmem>>, vector<1x16xf32>,
      %get3A_536 = arith.constant 6 : i32
      %get3A_537 = arith.index_cast %get3A_536 : i32 to index
      %get3A_538 = arith.constant 0 : index
      %get3A_539 = tpu.vector_load %arg9[%get3A_537, %get3A_538] {strides = array<i32>} : memref<8x128xf32, #tpu.memory_space<vmem>>, vector<1x16xf32>,
      %get3A_540 = vector.shape_cast %get3A_539 : vector<1x16xf32> to vector<16xf32>
      %swap3A_541 = arith.constant 48 : i32
      %swap3A_542 = arith.index_cast %swap3A_541 : i32 to index
      %swap3A_543 = arith.constant 0 : index
      %swap3A_544 = tpu.vector_load %arg10[%swap3A_542, %swap3A_543] {strides = array<i32>} : memref<64x128xf32, #tpu.memory_space<vmem>>, vector<1x16xf32>,
      %swap3A_545 = vector.shape_cast %swap3A_544 : vector<1x16xf32> to vector<16xf32>
      %swap3A_546 = vector.shape_cast %get3A_540 : vector<16xf32> to vector<1x16xf32>
      tpu.vector_store %arg10[%swap3A_542, %swap3A_543], %swap3A_546 {strides = array<i32>} : memref<64x128xf32, #tpu.memory_space<vmem>>, vector<1x16xf32>,
      %get3A_547 = arith.constant 6 : i32
      %get3A_548 = arith.index_cast %get3A_547 : i32 to index
      %get3A_549 = arith.constant 16 : index
      %get3A_550 = tpu.vector_load %arg9[%get3A_548, %get3A_549] {strides = array<i32>} : memref<8x128xf32, #tpu.memory_space<vmem>>, vector<1x16xf32>,
      %get3A_551 = vector.shape_cast %get3A_550 : vector<1x16xf32> to vector<16xf32>
      %swap3A_552 = arith.constant 49 : i32
      %swap3A_553 = arith.index_cast %swap3A_552 : i32 to index
      %swap3A_554 = arith.constant 0 : index
      %swap3A_555 = tpu.vector_load %arg10[%swap3A_553, %swap3A_554] {strides = array<i32>} : memref<64x128xf32, #tpu.memory_space<vmem>>, vector<1x16xf32>,
      %swap3A_556 = vector.shape_cast %swap3A_555 : vector<1x16xf32> to vector<16xf32>
      %swap3A_557 = vector.shape_cast %get3A_551 : vector<16xf32> to vector<1x16xf32>
      tpu.vector_store %arg10[%swap3A_553, %swap3A_554], %swap3A_557 {strides = array<i32>} : memref<64x128xf32, #tpu.memory_space<vmem>>, vector<1x16xf32>,
      %get3A_558 = arith.constant 6 : i32
      %get3A_559 = arith.index_cast %get3A_558 : i32 to index
      %get3A_560 = arith.constant 32 : index
      %get3A_561 = tpu.vector_load %arg9[%get3A_559, %get3A_560] {strides = array<i32>} : memref<8x128xf32, #tpu.memory_space<vmem>>, vector<1x16xf32>,
      %get3A_562 = vector.shape_cast %get3A_561 : vector<1x16xf32> to vector<16xf32>
      %swap3A_563 = arith.constant 50 : i32
      %swap3A_564 = arith.index_cast %swap3A_563 : i32 to index
      %swap3A_565 = arith.constant 0 : index
      %swap3A_566 = tpu.vector_load %arg10[%swap3A_564, %swap3A_565] {strides = array<i32>} : memref<64x128xf32, #tpu.memory_space<vmem>>, vector<1x16xf32>,
      %swap3A_567 = vector.shape_cast %swap3A_566 : vector<1x16xf32> to vector<16xf32>
      %swap3A_568 = vector.shape_cast %get3A_562 : vector<16xf32> to vector<1x16xf32>
      tpu.vector_store %arg10[%swap3A_564, %swap3A_565], %swap3A_568 {strides = array<i32>} : memref<64x128xf32, #tpu.memory_space<vmem>>, vector<1x16xf32>,
      %get3A_569 = arith.constant 6 : i32
      %get3A_570 = arith.index_cast %get3A_569 : i32 to index
      %get3A_571 = arith.constant 48 : index
      %get3A_572 = tpu.vector_load %arg9[%get3A_570, %get3A_571] {strides = array<i32>} : memref<8x128xf32, #tpu.memory_space<vmem>>, vector<1x16xf32>,
      %get3A_573 = vector.shape_cast %get3A_572 : vector<1x16xf32> to vector<16xf32>
      %swap3A_574 = arith.constant 51 : i32
      %swap3A_575 = arith.index_cast %swap3A_574 : i32 to index
      %swap3A_576 = arith.constant 0 : index
      %swap3A_577 = tpu.vector_load %arg10[%swap3A_575, %swap3A_576] {strides = array<i32>} : memref<64x128xf32, #tpu.memory_space<vmem>>, vector<1x16xf32>,
      %swap3A_578 = vector.shape_cast %swap3A_577 : vector<1x16xf32> to vector<16xf32>
      %swap3A_579 = vector.shape_cast %get3A_573 : vector<16xf32> to vector<1x16xf32>
      tpu.vector_store %arg10[%swap3A_575, %swap3A_576], %swap3A_579 {strides = array<i32>} : memref<64x128xf32, #tpu.memory_space<vmem>>, vector<1x16xf32>,
      %get3A_580 = arith.constant 6 : i32
      %get3A_581 = arith.index_cast %get3A_580 : i32 to index
      %get3A_582 = arith.constant 64 : index
      %get3A_583 = tpu.vector_load %arg9[%get3A_581, %get3A_582] {strides = array<i32>} : memref<8x128xf32, #tpu.memory_space<vmem>>, vector<1x16xf32>,
      %get3A_584 = vector.shape_cast %get3A_583 : vector<1x16xf32> to vector<16xf32>
      %swap3A_585 = arith.constant 52 : i32
      %swap3A_586 = arith.index_cast %swap3A_585 : i32 to index
      %swap3A_587 = arith.constant 0 : index
      %swap3A_588 = tpu.vector_load %arg10[%swap3A_586, %swap3A_587] {strides = array<i32>} : memref<64x128xf32, #tpu.memory_space<vmem>>, vector<1x16xf32>,
      %swap3A_589 = vector.shape_cast %swap3A_588 : vector<1x16xf32> to vector<16xf32>
      %swap3A_590 = vector.shape_cast %get3A_584 : vector<16xf32> to vector<1x16xf32>
      tpu.vector_store %arg10[%swap3A_586, %swap3A_587], %swap3A_590 {strides = array<i32>} : memref<64x128xf32, #tpu.memory_space<vmem>>, vector<1x16xf32>,
      %get3A_591 = arith.constant 6 : i32
      %get3A_592 = arith.index_cast %get3A_591 : i32 to index
      %get3A_593 = arith.constant 80 : index
      %get3A_594 = tpu.vector_load %arg9[%get3A_592, %get3A_593] {strides = array<i32>} : memref<8x128xf32, #tpu.memory_space<vmem>>, vector<1x16xf32>,
      %get3A_595 = vector.shape_cast %get3A_594 : vector<1x16xf32> to vector<16xf32>
      %swap3A_596 = arith.constant 53 : i32
      %swap3A_597 = arith.index_cast %swap3A_596 : i32 to index
      %swap3A_598 = arith.constant 0 : index
      %swap3A_599 = tpu.vector_load %arg10[%swap3A_597, %swap3A_598] {strides = array<i32>} : memref<64x128xf32, #tpu.memory_space<vmem>>, vector<1x16xf32>,
      %swap3A_600 = vector.shape_cast %swap3A_599 : vector<1x16xf32> to vector<16xf32>
      %swap3A_601 = vector.shape_cast %get3A_595 : vector<16xf32> to vector<1x16xf32>
      tpu.vector_store %arg10[%swap3A_597, %swap3A_598], %swap3A_601 {strides = array<i32>} : memref<64x128xf32, #tpu.memory_space<vmem>>, vector<1x16xf32>,
      %get3A_602 = arith.constant 6 : i32
      %get3A_603 = arith.index_cast %get3A_602 : i32 to index
      %get3A_604 = arith.constant 96 : index
      %get3A_605 = tpu.vector_load %arg9[%get3A_603, %get3A_604] {strides = array<i32>} : memref<8x128xf32, #tpu.memory_space<vmem>>, vector<1x16xf32>,
      %get3A_606 = vector.shape_cast %get3A_605 : vector<1x16xf32> to vector<16xf32>
      %swap3A_607 = arith.constant 54 : i32
      %swap3A_608 = arith.index_cast %swap3A_607 : i32 to index
      %swap3A_609 = arith.constant 0 : index
      %swap3A_610 = tpu.vector_load %arg10[%swap3A_608, %swap3A_609] {strides = array<i32>} : memref<64x128xf32, #tpu.memory_space<vmem>>, vector<1x16xf32>,
      %swap3A_611 = vector.shape_cast %swap3A_610 : vector<1x16xf32> to vector<16xf32>
      %swap3A_612 = vector.shape_cast %get3A_606 : vector<16xf32> to vector<1x16xf32>
      tpu.vector_store %arg10[%swap3A_608, %swap3A_609], %swap3A_612 {strides = array<i32>} : memref<64x128xf32, #tpu.memory_space<vmem>>, vector<1x16xf32>,
      %get3A_613 = arith.constant 6 : i32
      %get3A_614 = arith.index_cast %get3A_613 : i32 to index
      %get3A_615 = arith.constant 112 : index
      %get3A_616 = tpu.vector_load %arg9[%get3A_614, %get3A_615] {strides = array<i32>} : memref<8x128xf32, #tpu.memory_space<vmem>>, vector<1x16xf32>,
      %get3A_617 = vector.shape_cast %get3A_616 : vector<1x16xf32> to vector<16xf32>
      %swap3A_618 = arith.constant 55 : i32
      %swap3A_619 = arith.index_cast %swap3A_618 : i32 to index
      %swap3A_620 = arith.constant 0 : index
      %swap3A_621 = tpu.vector_load %arg10[%swap3A_619, %swap3A_620] {strides = array<i32>} : memref<64x128xf32, #tpu.memory_space<vmem>>, vector<1x16xf32>,
      %swap3A_622 = vector.shape_cast %swap3A_621 : vector<1x16xf32> to vector<16xf32>
      %swap3A_623 = vector.shape_cast %get3A_617 : vector<16xf32> to vector<1x16xf32>
      tpu.vector_store %arg10[%swap3A_619, %swap3A_620], %swap3A_623 {strides = array<i32>} : memref<64x128xf32, #tpu.memory_space<vmem>>, vector<1x16xf32>,
      %get3A_624 = arith.constant 7 : i32
      %get3A_625 = arith.index_cast %get3A_624 : i32 to index
      %get3A_626 = arith.constant 0 : index
      %get3A_627 = tpu.vector_load %arg9[%get3A_625, %get3A_626] {strides = array<i32>} : memref<8x128xf32, #tpu.memory_space<vmem>>, vector<1x16xf32>,
      %get3A_628 = vector.shape_cast %get3A_627 : vector<1x16xf32> to vector<16xf32>
      %swap3A_629 = arith.constant 56 : i32
      %swap3A_630 = arith.index_cast %swap3A_629 : i32 to index
      %swap3A_631 = arith.constant 0 : index
      %swap3A_632 = tpu.vector_load %arg10[%swap3A_630, %swap3A_631] {strides = array<i32>} : memref<64x128xf32, #tpu.memory_space<vmem>>, vector<1x16xf32>,
      %swap3A_633 = vector.shape_cast %swap3A_632 : vector<1x16xf32> to vector<16xf32>
      %swap3A_634 = vector.shape_cast %get3A_628 : vector<16xf32> to vector<1x16xf32>
      tpu.vector_store %arg10[%swap3A_630, %swap3A_631], %swap3A_634 {strides = array<i32>} : memref<64x128xf32, #tpu.memory_space<vmem>>, vector<1x16xf32>,
      %get3A_635 = arith.constant 7 : i32
      %get3A_636 = arith.index_cast %get3A_635 : i32 to index
      %get3A_637 = arith.constant 16 : index
      %get3A_638 = tpu.vector_load %arg9[%get3A_636, %get3A_637] {strides = array<i32>} : memref<8x128xf32, #tpu.memory_space<vmem>>, vector<1x16xf32>,
      %get3A_639 = vector.shape_cast %get3A_638 : vector<1x16xf32> to vector<16xf32>
      %swap3A_640 = arith.constant 57 : i32
      %swap3A_641 = arith.index_cast %swap3A_640 : i32 to index
      %swap3A_642 = arith.constant 0 : index
      %swap3A_643 = tpu.vector_load %arg10[%swap3A_641, %swap3A_642] {strides = array<i32>} : memref<64x128xf32, #tpu.memory_space<vmem>>, vector<1x16xf32>,
      %swap3A_644 = vector.shape_cast %swap3A_643 : vector<1x16xf32> to vector<16xf32>
      %swap3A_645 = vector.shape_cast %get3A_639 : vector<16xf32> to vector<1x16xf32>
      tpu.vector_store %arg10[%swap3A_641, %swap3A_642], %swap3A_645 {strides = array<i32>} : memref<64x128xf32, #tpu.memory_space<vmem>>, vector<1x16xf32>,
      %get3A_646 = arith.constant 7 : i32
      %get3A_647 = arith.index_cast %get3A_646 : i32 to index
      %get3A_648 = arith.constant 32 : index
      %get3A_649 = tpu.vector_load %arg9[%get3A_647, %get3A_648] {strides = array<i32>} : memref<8x128xf32, #tpu.memory_space<vmem>>, vector<1x16xf32>,
      %get3A_650 = vector.shape_cast %get3A_649 : vector<1x16xf32> to vector<16xf32>
      %swap3A_651 = arith.constant 58 : i32
      %swap3A_652 = arith.index_cast %swap3A_651 : i32 to index
      %swap3A_653 = arith.constant 0 : index
      %swap3A_654 = tpu.vector_load %arg10[%swap3A_652, %swap3A_653] {strides = array<i32>} : memref<64x128xf32, #tpu.memory_space<vmem>>, vector<1x16xf32>,
      %swap3A_655 = vector.shape_cast %swap3A_654 : vector<1x16xf32> to vector<16xf32>
      %swap3A_656 = vector.shape_cast %get3A_650 : vector<16xf32> to vector<1x16xf32>
      tpu.vector_store %arg10[%swap3A_652, %swap3A_653], %swap3A_656 {strides = array<i32>} : memref<64x128xf32, #tpu.memory_space<vmem>>, vector<1x16xf32>,
      %get3A_657 = arith.constant 7 : i32
      %get3A_658 = arith.index_cast %get3A_657 : i32 to index
      %get3A_659 = arith.constant 48 : index
      %get3A_660 = tpu.vector_load %arg9[%get3A_658, %get3A_659] {strides = array<i32>} : memref<8x128xf32, #tpu.memory_space<vmem>>, vector<1x16xf32>,
      %get3A_661 = vector.shape_cast %get3A_660 : vector<1x16xf32> to vector<16xf32>
      %swap3A_662 = arith.constant 59 : i32
      %swap3A_663 = arith.index_cast %swap3A_662 : i32 to index
      %swap3A_664 = arith.constant 0 : index
      %swap3A_665 = tpu.vector_load %arg10[%swap3A_663, %swap3A_664] {strides = array<i32>} : memref<64x128xf32, #tpu.memory_space<vmem>>, vector<1x16xf32>,
      %swap3A_666 = vector.shape_cast %swap3A_665 : vector<1x16xf32> to vector<16xf32>
      %swap3A_667 = vector.shape_cast %get3A_661 : vector<16xf32> to vector<1x16xf32>
      tpu.vector_store %arg10[%swap3A_663, %swap3A_664], %swap3A_667 {strides = array<i32>} : memref<64x128xf32, #tpu.memory_space<vmem>>, vector<1x16xf32>,
      %get3A_668 = arith.constant 7 : i32
      %get3A_669 = arith.index_cast %get3A_668 : i32 to index
      %get3A_670 = arith.constant 64 : index
      %get3A_671 = tpu.vector_load %arg9[%get3A_669, %get3A_670] {strides = array<i32>} : memref<8x128xf32, #tpu.memory_space<vmem>>, vector<1x16xf32>,
      %get3A_672 = vector.shape_cast %get3A_671 : vector<1x16xf32> to vector<16xf32>
      %swap3A_673 = arith.constant 60 : i32
      %swap3A_674 = arith.index_cast %swap3A_673 : i32 to index
      %swap3A_675 = arith.constant 0 : index
      %swap3A_676 = tpu.vector_load %arg10[%swap3A_674, %swap3A_675] {strides = array<i32>} : memref<64x128xf32, #tpu.memory_space<vmem>>, vector<1x16xf32>,
      %swap3A_677 = vector.shape_cast %swap3A_676 : vector<1x16xf32> to vector<16xf32>
      %swap3A_678 = vector.shape_cast %get3A_672 : vector<16xf32> to vector<1x16xf32>
      tpu.vector_store %arg10[%swap3A_674, %swap3A_675], %swap3A_678 {strides = array<i32>} : memref<64x128xf32, #tpu.memory_space<vmem>>, vector<1x16xf32>,
      %get3A_679 = arith.constant 7 : i32
      %get3A_680 = arith.index_cast %get3A_679 : i32 to index
      %get3A_681 = arith.constant 80 : index
      %get3A_682 = tpu.vector_load %arg9[%get3A_680, %get3A_681] {strides = array<i32>} : memref<8x128xf32, #tpu.memory_space<vmem>>, vector<1x16xf32>,
      %get3A_683 = vector.shape_cast %get3A_682 : vector<1x16xf32> to vector<16xf32>
      %swap3A_684 = arith.constant 61 : i32
      %swap3A_685 = arith.index_cast %swap3A_684 : i32 to index
      %swap3A_686 = arith.constant 0 : index
      %swap3A_687 = tpu.vector_load %arg10[%swap3A_685, %swap3A_686] {strides = array<i32>} : memref<64x128xf32, #tpu.memory_space<vmem>>, vector<1x16xf32>,
      %swap3A_688 = vector.shape_cast %swap3A_687 : vector<1x16xf32> to vector<16xf32>
      %swap3A_689 = vector.shape_cast %get3A_683 : vector<16xf32> to vector<1x16xf32>
      tpu.vector_store %arg10[%swap3A_685, %swap3A_686], %swap3A_689 {strides = array<i32>} : memref<64x128xf32, #tpu.memory_space<vmem>>, vector<1x16xf32>,
      %get3A_690 = arith.constant 7 : i32
      %get3A_691 = arith.index_cast %get3A_690 : i32 to index
      %get3A_692 = arith.constant 96 : index
      %get3A_693 = tpu.vector_load %arg9[%get3A_691, %get3A_692] {strides = array<i32>} : memref<8x128xf32, #tpu.memory_space<vmem>>, vector<1x16xf32>,
      %get3A_694 = vector.shape_cast %get3A_693 : vector<1x16xf32> to vector<16xf32>
      %swap3A_695 = arith.constant 62 : i32
      %swap3A_696 = arith.index_cast %swap3A_695 : i32 to index
      %swap3A_697 = arith.constant 0 : index
      %swap3A_698 = tpu.vector_load %arg10[%swap3A_696, %swap3A_697] {strides = array<i32>} : memref<64x128xf32, #tpu.memory_space<vmem>>, vector<1x16xf32>,
      %swap3A_699 = vector.shape_cast %swap3A_698 : vector<1x16xf32> to vector<16xf32>
      %swap3A_700 = vector.shape_cast %get3A_694 : vector<16xf32> to vector<1x16xf32>
      tpu.vector_store %arg10[%swap3A_696, %swap3A_697], %swap3A_700 {strides = array<i32>} : memref<64x128xf32, #tpu.memory_space<vmem>>, vector<1x16xf32>,
      %get3A_701 = arith.constant 7 : i32
      %get3A_702 = arith.index_cast %get3A_701 : i32 to index
      %get3A_703 = arith.constant 112 : index
      %get3A_704 = tpu.vector_load %arg9[%get3A_702, %get3A_703] {strides = array<i32>} : memref<8x128xf32, #tpu.memory_space<vmem>>, vector<1x16xf32>,
      %get3A_705 = vector.shape_cast %get3A_704 : vector<1x16xf32> to vector<16xf32>
      %swap3A_706 = arith.constant 63 : i32
      %swap3A_707 = arith.index_cast %swap3A_706 : i32 to index
      %swap3A_708 = arith.constant 0 : index
      %swap3A_709 = tpu.vector_load %arg10[%swap3A_707, %swap3A_708] {strides = array<i32>} : memref<64x128xf32, #tpu.memory_space<vmem>>, vector<1x16xf32>,
      %swap3A_710 = vector.shape_cast %swap3A_709 : vector<1x16xf32> to vector<16xf32>
      %swap3A_711 = vector.shape_cast %get3A_705 : vector<16xf32> to vector<1x16xf32>
      tpu.vector_store %arg10[%swap3A_707, %swap3A_708], %swap3A_711 {strides = array<i32>} : memref<64x128xf32, #tpu.memory_space<vmem>>, vector<1x16xf32>,
      "tpu.region"() ({
        %run_scoped3A = tpu.sem_alloc : memref<!tpu.dma_semaphore, #tpu.memory_space<semaphore_mem>>
        %dma_start3A = arith.constant 0 : i32
        %dma_start3A_712 = tpu.memref_slice %arg8[%scan3A_9, %dma_start3A] : memref<158x64xi32, #tpu.memory_space<vmem>> -> memref<1x64xi32, #tpu.memory_space<vmem>>
        %dma_start3A_713 = tpu.memref_squeeze %dma_start3A_712 : memref<1x64xi32, #tpu.memory_space<vmem>> -> memref<64xi32, #tpu.memory_space<vmem>>
        %dma_start3A_714 = arith.constant 0 : i32
        %dma_start3A_715 = arith.constant 0 : i32
        %dma_start3A_716 = tpu.memref_slice %arg7[%dma_start3A_714, %dma_start3A_715] : memref<10240x128xf32, #tpu.memory_space<vmem_shared>> -> memref<10240x128xf32, #tpu.memory_space<vmem_shared>>
        tpu.enqueue_indirect_dma source(%arg10 : memref<64x128xf32, #tpu.memory_space<vmem>>) target(%dma_start3A_716 : memref<10240x128xf32, #tpu.memory_space<vmem_shared>>) offsets(%dma_start3A_713 : memref<64xi32, #tpu.memory_space<vmem>>) semaphore(%run_scoped3A : memref<!tpu.dma_semaphore, #tpu.memory_space<semaphore_mem>>) {add = true}
        %dma_wait3A = arith.constant 0 : i32
        %dma_wait3A_717 = tpu.memref_slice %arg8[%scan3A_9, %dma_wait3A] : memref<158x64xi32, #tpu.memory_space<vmem>> -> memref<1x64xi32, #tpu.memory_space<vmem>>
        %dma_wait3A_718 = tpu.memref_squeeze %dma_wait3A_717 : memref<1x64xi32, #tpu.memory_space<vmem>> -> memref<64xi32, #tpu.memory_space<vmem>>
        %dma_wait3A_719 = arith.constant 0 : i32
        %dma_wait3A_720 = arith.constant 0 : i32
        %dma_wait3A_721 = tpu.memref_slice %arg7[%dma_wait3A_719, %dma_wait3A_720] : memref<10240x128xf32, #tpu.memory_space<vmem_shared>> -> memref<10240x128xf32, #tpu.memory_space<vmem_shared>>
        tpu.wait_indirect_dma semaphore(%run_scoped3A : memref<!tpu.dma_semaphore, #tpu.memory_space<semaphore_mem>>) src(%arg10 : memref<64x128xf32, #tpu.memory_space<vmem>>) dst(%dma_wait3A_721 : memref<10240x128xf32, #tpu.memory_space<vmem_shared>>)
        tpu.yield
      }) : () -> ()
    }
    %scan3A_7 = arith.constant 158 : i32
    %barrier3A_8 = arith.constant 0 : index
    tpu.barrier barrier_id(%barrier3A_8)
    "tpu.region"() ({
      %run_scoped3A = tpu.sem_alloc : memref<!tpu.dma_semaphore, #tpu.memory_space<semaphore_mem>>
      %dma_start3A = arith.constant 0 : i32
      %dma_start3A_9 = tpu.memref_slice %arg6[%arg0, %mul3A_2, %dma_start3A] : memref<2x10240x128xf32, #tpu.memory_space<hbm>> -> memref<1x640x128xf32, #tpu.memory_space<hbm>>
      %dma_start3A_10 = tpu.memref_squeeze %dma_start3A_9 : memref<1x640x128xf32, #tpu.memory_space<hbm>> -> memref<640x128xf32, #tpu.memory_space<hbm>>
      %dma_start3A_11 = arith.constant 0 : i32
      %dma_start3A_12 = tpu.memref_slice %arg7[%mul3A_2, %dma_start3A_11] : memref<10240x128xf32, #tpu.memory_space<vmem_shared>> -> memref<640x128xf32, #tpu.memory_space<vmem_shared>>
      tpu.enqueue_dma source(%dma_start3A_12 : memref<640x128xf32, #tpu.memory_space<vmem_shared>>) target(%dma_start3A_10 : memref<640x128xf32, #tpu.memory_space<hbm>>) target_semaphore(%run_scoped3A : memref<!tpu.dma_semaphore, #tpu.memory_space<semaphore_mem>>)
      %dma_wait3A = arith.constant 0 : i32
      %dma_wait3A_13 = tpu.memref_slice %arg6[%arg0, %mul3A_2, %dma_wait3A] : memref<2x10240x128xf32, #tpu.memory_space<hbm>> -> memref<1x640x128xf32, #tpu.memory_space<hbm>>
      %dma_wait3A_14 = tpu.memref_squeeze %dma_wait3A_13 : memref<1x640x128xf32, #tpu.memory_space<hbm>> -> memref<640x128xf32, #tpu.memory_space<hbm>>
      %dma_wait3A_15 = arith.constant 0 : i32
      %dma_wait3A_16 = tpu.memref_slice %arg7[%mul3A_2, %dma_wait3A_15] : memref<10240x128xf32, #tpu.memory_space<vmem_shared>> -> memref<640x128xf32, #tpu.memory_space<vmem_shared>>
      tpu.wait_dma2 semaphore(%run_scoped3A : memref<!tpu.dma_semaphore, #tpu.memory_space<semaphore_mem>>) src(%dma_wait3A_16 : memref<640x128xf32, #tpu.memory_space<vmem_shared>>) dst(%dma_wait3A_14 : memref<640x128xf32, #tpu.memory_space<hbm>>)
      tpu.yield
    }) : () -> ()
    return
  }
}

module attributes {stable_mosaic.version = 14 : i64} {
  func.func @body(%arg0: i32, %arg1: memref<1024x128xf32, #tpu.memory_space<vmem>>, %arg2: memref<1024x128xf32, #tpu.memory_space<vmem>>, %arg3: memref<1024x128xf32, #tpu.memory_space<vmem>>, %arg4: memref<1024x128xf32, #tpu.memory_space<vmem>>, %arg5: memref<1024x128xf32, #tpu.memory_space<vmem>>, %arg6: memref<16x128xf32, #tpu.memory_space<vmem>>, %arg7: memref<1x128xf32, #tpu.memory_space<vmem>>, %arg8: memref<128x128xf32, #tpu.memory_space<vmem>>, %arg9: memref<1x128xf32, #tpu.memory_space<vmem>>, %arg10: memref<128x128xf32, #tpu.memory_space<vmem>>, %arg11: memref<1024x128xf32, #tpu.memory_space<vmem>>) attributes {dimension_semantics = [#tpu.dimension_semantics<arbitrary>], iteration_bounds = array<i64: 10>, scalar_prefetch = 0 : i64, scratch_operands = 0 : i64, tpu.core_type = #tpu.core_type<tc>, window_params = [{transform_indices = @transform_0, window_bounds = array<i64: 1024, 128>}, {transform_indices = @transform_1, window_bounds = array<i64: 1024, 128>}, {transform_indices = @transform_2, window_bounds = array<i64: 1024, 128>}, {transform_indices = @transform_3, window_bounds = array<i64: 1024, 128>}, {transform_indices = @transform_4, window_bounds = array<i64: 1024, 128>}, {pipeline_mode = #tpu.pipeline_mode<synchronous>, transform_indices = @transform_5, window_bounds = array<i64: 16, 128>}, {pipeline_mode = #tpu.pipeline_mode<synchronous>, transform_indices = @transform_6, window_bounds = array<i64: 1, 128>}, {pipeline_mode = #tpu.pipeline_mode<synchronous>, transform_indices = @transform_7, window_bounds = array<i64: 128, 128>}, {pipeline_mode = #tpu.pipeline_mode<synchronous>, transform_indices = @transform_8, window_bounds = array<i64: 1, 128>}, {pipeline_mode = #tpu.pipeline_mode<synchronous>, transform_indices = @transform_9, window_bounds = array<i64: 128, 128>}, {transform_indices = @transform_10, window_bounds = array<i64: 1024, 128>}]} {
    %get3A = arith.constant 0 : index
    %get3A_0 = arith.constant 0 : index
    %get3A_1 = vector.load %arg3[%get3A, %get3A_0] : memref<1024x128xf32, #tpu.memory_space<vmem>>, vector<1024x128xf32>
    %get3A_2 = arith.constant 0 : index
    %get3A_3 = arith.constant 0 : index
    %get3A_4 = vector.load %arg4[%get3A_2, %get3A_3] : memref<1024x128xf32, #tpu.memory_space<vmem>>, vector<1024x128xf32>
    %add3A = arith.addf %get3A_1, %get3A_4 : vector<1024x128xf32>
    %slice3A = vector.extract_strided_slice %add3A {offsets = [0, 0], sizes = [1024, 16], strides = [1, 1]} : vector<1024x128xf32> to vector<1024x16xf32>
    %slice3A_5 = vector.extract_strided_slice %add3A {offsets = [0, 16], sizes = [1024, 1], strides = [1, 1]} : vector<1024x128xf32> to vector<1024x1xf32>
    %get3A_6 = arith.constant 0 : index
    %get3A_7 = arith.constant 0 : index
    %get3A_8 = vector.load %arg1[%get3A_6, %get3A_7] : memref<1024x128xf32, #tpu.memory_space<vmem>>, vector<1024x128xf32>
    %get3A_9 = arith.constant 0 : index
    %get3A_10 = arith.constant 0 : index
    %get3A_11 = vector.load %arg2[%get3A_9, %get3A_10] : memref<1024x128xf32, #tpu.memory_space<vmem>>, vector<1024x128xf32>
    %add3A_12 = arith.addf %get3A_8, %get3A_11 : vector<1024x128xf32>
    %get3A_13 = arith.constant 0 : index
    %get3A_14 = arith.constant 0 : index
    %get3A_15 = vector.load %arg6[%get3A_13, %get3A_14] : memref<16x128xf32, #tpu.memory_space<vmem>>, vector<16x128xf32>
    %dot_general3A = arith.constant dense<0.000000e+00> : vector<1024x128xf32>
    %dot_general3A_16 = tpu.matmul %slice3A, %get3A_15, %dot_general3A {dimension_numbers = #tpu.dot_dimension_numbers<[1], [0], [0], [1], [0, 0, 1, 1], [], []>, transpose_lhs_hint = false} : vector<1024x16xf32>, vector<16x128xf32>, vector<1024x128xf32> -> vector<1024x128xf32>
    %add3A_17 = arith.addf %add3A_12, %dot_general3A_16 : vector<1024x128xf32>
    %get3A_18 = arith.constant 0 : index
    %get3A_19 = arith.constant 0 : index
    %get3A_20 = vector.load %arg7[%get3A_18, %get3A_19] : memref<1x128xf32, #tpu.memory_space<vmem>>, vector<1x128xf32>
    %mul3A = vector.broadcast %slice3A_5 : vector<1024x1xf32> to vector<1024x128xf32>
    %mul3A_21 = vector.broadcast %get3A_20 : vector<1x128xf32> to vector<1024x128xf32>
    %mul3A_22 = arith.mulf %mul3A, %mul3A_21 : vector<1024x128xf32>
    %add3A_23 = arith.addf %add3A_17, %mul3A_22 : vector<1024x128xf32>
    %max3A = arith.constant 1.000000e+00 : f32
    %max3A_24 = vector.broadcast %max3A : f32 to vector<1024x1xf32>
    %max3A_25 = arith.maximumf %slice3A_5, %max3A_24 : vector<1024x1xf32>
    %div3A = vector.broadcast %max3A_25 : vector<1024x1xf32> to vector<1024x128xf32>
    %div3A_26 = arith.divf %add3A_23, %div3A : vector<1024x128xf32>
    %get3A_27 = arith.constant 0 : index
    %get3A_28 = arith.constant 0 : index
    %get3A_29 = vector.load %arg8[%get3A_27, %get3A_28] : memref<128x128xf32, #tpu.memory_space<vmem>>, vector<128x128xf32>
    %dot_general3A_30 = arith.constant dense<0.000000e+00> : vector<1024x128xf32>
    %dot_general3A_31 = tpu.matmul %div3A_26, %get3A_29, %dot_general3A_30 {dimension_numbers = #tpu.dot_dimension_numbers<[1], [0], [0], [1], [0, 0, 1, 1], [], []>, transpose_lhs_hint = false} : vector<1024x128xf32>, vector<128x128xf32>, vector<1024x128xf32> -> vector<1024x128xf32>
    %get3A_32 = arith.constant 0 : index
    %get3A_33 = arith.constant 0 : index
    %get3A_34 = vector.load %arg9[%get3A_32, %get3A_33] : memref<1x128xf32, #tpu.memory_space<vmem>>, vector<1x128xf32>
    %add3A_35 = vector.broadcast %get3A_34 : vector<1x128xf32> to vector<1024x128xf32>
    %add3A_36 = arith.addf %dot_general3A_31, %add3A_35 : vector<1024x128xf32>
    %get3A_37 = arith.constant 0 : index
    %get3A_38 = arith.constant 0 : index
    %get3A_39 = vector.load %arg5[%get3A_37, %get3A_38] : memref<1024x128xf32, #tpu.memory_space<vmem>>, vector<1024x128xf32>
    %get3A_40 = arith.constant 0 : index
    %get3A_41 = arith.constant 0 : index
    %get3A_42 = vector.load %arg10[%get3A_40, %get3A_41] : memref<128x128xf32, #tpu.memory_space<vmem>>, vector<128x128xf32>
    %dot_general3A_43 = arith.constant dense<0.000000e+00> : vector<1024x128xf32>
    %dot_general3A_44 = tpu.matmul %get3A_39, %get3A_42, %dot_general3A_43 {dimension_numbers = #tpu.dot_dimension_numbers<[1], [0], [0], [1], [0, 0, 1, 1], [], []>, transpose_lhs_hint = false} : vector<1024x128xf32>, vector<128x128xf32>, vector<1024x128xf32> -> vector<1024x128xf32>
    %add3A_45 = arith.addf %add3A_36, %dot_general3A_44 : vector<1024x128xf32>
    %max3A_46 = arith.constant 0.000000e+00 : f32
    %max3A_47 = vector.broadcast %max3A_46 : f32 to vector<1024x128xf32>
    %max3A_48 = arith.maximumf %add3A_45, %max3A_47 : vector<1024x128xf32>
    %swap3A = arith.constant 0 : index
    %swap3A_49 = arith.constant 0 : index
    %swap3A_50 = vector.load %arg11[%swap3A, %swap3A_49] : memref<1024x128xf32, #tpu.memory_space<vmem>>, vector<1024x128xf32>
    tpu.vector_store %arg11[%swap3A, %swap3A_49], %max3A_48 {strides = array<i32>} : memref<1024x128xf32, #tpu.memory_space<vmem>>, vector<1024x128xf32>,
    return
  }
  func.func @transform_0(%arg0: i32) -> (i32, i32) {
    %c0_i32 = arith.constant 0 : i32
    %c0_i32_0 = arith.constant 0 : i32
    return %arg0, %c0_i32 : i32, i32
  }
  func.func @transform_1(%arg0: i32) -> (i32, i32) {
    %c0_i32 = arith.constant 0 : i32
    %c0_i32_0 = arith.constant 0 : i32
    return %arg0, %c0_i32 : i32, i32
  }
  func.func @transform_2(%arg0: i32) -> (i32, i32) {
    %c0_i32 = arith.constant 0 : i32
    %c0_i32_0 = arith.constant 0 : i32
    return %arg0, %c0_i32 : i32, i32
  }
  func.func @transform_3(%arg0: i32) -> (i32, i32) {
    %c0_i32 = arith.constant 0 : i32
    %c0_i32_0 = arith.constant 0 : i32
    return %arg0, %c0_i32 : i32, i32
  }
  func.func @transform_4(%arg0: i32) -> (i32, i32) {
    %c0_i32 = arith.constant 0 : i32
    %c0_i32_0 = arith.constant 0 : i32
    return %arg0, %c0_i32 : i32, i32
  }
  func.func @transform_5(%arg0: i32) -> (i32, i32) {
    %c0_i32 = arith.constant 0 : i32
    %c0_i32_0 = arith.constant 0 : i32
    %c0_i32_1 = arith.constant 0 : i32
    return %c0_i32, %c0_i32_0 : i32, i32
  }
  func.func @transform_6(%arg0: i32) -> (i32, i32) {
    %c0_i32 = arith.constant 0 : i32
    %c0_i32_0 = arith.constant 0 : i32
    %c0_i32_1 = arith.constant 0 : i32
    return %c0_i32, %c0_i32_0 : i32, i32
  }
  func.func @transform_7(%arg0: i32) -> (i32, i32) {
    %c0_i32 = arith.constant 0 : i32
    %c0_i32_0 = arith.constant 0 : i32
    %c0_i32_1 = arith.constant 0 : i32
    return %c0_i32, %c0_i32_0 : i32, i32
  }
  func.func @transform_8(%arg0: i32) -> (i32, i32) {
    %c0_i32 = arith.constant 0 : i32
    %c0_i32_0 = arith.constant 0 : i32
    %c0_i32_1 = arith.constant 0 : i32
    return %c0_i32, %c0_i32_0 : i32, i32
  }
  func.func @transform_9(%arg0: i32) -> (i32, i32) {
    %c0_i32 = arith.constant 0 : i32
    %c0_i32_0 = arith.constant 0 : i32
    %c0_i32_1 = arith.constant 0 : i32
    return %c0_i32, %c0_i32_0 : i32, i32
  }
  func.func @transform_10(%arg0: i32) -> (i32, i32) {
    %c0_i32 = arith.constant 0 : i32
    %c0_i32_0 = arith.constant 0 : i32
    return %arg0, %c0_i32 : i32, i32
  }
}

module attributes {stable_mosaic.version = 14 : i64} {
  func.func @body(%arg0: i32, %arg1: memref<1024x128xf32, #tpu.memory_space<vmem>>, %arg2: memref<1024x128xf32, #tpu.memory_space<vmem>>, %arg3: memref<1024x128xf32, #tpu.memory_space<vmem>>, %arg4: memref<1024x128xf32, #tpu.memory_space<vmem>>, %arg5: memref<1024x128xf32, #tpu.memory_space<vmem>>, %arg6: memref<16x128xf32, #tpu.memory_space<vmem>>, %arg7: memref<1x128xf32, #tpu.memory_space<vmem>>, %arg8: memref<128x128xf32, #tpu.memory_space<vmem>>, %arg9: memref<1x128xf32, #tpu.memory_space<vmem>>, %arg10: memref<128x128xf32, #tpu.memory_space<vmem>>, %arg11: memref<1024x128xf32, #tpu.memory_space<vmem>>) attributes {dimension_semantics = [#tpu.dimension_semantics<arbitrary>], iteration_bounds = array<i64: 10>, scalar_prefetch = 0 : i64, scratch_operands = 0 : i64, tpu.core_type = #tpu.core_type<tc>, window_params = [{transform_indices = @transform_0, window_bounds = array<i64: 1024, 128>}, {transform_indices = @transform_1, window_bounds = array<i64: 1024, 128>}, {transform_indices = @transform_2, window_bounds = array<i64: 1024, 128>}, {transform_indices = @transform_3, window_bounds = array<i64: 1024, 128>}, {transform_indices = @transform_4, window_bounds = array<i64: 1024, 128>}, {pipeline_mode = #tpu.pipeline_mode<synchronous>, transform_indices = @transform_5, window_bounds = array<i64: 16, 128>}, {pipeline_mode = #tpu.pipeline_mode<synchronous>, transform_indices = @transform_6, window_bounds = array<i64: 1, 128>}, {pipeline_mode = #tpu.pipeline_mode<synchronous>, transform_indices = @transform_7, window_bounds = array<i64: 128, 128>}, {pipeline_mode = #tpu.pipeline_mode<synchronous>, transform_indices = @transform_8, window_bounds = array<i64: 1, 128>}, {pipeline_mode = #tpu.pipeline_mode<synchronous>, transform_indices = @transform_9, window_bounds = array<i64: 128, 128>}, {transform_indices = @transform_10, window_bounds = array<i64: 1024, 128>}]} {
    %get3A = arith.constant 0 : index
    %get3A_0 = arith.constant 0 : index
    %get3A_1 = vector.load %arg3[%get3A, %get3A_0] : memref<1024x128xf32, #tpu.memory_space<vmem>>, vector<1024x128xf32>
    %get3A_2 = arith.constant 0 : index
    %get3A_3 = arith.constant 0 : index
    %get3A_4 = vector.load %arg4[%get3A_2, %get3A_3] : memref<1024x128xf32, #tpu.memory_space<vmem>>, vector<1024x128xf32>
    %add3A = arith.addf %get3A_1, %get3A_4 : vector<1024x128xf32>
    %slice3A = vector.extract_strided_slice %add3A {offsets = [0, 0], sizes = [1024, 16], strides = [1, 1]} : vector<1024x128xf32> to vector<1024x16xf32>
    %slice3A_5 = vector.extract_strided_slice %add3A {offsets = [0, 16], sizes = [1024, 1], strides = [1, 1]} : vector<1024x128xf32> to vector<1024x1xf32>
    %get3A_6 = arith.constant 0 : index
    %get3A_7 = arith.constant 0 : index
    %get3A_8 = vector.load %arg1[%get3A_6, %get3A_7] : memref<1024x128xf32, #tpu.memory_space<vmem>>, vector<1024x128xf32>
    %get3A_9 = arith.constant 0 : index
    %get3A_10 = arith.constant 0 : index
    %get3A_11 = vector.load %arg2[%get3A_9, %get3A_10] : memref<1024x128xf32, #tpu.memory_space<vmem>>, vector<1024x128xf32>
    %add3A_12 = arith.addf %get3A_8, %get3A_11 : vector<1024x128xf32>
    %get3A_13 = arith.constant 0 : index
    %get3A_14 = arith.constant 0 : index
    %get3A_15 = vector.load %arg6[%get3A_13, %get3A_14] : memref<16x128xf32, #tpu.memory_space<vmem>>, vector<16x128xf32>
    %dot_general3A = arith.constant dense<0.000000e+00> : vector<1024x128xf32>
    %dot_general3A_16 = tpu.matmul %slice3A, %get3A_15, %dot_general3A {dimension_numbers = #tpu.dot_dimension_numbers<[1], [0], [0], [1], [0, 0, 1, 1], [], []>, transpose_lhs_hint = false} : vector<1024x16xf32>, vector<16x128xf32>, vector<1024x128xf32> -> vector<1024x128xf32>
    %add3A_17 = arith.addf %add3A_12, %dot_general3A_16 : vector<1024x128xf32>
    %get3A_18 = arith.constant 0 : index
    %get3A_19 = arith.constant 0 : index
    %get3A_20 = vector.load %arg7[%get3A_18, %get3A_19] : memref<1x128xf32, #tpu.memory_space<vmem>>, vector<1x128xf32>
    %mul3A = vector.broadcast %slice3A_5 : vector<1024x1xf32> to vector<1024x128xf32>
    %mul3A_21 = vector.broadcast %get3A_20 : vector<1x128xf32> to vector<1024x128xf32>
    %mul3A_22 = arith.mulf %mul3A, %mul3A_21 : vector<1024x128xf32>
    %add3A_23 = arith.addf %add3A_17, %mul3A_22 : vector<1024x128xf32>
    %max3A = arith.constant 1.000000e+00 : f32
    %max3A_24 = vector.broadcast %max3A : f32 to vector<1024x1xf32>
    %max3A_25 = arith.maximumf %slice3A_5, %max3A_24 : vector<1024x1xf32>
    %div3A = vector.broadcast %max3A_25 : vector<1024x1xf32> to vector<1024x128xf32>
    %div3A_26 = arith.divf %add3A_23, %div3A : vector<1024x128xf32>
    %get3A_27 = arith.constant 0 : index
    %get3A_28 = arith.constant 0 : index
    %get3A_29 = vector.load %arg8[%get3A_27, %get3A_28] : memref<128x128xf32, #tpu.memory_space<vmem>>, vector<128x128xf32>
    %dot_general3A_30 = arith.constant dense<0.000000e+00> : vector<1024x128xf32>
    %dot_general3A_31 = tpu.matmul %div3A_26, %get3A_29, %dot_general3A_30 {dimension_numbers = #tpu.dot_dimension_numbers<[1], [0], [0], [1], [0, 0, 1, 1], [], []>, transpose_lhs_hint = false} : vector<1024x128xf32>, vector<128x128xf32>, vector<1024x128xf32> -> vector<1024x128xf32>
    %get3A_32 = arith.constant 0 : index
    %get3A_33 = arith.constant 0 : index
    %get3A_34 = vector.load %arg9[%get3A_32, %get3A_33] : memref<1x128xf32, #tpu.memory_space<vmem>>, vector<1x128xf32>
    %add3A_35 = vector.broadcast %get3A_34 : vector<1x128xf32> to vector<1024x128xf32>
    %add3A_36 = arith.addf %dot_general3A_31, %add3A_35 : vector<1024x128xf32>
    %get3A_37 = arith.constant 0 : index
    %get3A_38 = arith.constant 0 : index
    %get3A_39 = vector.load %arg5[%get3A_37, %get3A_38] : memref<1024x128xf32, #tpu.memory_space<vmem>>, vector<1024x128xf32>
    %get3A_40 = arith.constant 0 : index
    %get3A_41 = arith.constant 0 : index
    %get3A_42 = vector.load %arg10[%get3A_40, %get3A_41] : memref<128x128xf32, #tpu.memory_space<vmem>>, vector<128x128xf32>
    %dot_general3A_43 = arith.constant dense<0.000000e+00> : vector<1024x128xf32>
    %dot_general3A_44 = tpu.matmul %get3A_39, %get3A_42, %dot_general3A_43 {dimension_numbers = #tpu.dot_dimension_numbers<[1], [0], [0], [1], [0, 0, 1, 1], [], []>, transpose_lhs_hint = false} : vector<1024x128xf32>, vector<128x128xf32>, vector<1024x128xf32> -> vector<1024x128xf32>
    %add3A_45 = arith.addf %add3A_36, %dot_general3A_44 : vector<1024x128xf32>
    %logistic3A = arith.negf %add3A_45 : vector<1024x128xf32>
    %logistic3A_46 = math.exp %logistic3A : vector<1024x128xf32>
    %logistic3A_47 = arith.constant 1.000000e+00 : f32
    %logistic3A_48 = vector.broadcast %logistic3A_47 : f32 to vector<1024x128xf32>
    %logistic3A_49 = arith.addf %logistic3A_48, %logistic3A_46 : vector<1024x128xf32>
    %logistic3A_50 = arith.divf %logistic3A_48, %logistic3A_49 : vector<1024x128xf32>
    %swap3A = arith.constant 0 : index
    %swap3A_51 = arith.constant 0 : index
    %swap3A_52 = vector.load %arg11[%swap3A, %swap3A_51] : memref<1024x128xf32, #tpu.memory_space<vmem>>, vector<1024x128xf32>
    tpu.vector_store %arg11[%swap3A, %swap3A_51], %logistic3A_50 {strides = array<i32>} : memref<1024x128xf32, #tpu.memory_space<vmem>>, vector<1024x128xf32>,
    return
  }
  func.func @transform_0(%arg0: i32) -> (i32, i32) {
    %c0_i32 = arith.constant 0 : i32
    %c0_i32_0 = arith.constant 0 : i32
    return %arg0, %c0_i32 : i32, i32
  }
  func.func @transform_1(%arg0: i32) -> (i32, i32) {
    %c0_i32 = arith.constant 0 : i32
    %c0_i32_0 = arith.constant 0 : i32
    return %arg0, %c0_i32 : i32, i32
  }
  func.func @transform_2(%arg0: i32) -> (i32, i32) {
    %c0_i32 = arith.constant 0 : i32
    %c0_i32_0 = arith.constant 0 : i32
    return %arg0, %c0_i32 : i32, i32
  }
  func.func @transform_3(%arg0: i32) -> (i32, i32) {
    %c0_i32 = arith.constant 0 : i32
    %c0_i32_0 = arith.constant 0 : i32
    return %arg0, %c0_i32 : i32, i32
  }
  func.func @transform_4(%arg0: i32) -> (i32, i32) {
    %c0_i32 = arith.constant 0 : i32
    %c0_i32_0 = arith.constant 0 : i32
    return %arg0, %c0_i32 : i32, i32
  }
  func.func @transform_5(%arg0: i32) -> (i32, i32) {
    %c0_i32 = arith.constant 0 : i32
    %c0_i32_0 = arith.constant 0 : i32
    %c0_i32_1 = arith.constant 0 : i32
    return %c0_i32, %c0_i32_0 : i32, i32
  }
  func.func @transform_6(%arg0: i32) -> (i32, i32) {
    %c0_i32 = arith.constant 0 : i32
    %c0_i32_0 = arith.constant 0 : i32
    %c0_i32_1 = arith.constant 0 : i32
    return %c0_i32, %c0_i32_0 : i32, i32
  }
  func.func @transform_7(%arg0: i32) -> (i32, i32) {
    %c0_i32 = arith.constant 0 : i32
    %c0_i32_0 = arith.constant 0 : i32
    %c0_i32_1 = arith.constant 0 : i32
    return %c0_i32, %c0_i32_0 : i32, i32
  }
  func.func @transform_8(%arg0: i32) -> (i32, i32) {
    %c0_i32 = arith.constant 0 : i32
    %c0_i32_0 = arith.constant 0 : i32
    %c0_i32_1 = arith.constant 0 : i32
    return %c0_i32, %c0_i32_0 : i32, i32
  }
  func.func @transform_9(%arg0: i32) -> (i32, i32) {
    %c0_i32 = arith.constant 0 : i32
    %c0_i32_0 = arith.constant 0 : i32
    %c0_i32_1 = arith.constant 0 : i32
    return %c0_i32, %c0_i32_0 : i32, i32
  }
  func.func @transform_10(%arg0: i32) -> (i32, i32) {
    %c0_i32 = arith.constant 0 : i32
    %c0_i32_0 = arith.constant 0 : i32
    return %arg0, %c0_i32 : i32, i32
  }
}

</mosaic_0001>

<sc_bundles>
// kernel: kernel.11.cloned.1.call-start
scs
__scs_entry_jumppad:
0x0: {  	(pc) =	sbr.rel $0x88, $3  }
0x1: {  	(tag) =	ssettag $0x0;
	lr =	simm.s32 $0x1  }
0x2: {  	[smem:$0x3F92] =	sst lr;
	_ =	strace $0xD0000000  }
0x3: {  	_ = 	snop  }
0x4: {  	_ = 	snop  }
0x5: {  	_ = 	snop  }
0x6: {  	_ = 	snop  }
0x7: {  	_ = 	snop  }
__scs_overlays_trampoline_lowered:
0x8: {  	[smem:$0x3FA1] =	sst s0  }
0x9: {  	[smem:$0x3FA2] =	sst s1  }
0xa: {  	[smem:$0x3FA3] =	sst s2  }
0xb: {  	[smem:$0x3FA4] =	sst s3  }
0xc: {  	[smem:$0x3FA5] =	sst s4  }
0xd: {  	[smem:$0x3FA6] =	sst s5  }
0xe: {  	[smem:$0x3FA7] =	sst s6  }
0xf: {  	[smem:$0x3FA8] =	sst s7  }
0x10: {  	[smem:$0x3FA9] =	sst s8  }
0x11: {  	[smem:$0x3FAA] =	sst s9;
	s0 =	simm.s32 @!p0 $0x0  }
0x12: {  	s1 =	sld [smem:$0x3F90];
	s0 =	simm.s32 @p0 $0x1  }
0x13: {  	[smem:$0x3FAB] =	sst s0;
	s0 =	simm.s32 @!p1 $0x0  }
0x14: {  	s2 =	sld [smem:$0x3F8F];
	s0 =	simm.s32 @p1 $0x1  }
0x15: {  	[smem:$0x3FAC] =	sst s0;
	s0 =	simm.s32 @!p2 $0x0  }
0x16: {  	s3 =	sld [smem:$0x3FDB];
	s0 =	simm.s32 @p2 $0x1  }
0x17: {  	s4 =	simm.s32 $0x1BF5;
	[smem:$0x3FAE] =	sst s0  }
0x18: {  	s0 =	sld [smem:$0x3F91];
	_ =	swait.ge [sflag:s4], $0x0  }
0x19: {  	s7 =	sld [smem:$0x3F92]  }
0x1a: {  	s8 =	sadd.s32 $0xFFFFE003, lr  }
0x1b: {  	s9 =	sadd.s32 $0xFFFFFEF7, lr;
	s5 =	simm.s32 $0xFFFFFFFF;
	p2 =	slt.u32 s8, $0xFFFFF086  }
0x1c: {  	p1 =	slt.u32 s9, $0xF7A;
	s5 =	simm.s32 @!p2 $0x0  }
0x1d: {  	s5 =	simm.s32 @p1 $0x1;
	p0 =	seq.s32 s7, s2  }
0x1e: {  	s7 =	smul.u32 @!p0 $0xF7A, s2;
	p2 =	seq.s32 @!p0 s5, $0x0  }
0x1f: {  	s9 =	smul.u32 $0xF7A, s1;
	s8 =	simm.s32 @!p0 $0x1BF5;
	p2 =	por !p2, p0  }
0x20: {  	[sflag:s8] =	ssyncset.s32 @!p0 $0xFFFFF086;
	s6 =	sadd.s32 @!p0 s3, s7;
	s7 =	simm.s32 @!p0 $0x108  }
0x21: {  	s3 =	sadd.s32 s3, s9;
	s6 =	sadd.s32 @!p0 $0x88, s6;
	s7 =	simm.s32 @p2 $0x1082  }
0x22: {  	[simem:s7], [sflag:s8] =	dma.local @!p0 [hbm:s6], $0xF7A  }
0x23: {  	s9 =	sor.u32 $0xD0000000, s2;
	s6 =	simm.s32 $0x108;
	_ =	swait.ge @!p0 [sflag:s8], $0x0  }
0x24: {  	s3 =	sadd.s32 $0x88, s3;
	s6 =	simm.s32 @!p1 $0x1082;
	[sflag:s4] =	ssyncset.s32 $0xFFFFF086  }
0x25: {  	[simem:s6], [sflag:s4] =	dma.local [hbm:s3], $0xF7A  }
0x26: {  	[smem:$0x3F92] =	sst s1;
	(tag) =	ssettag s2;
	_ =	strace s9  }
0x27: {  	s1 =	sld [smem:$0x3FA2]  }
0x28: {  	s2 =	sld [smem:$0x3FA3]  }
0x29: {  	s4 =	sld [smem:$0x3FA5]  }
0x2a: {  	p0 =	seq.s32 s5, $0x0;
	s5 =	sld [smem:$0x3FA6]  }
0x2b: {  	s6 =	sld [smem:$0x3FA7]  }
0x2c: {  	s7 =	sld [smem:$0x3FA8]  }
0x2d: {  	s3 =	simm.s32 $0x108;
	s8 =	sld [smem:$0x3FA9]  }
0x2e: {  	s3 =	simm.s32 @!p0 $0x1082;
	s9 =	sld [smem:$0x3FAA]  }
0x2f: {  	lr =	sadd.s32 s0, s3;
	s0 =	sld [smem:$0x3FA1]  }
0x30: {  	s3 =	sld [smem:$0x3FA4]  }
0x31: {  	[smem:$0x3FAD] =	sst s10  }
0x32: {  	s10 =	sld [smem:$0x3FAB];
	_ =	sdelay $0x3  }
0x33: {  	p0 =	seq.s32 s10, $0x1;
	s10 =	sld [smem:$0x3FAD];
	_ =	sdelay $0x3  }
0x34: {  	[smem:$0x3FAD] =	sst s10  }
0x35: {  	s10 =	sld [smem:$0x3FAC];
	_ =	sdelay $0x3  }
0x36: {  	p1 =	seq.s32 s10, $0x1;
	s10 =	sld [smem:$0x3FAD];
	_ =	sdelay $0x3  }
0x37: {  	[smem:$0x3FAD] =	sst s10  }
0x38: {  	s10 =	sld [smem:$0x3FAE]  }
0x39: {  	_ = 	snop;
	(pc) =	sbr.ind lr, $3  }
0x3a: {  	_ = 	snop  }
0x3b: {  	_ = 	snop  }
0x3c: {  	p2 =	seq.s32 s10, $0x1;
	s10 =	sld [smem:$0x3FAD]  }
0x3d: {  	_ =	shalt  }
0x3e: {  	_ =	shalt  }
0x3f: {  	_ =	shalt  }
0x40: {  	_ =	shalt  }
0x41: {  	_ =	shalt  }
0x42: {  	_ =	shalt  }
0x43: {  	_ =	shalt  }
0x44: {  	_ =	shalt  }
0x45: {  	_ =	shalt  }
0x46: {  	_ =	shalt  }
0x47: {  	_ =	shalt  }
0x48: {  	_ =	shalt  }
0x49: {  	_ =	shalt  }
0x4a: {  	_ =	shalt  }
0x4b: {  	_ =	shalt  }
0x4c: {  	_ =	shalt  }
0x4d: {  	_ =	shalt  }
0x4e: {  	_ =	shalt  }
0x4f: {  	_ =	shalt  }
0x50: {  	_ =	shalt  }
0x51: {  	_ =	shalt  }
0x52: {  	_ =	shalt  }
0x53: {  	_ =	shalt  }
0x54: {  	_ =	shalt  }
0x55: {  	_ =	shalt  }
0x56: {  	_ =	shalt  }
0x57: {  	_ =	shalt  }
0x58: {  	_ =	shalt  }
0x59: {  	_ =	shalt  }
0x5a: {  	_ =	shalt  }
0x5b: {  	_ =	shalt  }
0x5c: {  	_ =	shalt  }
0x5d: {  	_ =	shalt  }
0x5e: {  	_ =	shalt  }
0x5f: {  	_ =	shalt  }
0x60: {  	_ =	shalt  }
0x61: {  	_ =	shalt  }
0x62: {  	_ =	shalt  }
0x63: {  	_ =	shalt  }
0x64: {  	_ =	shalt  }
0x65: {  	_ =	shalt  }
0x66: {  	_ =	shalt  }
0x67: {  	_ =	shalt  }
0x68: {  	_ =	shalt  }
0x69: {  	_ =	shalt  }
0x6a: {  	_ =	shalt  }
0x6b: {  	_ =	shalt  }
0x6c: {  	_ =	shalt  }
0x6d: {  	_ =	shalt  }
0x6e: {  	_ =	shalt  }
0x6f: {  	_ =	shalt  }
0x70: {  	_ =	shalt  }
0x71: {  	_ =	shalt  }
0x72: {  	_ =	shalt  }
0x73: {  	_ =	shalt  }
0x74: {  	_ =	shalt  }
0x75: {  	_ =	shalt  }
0x76: {  	_ =	shalt  }
0x77: {  	_ =	shalt  }
0x78: {  	_ =	shalt  }
0x79: {  	_ =	shalt  }
0x7a: {  	_ =	shalt  }
0x7b: {  	_ =	shalt  }
0x7c: {  	_ =	shalt  }
0x7d: {  	_ =	shalt  }
0x7e: {  	_ =	shalt  }
0x7f: {  	_ =	shalt  }
0x80: {  	_ =	shalt  }
0x81: {  	_ =	shalt  }
0x82: {  	_ =	shalt  }
0x83: {  	_ =	shalt  }
0x84: {  	_ =	shalt  }
0x85: {  	_ =	shalt  }
0x86: {  	_ =	shalt  }
0x87: {  	_ =	shalt  }
.Lfunc_end0:
.L_simem_size_0:
called_computation.1_lowered:
.L_overlay_start_0:
0x88: {  	s2 =	sld [smem:$0x3FD9]  }
0x89: {  	s3 =	sld [smem:$0x3FFE];
	_ =	sdelay $0x1  }
0x8a: {  	s1 =	srdreg.scid  }
0x8b: {  	s0 =	sand.u32 $0x1, s1  }
0x8c: {  	s16 =	sshll.u32 s0, $0xA;
	s2 =	sadd.s32 s3, s2  }
0x8d: {  	s2 =	sadd.s32 s2, s16  }
0x8e: {  	[smem:$0x3FB9] =	sst s2  }
0x8f: {  	_ = 	snop  }
0x90: {  	(tm) =	ssettm $0x1  }
0x91: {  	s17 =	sld [smem:$0x3FFB];
	_ =	sdelay $0x3  }
0x92: {  	_ =	strace s17  }
0x93: {  	s2 =	sld [smem:$0x3FFC];
	_ =	sdelay $0x3  }
0x94: {  	_ =	strace s2  }
0x95: {  	s2 =	sld [smem:$0x3FFD];
	_ =	sdelay $0x3  }
0x96: {  	_ =	strace s2  }
0x97: {  	_ =	strace $0x8FFFFFFF  }
0x98: {  	s18 =	sld [smem:$0x3FDB];
	_ =	sdelay $0x1  }
0x99: {  	s19 =	simm.s32 $_scs_section_size  }
0x9a: {  	s4 =	simm.s32 $_size__tile_overlayer_lowered;
	s5 =	simm.s32 $_tile_overlayer_lowered  }
0x9b: {  	s22 =	simm.s32 $0x1BFF;
	s21 =	sshll.u32 s5, $0x1;
	s2 =	sadd.s32 s19, s18  }
0x9c: {  	s6 =	simm.s32 $0x0;
	s20 =	sshll.u32 s4, $0x1;
	s4 =	sadd.s32 s21, s2  }
0x9d: {  	[timem:s6], [sflag:s22] =	dma.local [hbm:s4], s20  }
0x9e: {  	_ =	swait.ge [sflag:s22], s20  }
0x9f: {  	s3 =	ssub.s32 $0x0, s20;
	[sflag:s22] =	ssyncset.done $0x0  }
0xa0: {  	[sflag:s22] =	ssyncadd.s32 s3;
	_ =	sdelay $0x1  }
0xa1: {  	s23 =	simm.s32 $0x1B8B  }
0xa2: {  	_ =	swait.ge [sflag:s23], $0x1  }
0xa3: {  	[sflag:s23] =	ssyncset.done $0x0  }
0xa4: {  	s25 =	simm.s32 $0x1B8E;
	s24 =	sld [smem:$0x3FFE];
	[sflag:s23] =	ssyncadd.s32 $0xFFFFFFFF  }
0xa5: {  	s26 =	simm.s32 $execute0_lowered;
	[smem:$0x3FD2] =	sst s25  }
0xa6: {  	s4 =	sshll.u32 s26, $0x1;
	_ =	strace $0x80000046;
	[dreg:$0x1] =	wrdreg $0xFFFFFFFF  }
0xa7: {  	s28 =	simm.s32 $_size_execute0_lowered;
	s2 =	sadd.s32 s2, s4;
	[dreg:$0x0] =	wrdreg $0x0  }
0xa8: {  	s4 =	sshll.u32 s28, $0x1;
	[dreg:$0x2] =	wrdreg s2  }
0xa9: {  	[dreg:$0x3] =	wrdreg s4  }
0xaa: {  	[dreg:$0x4] =	wrdreg $0xC0  }
0xab: {  	_ =	task [dreg:s6], $0x5FFFF  }
0xac: {  	[dreg:$0x1] =	wrdreg $0xFFFFFFFF  }
0xad: {  	[dreg:$0x0] =	wrdreg $0x60  }
0xae: {  	[dreg:$0x2] =	wrdreg s24  }
0xaf: {  	[dreg:$0x3] =	wrdreg $0x0  }
0xb0: {  	[dreg:$0x4] =	wrdreg $0xB  }
0xb1: {  	_ =	task.clear_ibuf [dreg:s6], $0x5FFFF;
	_ =	strace $0x90000046  }
0xb2: {  	s29 =	simm.s32 $0xB;
	_ =	strace $0x80000048  }
0xb3: {  	_ =	swait.ge [sflag:s29], $0x1  }
0xb4: {  	[sflag:s29] =	ssyncadd.s32 $0xFFFFFFFF  }
0xb5: {  	_ =	strace $0x90000048  }
0xb6: {  	_ =	sfence  }
0xb7: {  	s30 =	sld [smem:$0x0];
	_ =	sdelay $0x2  }
0xb8: {  	s31 =	sshll.u32 s1, $0xD;
	s1 =	sshrl.u32 s1, $0x2  }
0xb9: {  	s3 =	sand.u32 $0x4000, s31;
	s1 =	sadd.s32 s1, s30  }
0xba: {  	s0 =	sor.u32 s3, s0;
	s1 =	sshll.u32 s1, $0x11  }
0xbb: {  	s0 =	sor.u32 s1, s0  }
0xbc: {  	s0 =	sadd.s32 $0x8F2B, s0  }
0xbd: {  	[sflag:s0] =	ssyncadd.remote.s32 $0x1  }
0xbe: {  	_ =	sfence.sel $0xFFFF  }
0xbf: {  	[dreg:$0x0] =	wrdreg $0xFFFFFFFF;
	(pc) =	sbr.abs _section_cstart, $3  }
0xc0: {  	[dreg:$0x1] =	wrdreg $0xFFFFFFFF  }
0xc1: {  	_ =	task.clear_ibuf [dreg:s6], $0x2FFFF;
	_ =	strace $0x9FFFFFFF  }
0xc2: {  	(tm) =	ssettm $0x7FFFFFFF  }
0xc3: {  	_ =	shalt  }
tec
execute0_lowered:
.L_overlay_start_1:
0x0: {  	(tag) =	ssettag $0x1  }
0x1: {  	s0 =	srdreg.scid  }
0x2: {  	s6 =	rddreg [dreg:$0x0];
	s5 =	sand.u32 $0x1, s0  }
0x3: {  	s0 =	stileid.u32;
	s4 =	smul.u32 $0x278000, s5  }
0x4: {  	s2 =	rddreg [dreg:$0x1];
	s7 =	smul.u32 $0x27800, s0  }
0x5: {  	s13 =	simm.s32 $0x19400;
	s14 =	simm.s32 $0x19000;
	s26 =	smul.u32 $0x140000, s5  }
0x6: {  	s15 =	simm.s32 $0x40;
	s16 =	simm.s32 $0x0;
	s9 =	smul.u32 $0x14000, s0  }
0x7: {  	s1 =	sshll.u32 s5, $0x4;
	s28 =	ssub.s32 $0x2, s5;
	s11 =	smul.u32 $0x50000, s0  }
0x8: {  	s5 =	sadd.s32 $0xCCA00, s6;
	s31 =	sshll.u32 s0, $0x6;
	s3 =	sor.u32 s0, s1  }
0x9: {  	s1 =	rddreg [dreg:$0x2];
	s29 =	sshrl.u32 s28, $0x1;
	s8 =	smul.u32 $0xA00, s3  }
0xa: {  	s3 =	simm.s32 $0x0;
	s4 =	sadd.s32 s7, s4;
	s7 =	sadd.s32 s9, s26  }
0xb: {  	s9 =	ssub.s32 s28, s29;
	s30 =	sshrl.u32 s11, $0x2;
	[smem:$0x7FF] =	sst s3  }
0xc: {  	s4 =	sshrl.u32 s4, $0x3;
	s7 =	sshrl.u32 s7, $0x3;
	s11 =	sadd.s32 s30, s2  }
0xd: {  	s9 =	smax.u32 s9, $0x1;
	_ =	strace $0x80000047;
	s10 =	sadd.s32 s4, s6  }
0xe: {  	s8 =	sadd.s32 s8, s6;
	s4 =	sadd.s32 $0xCA200, s6;
	s12 =	sadd.s32 s7, s6  }
0xf: {  	s6 =	sor.u32 $0x1C01, s31;
	s11 =	sshrl.u32 s11, $0x3;
	s7 =	sadd.s32 $0x18200, s8  }
0x10: {  	s8 =	sadd.s32 $0xCCE00, s12;
	s10 =	sadd.s32 $0x2C200, s10;
	s12 =	simm.s32 $0x1  }
.LBB2_1:
0x11: {  	[spmem:s11], [sflag:s6] =	dma.local [hbm:s4], $0x2800  }
0x12: {  	_ =	swait.ge [sflag:s12], $0x2800  }
0x13: {  	[sflag:s12] =	ssyncset.done $0x0  }
0x14: {  	s17 =	simm.s32 $0x14000;
	[sflag:s12] =	ssyncadd.s32 $0xFFFFD800  }
0x15: {  	[tilespmem:s17], [sflag:$0x1] =	stream.linear.gather [hbm4b:s7+s3], $0x4F00, $0x38;
	[tilespmem:$0x1B400] =	vst v63  }
0x16: {  	_ =	swait.ge [sflag:s12], $0x4F00  }
0x17: {  	[sflag:s12] =	ssyncset.done $0x0  }
0x18: {  	[sflag:s12] =	ssyncadd.s32 $0xFFFFB100  }
0x19: {  	[tilespmem:s13], [sflag:$0x1] =	stream.linear.gather [hbm4b:s5+s3], $0x2000, $0x38;
	[tilespmem:$0x1B400] =	vst v63  }
0x1a: {  	_ =	swait.ge [sflag:s12], $0x2000  }
0x1b: {  	[sflag:s12] =	ssyncset.done $0x0  }
0x1c: {  	[sflag:s12] =	ssyncadd.s32 $0xFFFFE000  }
0x1d: {  	s18 =	simm.s32 $0x0;
	[bflag:$0x0] =	sbarrier.arrive $0xFFFF  }
.LBB2_2:
0x1e: {  	s19 =	sadd.s32 s18, s10  }
0x1f: {  	[tilespmem:s14], [sflag:$0x1] =	stream.linear.gather [hbm4b:s19+s3], $0x400, $0x38;
	[tilespmem:$0x1B400] =	vst v63  }
0x20: {  	_ =	swait.ge [sflag:s12], $0x400  }
0x21: {  	[sflag:s12] =	ssyncset.done $0x0  }
0x22: {  	[sflag:s12] =	ssyncadd.s32 $0xFFFFFC00  }
0x23: {  	v0 =	vld [tilespmem:$0x19000]  }
0x24: {  	v1 =	vld [tilespmem:$0x19010]  }
0x25: {  	v2 =	vld [tilespmem:$0x19020]  }
0x26: {  	v3 =	vld [tilespmem:$0x19030]  }
0x27: {  	v4 =	vld [tilespmem:$0x19040]  }
0x28: {  	v61 =	vld [tilespmem:$0x19050];
	[tilespmem:$0x19400] =	vst v0  }
0x29: {  	v62 =	vld [tilespmem:$0x19060];
	[tilespmem:$0x19480] =	vst v1  }
0x2a: {  	v63 =	vld [tilespmem:$0x19070];
	[tilespmem:$0x19500] =	vst v2  }
0x2b: {  	v8 =	vld [tilespmem:$0x19080];
	[tilespmem:$0x19580] =	vst v3  }
0x2c: {  	v9 =	vld [tilespmem:$0x19090];
	[tilespmem:$0x19600] =	vst v4  }
0x2d: {  	v10 =	vld [tilespmem:$0x190A0];
	[tilespmem:$0x19680] =	vst v61  }
0x2e: {  	v11 =	vld [tilespmem:$0x190B0];
	[tilespmem:$0x19700] =	vst v62  }
0x2f: {  	v12 =	vld [tilespmem:$0x190C0];
	[tilespmem:$0x19780] =	vst v63  }
0x30: {  	v13 =	vld [tilespmem:$0x190D0];
	[tilespmem:$0x19800] =	vst v8  }
0x31: {  	v14 =	vld [tilespmem:$0x190E0];
	[tilespmem:$0x19880] =	vst v9  }
0x32: {  	v15 =	vld [tilespmem:$0x190F0];
	[tilespmem:$0x19900] =	vst v10  }
0x33: {  	v16 =	vld [tilespmem:$0x19100];
	[tilespmem:$0x19980] =	vst v11  }
0x34: {  	v17 =	vld [tilespmem:$0x19110];
	[tilespmem:$0x19A00] =	vst v12  }
0x35: {  	v18 =	vld [tilespmem:$0x19120];
	[tilespmem:$0x19A80] =	vst v13  }
0x36: {  	v19 =	vld [tilespmem:$0x19130];
	[tilespmem:$0x19B00] =	vst v14  }
0x37: {  	v20 =	vld [tilespmem:$0x19140];
	[tilespmem:$0x19B80] =	vst v15  }
0x38: {  	v21 =	vld [tilespmem:$0x19150];
	[tilespmem:$0x19C00] =	vst v16  }
0x39: {  	v22 =	vld [tilespmem:$0x19160];
	[tilespmem:$0x19C80] =	vst v17  }
0x3a: {  	v23 =	vld [tilespmem:$0x19170];
	[tilespmem:$0x19D00] =	vst v18  }
0x3b: {  	v24 =	vld [tilespmem:$0x19180];
	[tilespmem:$0x19D80] =	vst v19  }
0x3c: {  	v25 =	vld [tilespmem:$0x19190];
	[tilespmem:$0x19E00] =	vst v20  }
0x3d: {  	v26 =	vld [tilespmem:$0x191A0];
	[tilespmem:$0x19E80] =	vst v21  }
0x3e: {  	v27 =	vld [tilespmem:$0x191B0];
	[tilespmem:$0x19F00] =	vst v22  }
0x3f: {  	v28 =	vld [tilespmem:$0x191C0];
	[tilespmem:$0x19F80] =	vst v23  }
0x40: {  	v29 =	vld [tilespmem:$0x191D0];
	[tilespmem:$0x1A000] =	vst v24  }
0x41: {  	v30 =	vld [tilespmem:$0x191E0];
	[tilespmem:$0x1A080] =	vst v25  }
0x42: {  	v31 =	vld [tilespmem:$0x191F0];
	[tilespmem:$0x1A100] =	vst v26  }
0x43: {  	v32 =	vld [tilespmem:$0x19200];
	[tilespmem:$0x1A180] =	vst v27  }
0x44: {  	v33 =	vld [tilespmem:$0x19210];
	[tilespmem:$0x1A200] =	vst v28  }
0x45: {  	v34 =	vld [tilespmem:$0x19220];
	[tilespmem:$0x1A280] =	vst v29  }
0x46: {  	v35 =	vld [tilespmem:$0x19230];
	[tilespmem:$0x1A300] =	vst v30  }
0x47: {  	v36 =	vld [tilespmem:$0x19240];
	[tilespmem:$0x1A380] =	vst v31  }
0x48: {  	v37 =	vld [tilespmem:$0x19250];
	[tilespmem:$0x1A400] =	vst v32  }
0x49: {  	v38 =	vld [tilespmem:$0x19260];
	[tilespmem:$0x1A480] =	vst v33  }
0x4a: {  	v39 =	vld [tilespmem:$0x19270];
	[tilespmem:$0x1A500] =	vst v34  }
0x4b: {  	v40 =	vld [tilespmem:$0x19280];
	[tilespmem:$0x1A580] =	vst v35  }
0x4c: {  	v41 =	vld [tilespmem:$0x19290];
	[tilespmem:$0x1A600] =	vst v36  }
0x4d: {  	v42 =	vld [tilespmem:$0x192A0];
	[tilespmem:$0x1A680] =	vst v37  }
0x4e: {  	v43 =	vld [tilespmem:$0x192B0];
	[tilespmem:$0x1A700] =	vst v38  }
0x4f: {  	v44 =	vld [tilespmem:$0x192C0];
	[tilespmem:$0x1A780] =	vst v39  }
0x50: {  	v45 =	vld [tilespmem:$0x192D0];
	[tilespmem:$0x1A800] =	vst v40  }
0x51: {  	v46 =	vld [tilespmem:$0x192E0];
	[tilespmem:$0x1A880] =	vst v41  }
0x52: {  	v47 =	vld [tilespmem:$0x192F0];
	[tilespmem:$0x1A900] =	vst v42  }
0x53: {  	v48 =	vld [tilespmem:$0x19300];
	[tilespmem:$0x1A980] =	vst v43  }
0x54: {  	v49 =	vld [tilespmem:$0x19310];
	[tilespmem:$0x1AA00] =	vst v44  }
0x55: {  	v50 =	vld [tilespmem:$0x19320];
	[tilespmem:$0x1AA80] =	vst v45  }
0x56: {  	v51 =	vld [tilespmem:$0x19330];
	[tilespmem:$0x1AB00] =	vst v46  }
0x57: {  	v52 =	vld [tilespmem:$0x19340];
	[tilespmem:$0x1AB80] =	vst v47  }
0x58: {  	v53 =	vld [tilespmem:$0x19350];
	[tilespmem:$0x1AC00] =	vst v48  }
0x59: {  	v54 =	vld [tilespmem:$0x19360];
	[tilespmem:$0x1AC80] =	vst v49  }
0x5a: {  	v55 =	vld [tilespmem:$0x19370];
	[tilespmem:$0x1AD00] =	vst v50  }
0x5b: {  	v56 =	vld [tilespmem:$0x19380];
	[tilespmem:$0x1AD80] =	vst v51  }
0x5c: {  	v57 =	vld [tilespmem:$0x19390];
	[tilespmem:$0x1AE00] =	vst v52  }
0x5d: {  	v58 =	vld [tilespmem:$0x193A0];
	[tilespmem:$0x1AE80] =	vst v53  }
0x5e: {  	v59 =	vld [tilespmem:$0x193B0];
	[tilespmem:$0x1AF00] =	vst v54  }
0x5f: {  	v60 =	vld [tilespmem:$0x193C0];
	[tilespmem:$0x1AF80] =	vst v55  }
0x60: {  	[tilespmem:$0x1B000] =	vst v56;
	v61 =	vld [tilespmem:$0x193D0]  }
0x61: {  	[tilespmem:$0x1B080] =	vst v57;
	v62 =	vld [tilespmem:$0x193E0]  }
0x62: {  	[tilespmem:$0x1B100] =	vst v58;
	v63 =	vld [tilespmem:$0x193F0]  }
0x63: {  	[tilespmem:$0x1B180] =	vst v59  }
0x64: {  	[tilespmem:$0x1B200] =	vst v60  }
0x65: {  	[tilespmem:$0x1B280] =	vst v61  }
0x66: {  	p0 =	sne.s32 s18, $0x4E80;
	[tilespmem:$0x1B300] =	vst v62  }
.Ltmp0:
0x67: {  	[tilespmem:$0x1B380] =	vst v63;
	(pc) =	sbr.rel @p0 .LBB2_2-.Ltmp0, $4  }
0x68: {  	[spmem:s2] =	stream.indirect.scatter.add.f32 [tilespmem:s13], [sflag:$0x1], $0x80, s17, s15, $0xb8;
	[tilespmem:$0x1B400] =	vst v63  }
0x69: {  	_ =	swait.ge [sflag:s12], $0x2000  }
0x6a: {  	[sflag:s12] =	ssyncset.done $0x0  }
0x6b: {  	s18 =	sadd.s32 $0x80, s18;
	s17 =	sadd.s32 $0x80, s17;
	[sflag:s12] =	ssyncadd.s32 $0xFFFFE000  }
0x6c: {  	s16 =	sadd.s32 $0x1, s16  }
0x6d: {  	p0 =	sne.s32 s16, s9  }
.Ltmp1:
0x6e: {  	[bflag:$0x0] =	sbarrier.arrive $0xFFFF;
	(pc) =	sbr.rel @p0 .LBB2_1-.Ltmp1, $4  }
0x6f: {  	[hbm:s8], [sflag:s6] =	dma.local [spmem:s11], $0x2800  }
0x70: {  	_ =	swait.ge [sflag:s12], $0x2800  }
0x71: {  	[sflag:s12] =	ssyncset.done $0x0  }
0x72: {  	[sflag:s12] =	ssyncadd.s32 $0xFFFFD800  }
0x73: {  	_ =	sfence.sel $0x180000  }
0x74: {  	[bflag:$0x0] =	sbarrier.arrive $0xFFFF  }
0x75: {  	p0 =	sne.s32 s0, $0x0;
	_ =	strace $0x90000047  }
0x76: {  	s0 =	sadd.s32 @!p0 $0x100000, s1;
	[bflag:$0x2] =	sbarrier.arrive $0xFFFF  }
0x77: {  	[sflag:s0] =	ssyncadd.tile.s32 @!p0 $0x1;
	_ =	shalt  }
.Lfunc_end2:
_tile_overlayer_lowered:
.L_overlay_start_2:
0x78: {  	(tag) =	ssettag $0x2  }
0x79: {  	s0 =	rddreg [dreg:$0x0];
	s2 =	stileid.u32  }
0x7a: {  	s1 =	rddreg [dreg:$0x1];
	p0 =	sne.s32 s2, $0x0  }
0x7b: {  	s3 =	rddreg [dreg:$0x2];
	[bflag:$0x3] =	sbarrier.arrive $0xFFFF;
	s2 =	simm.s32 @!p0 $0x1C01  }
0x7c: {  	[timem:s3], [sflag:s2] =	dma.local @!p0 [hbm:s0], s1  }
0x7d: {  	s0 =	simm.s32 @!p0 $0x1  }
0x7e: {  	_ =	swait.ge @!p0 [sflag:s0], s1  }
0x7f: {  	s1 =	ssub.s32 @!p0 $0x0, s1;
	[sflag:s0] =	ssyncset.done @!p0 $0x0  }
0x80: {  	[sflag:s0] =	ssyncadd.s32 @!p0 s1  }
0x81: {  	[bflag:$0x3] =	sbarrier.arrive $0xFFFF  }
0x82: {  	_ =	shalt  }

// kernel: kernel.14.cloned.1.call-start
scs
__scs_entry_jumppad:
0x0: {  	(pc) =	sbr.rel $0x88, $3  }
0x1: {  	(tag) =	ssettag $0x0;
	lr =	simm.s32 $0x1  }
0x2: {  	[smem:$0x3F92] =	sst lr;
	_ =	strace $0xD0000000  }
0x3: {  	_ = 	snop  }
0x4: {  	_ = 	snop  }
0x5: {  	_ = 	snop  }
0x6: {  	_ = 	snop  }
0x7: {  	_ = 	snop  }
__scs_overlays_trampoline_lowered:
0x8: {  	[smem:$0x3FA1] =	sst s0  }
0x9: {  	[smem:$0x3FA2] =	sst s1  }
0xa: {  	[smem:$0x3FA3] =	sst s2  }
0xb: {  	[smem:$0x3FA4] =	sst s3  }
0xc: {  	[smem:$0x3FA5] =	sst s4  }
0xd: {  	[smem:$0x3FA6] =	sst s5  }
0xe: {  	[smem:$0x3FA7] =	sst s6  }
0xf: {  	[smem:$0x3FA8] =	sst s7  }
0x10: {  	[smem:$0x3FA9] =	sst s8  }
0x11: {  	[smem:$0x3FAA] =	sst s9;
	s0 =	simm.s32 @!p0 $0x0  }
0x12: {  	s1 =	sld [smem:$0x3F90];
	s0 =	simm.s32 @p0 $0x1  }
0x13: {  	[smem:$0x3FAB] =	sst s0;
	s0 =	simm.s32 @!p1 $0x0  }
0x14: {  	s2 =	sld [smem:$0x3F8F];
	s0 =	simm.s32 @p1 $0x1  }
0x15: {  	[smem:$0x3FAC] =	sst s0;
	s0 =	simm.s32 @!p2 $0x0  }
0x16: {  	s3 =	sld [smem:$0x3FDB];
	s0 =	simm.s32 @p2 $0x1  }
0x17: {  	s4 =	simm.s32 $0x1BF5;
	[smem:$0x3FAE] =	sst s0  }
0x18: {  	s0 =	sld [smem:$0x3F91];
	_ =	swait.ge [sflag:s4], $0x0  }
0x19: {  	s7 =	sld [smem:$0x3F92]  }
0x1a: {  	s8 =	sadd.s32 $0xFFFFE003, lr  }
0x1b: {  	s9 =	sadd.s32 $0xFFFFFEF7, lr;
	s5 =	simm.s32 $0xFFFFFFFF;
	p2 =	slt.u32 s8, $0xFFFFF086  }
0x1c: {  	p1 =	slt.u32 s9, $0xF7A;
	s5 =	simm.s32 @!p2 $0x0  }
0x1d: {  	s5 =	simm.s32 @p1 $0x1;
	p0 =	seq.s32 s7, s2  }
0x1e: {  	s7 =	smul.u32 @!p0 $0xF7A, s2;
	p2 =	seq.s32 @!p0 s5, $0x0  }
0x1f: {  	s9 =	smul.u32 $0xF7A, s1;
	s8 =	simm.s32 @!p0 $0x1BF5;
	p2 =	por !p2, p0  }
0x20: {  	[sflag:s8] =	ssyncset.s32 @!p0 $0xFFFFF086;
	s6 =	sadd.s32 @!p0 s3, s7;
	s7 =	simm.s32 @!p0 $0x108  }
0x21: {  	s3 =	sadd.s32 s3, s9;
	s6 =	sadd.s32 @!p0 $0x88, s6;
	s7 =	simm.s32 @p2 $0x1082  }
0x22: {  	[simem:s7], [sflag:s8] =	dma.local @!p0 [hbm:s6], $0xF7A  }
0x23: {  	s9 =	sor.u32 $0xD0000000, s2;
	s6 =	simm.s32 $0x108;
	_ =	swait.ge @!p0 [sflag:s8], $0x0  }
0x24: {  	s3 =	sadd.s32 $0x88, s3;
	s6 =	simm.s32 @!p1 $0x1082;
	[sflag:s4] =	ssyncset.s32 $0xFFFFF086  }
0x25: {  	[simem:s6], [sflag:s4] =	dma.local [hbm:s3], $0xF7A  }
0x26: {  	[smem:$0x3F92] =	sst s1;
	(tag) =	ssettag s2;
	_ =	strace s9  }
0x27: {  	s1 =	sld [smem:$0x3FA2]  }
0x28: {  	s2 =	sld [smem:$0x3FA3]  }
0x29: {  	s4 =	sld [smem:$0x3FA5]  }
0x2a: {  	p0 =	seq.s32 s5, $0x0;
	s5 =	sld [smem:$0x3FA6]  }
0x2b: {  	s6 =	sld [smem:$0x3FA7]  }
0x2c: {  	s7 =	sld [smem:$0x3FA8]  }
0x2d: {  	s3 =	simm.s32 $0x108;
	s8 =	sld [smem:$0x3FA9]  }
0x2e: {  	s3 =	simm.s32 @!p0 $0x1082;
	s9 =	sld [smem:$0x3FAA]  }
0x2f: {  	lr =	sadd.s32 s0, s3;
	s0 =	sld [smem:$0x3FA1]  }
0x30: {  	s3 =	sld [smem:$0x3FA4]  }
0x31: {  	[smem:$0x3FAD] =	sst s10  }
0x32: {  	s10 =	sld [smem:$0x3FAB];
	_ =	sdelay $0x3  }
0x33: {  	p0 =	seq.s32 s10, $0x1;
	s10 =	sld [smem:$0x3FAD];
	_ =	sdelay $0x3  }
0x34: {  	[smem:$0x3FAD] =	sst s10  }
0x35: {  	s10 =	sld [smem:$0x3FAC];
	_ =	sdelay $0x3  }
0x36: {  	p1 =	seq.s32 s10, $0x1;
	s10 =	sld [smem:$0x3FAD];
	_ =	sdelay $0x3  }
0x37: {  	[smem:$0x3FAD] =	sst s10  }
0x38: {  	s10 =	sld [smem:$0x3FAE]  }
0x39: {  	_ = 	snop;
	(pc) =	sbr.ind lr, $3  }
0x3a: {  	_ = 	snop  }
0x3b: {  	_ = 	snop  }
0x3c: {  	p2 =	seq.s32 s10, $0x1;
	s10 =	sld [smem:$0x3FAD]  }
0x3d: {  	_ =	shalt  }
0x3e: {  	_ =	shalt  }
0x3f: {  	_ =	shalt  }
0x40: {  	_ =	shalt  }
0x41: {  	_ =	shalt  }
0x42: {  	_ =	shalt  }
0x43: {  	_ =	shalt  }
0x44: {  	_ =	shalt  }
0x45: {  	_ =	shalt  }
0x46: {  	_ =	shalt  }
0x47: {  	_ =	shalt  }
0x48: {  	_ =	shalt  }
0x49: {  	_ =	shalt  }
0x4a: {  	_ =	shalt  }
0x4b: {  	_ =	shalt  }
0x4c: {  	_ =	shalt  }
0x4d: {  	_ =	shalt  }
0x4e: {  	_ =	shalt  }
0x4f: {  	_ =	shalt  }
0x50: {  	_ =	shalt  }
0x51: {  	_ =	shalt  }
0x52: {  	_ =	shalt  }
0x53: {  	_ =	shalt  }
0x54: {  	_ =	shalt  }
0x55: {  	_ =	shalt  }
0x56: {  	_ =	shalt  }
0x57: {  	_ =	shalt  }
0x58: {  	_ =	shalt  }
0x59: {  	_ =	shalt  }
0x5a: {  	_ =	shalt  }
0x5b: {  	_ =	shalt  }
0x5c: {  	_ =	shalt  }
0x5d: {  	_ =	shalt  }
0x5e: {  	_ =	shalt  }
0x5f: {  	_ =	shalt  }
0x60: {  	_ =	shalt  }
0x61: {  	_ =	shalt  }
0x62: {  	_ =	shalt  }
0x63: {  	_ =	shalt  }
0x64: {  	_ =	shalt  }
0x65: {  	_ =	shalt  }
0x66: {  	_ =	shalt  }
0x67: {  	_ =	shalt  }
0x68: {  	_ =	shalt  }
0x69: {  	_ =	shalt  }
0x6a: {  	_ =	shalt  }
0x6b: {  	_ =	shalt  }
0x6c: {  	_ =	shalt  }
0x6d: {  	_ =	shalt  }
0x6e: {  	_ =	shalt  }
0x6f: {  	_ =	shalt  }
0x70: {  	_ =	shalt  }
0x71: {  	_ =	shalt  }
0x72: {  	_ =	shalt  }
0x73: {  	_ =	shalt  }
0x74: {  	_ =	shalt  }
0x75: {  	_ =	shalt  }
0x76: {  	_ =	shalt  }
0x77: {  	_ =	shalt  }
0x78: {  	_ =	shalt  }
0x79: {  	_ =	shalt  }
0x7a: {  	_ =	shalt  }
0x7b: {  	_ =	shalt  }
0x7c: {  	_ =	shalt  }
0x7d: {  	_ =	shalt  }
0x7e: {  	_ =	shalt  }
0x7f: {  	_ =	shalt  }
0x80: {  	_ =	shalt  }
0x81: {  	_ =	shalt  }
0x82: {  	_ =	shalt  }
0x83: {  	_ =	shalt  }
0x84: {  	_ =	shalt  }
0x85: {  	_ =	shalt  }
0x86: {  	_ =	shalt  }
0x87: {  	_ =	shalt  }
.Lfunc_end0:
.L_simem_size_0:
called_computation.2_lowered:
.L_overlay_start_0:
0x88: {  	s2 =	sld [smem:$0x3FD9]  }
0x89: {  	s3 =	sld [smem:$0x3FFE];
	_ =	sdelay $0x1  }
0x8a: {  	s1 =	srdreg.scid  }
0x8b: {  	s0 =	sand.u32 $0x1, s1  }
0x8c: {  	s17 =	sshll.u32 s0, $0xA;
	s2 =	sadd.s32 s3, s2  }
0x8d: {  	s2 =	sadd.s32 s2, s17  }
0x8e: {  	[smem:$0x3FB9] =	sst s2  }
0x8f: {  	_ = 	snop  }
0x90: {  	(tm) =	ssettm $0x1  }
0x91: {  	s18 =	sld [smem:$0x3FFB];
	_ =	sdelay $0x3  }
0x92: {  	_ =	strace s18  }
0x93: {  	s2 =	sld [smem:$0x3FFC];
	_ =	sdelay $0x3  }
0x94: {  	_ =	strace s2  }
0x95: {  	s2 =	sld [smem:$0x3FFD];
	_ =	sdelay $0x3  }
0x96: {  	_ =	strace s2  }
0x97: {  	_ =	strace $0x8FFFFFFF  }
0x98: {  	s19 =	sld [smem:$0x3FDB];
	_ =	sdelay $0x1  }
0x99: {  	s20 =	simm.s32 $_scs_section_size  }
0x9a: {  	s4 =	simm.s32 $_size__tile_overlayer_lowered;
	s5 =	simm.s32 $_tile_overlayer_lowered  }
0x9b: {  	s6 =	simm.s32 $0x1BFF;
	s21 =	sshll.u32 s5, $0x1;
	s3 =	sadd.s32 s20, s19  }
0x9c: {  	s22 =	simm.s32 $0x0;
	s4 =	sshll.u32 s4, $0x1;
	s5 =	sadd.s32 s21, s3  }
0x9d: {  	[timem:s22], [sflag:s6] =	dma.local [hbm:s5], s4  }
0x9e: {  	_ =	swait.ge [sflag:s6], s4  }
0x9f: {  	s4 =	ssub.s32 $0x0, s4;
	[sflag:s6] =	ssyncset.done $0x0  }
0xa0: {  	[sflag:s6] =	ssyncadd.s32 s4;
	_ =	sdelay $0x1  }
0xa1: {  	s23 =	simm.s32 $0x1B8B  }
0xa2: {  	_ =	swait.ge [sflag:s23], $0x1  }
0xa3: {  	[sflag:s23] =	ssyncset.done $0x0  }
0xa4: {  	[sflag:s23] =	ssyncadd.s32 $0xFFFFFFFF  }
0xa5: {  	s4 =	sld [smem:$0x0]  }
0xa6: {  	s5 =	sand.u32 $0xFFFFFFFE, s1  }
0xa7: {  	p0 =	sne.s32 s1, s5  }
0xa8: {  	s5 =	sshll.u32 @p0 s5, $0xE  }
0xa9: {  	s5 =	sadd.s32 @p0 $0x11B8D, s5;
	s6 =	sshll.u32 @p0 s4, $0x11  }
0xaa: {  	s5 =	sor.u32 @p0 s6, s5  }
0xab: {  	[sflag:s5] =	ssyncadd.remote.s32 @p0 $0x1;
	_ =	sdelay $0x1  }
0xac: {  	s5 =	simm.s32 @p0 $0x1B8D  }
0xad: {  	_ =	swait.eq @p0 [sflag:s5], $0x1  }
0xae: {  	[sflag:s5] =	ssyncadd.s32 @p0 $0xFFFFFFFF  }
0xaf: {  	s6 =	sshll.u32 @!p0 s1, $0xE  }
0xb0: {  	s6 =	sor.u32 @!p0 $0x4000, s6;
	s5 =	simm.s32 @!p0 $0x1B8D  }
0xb1: {  	s4 =	sshll.u32 @!p0 s4, $0x11;
	s6 =	sadd.s32 @!p0 $0x11B8D, s6;
	_ =	swait.eq @!p0 [sflag:s5], $0x1  }
0xb2: {  	s4 =	sor.u32 @!p0 s4, s6;
	[sflag:s5] =	ssyncadd.s32 @!p0 $0xFFFFFFFF  }
0xb3: {  	s25 =	simm.s32 $0x1B8E;
	s24 =	sld [smem:$0x3FFE];
	[sflag:s4] =	ssyncadd.remote.s32 @!p0 $0x1  }
0xb4: {  	s26 =	simm.s32 $execute0_lowered;
	[smem:$0x3FD2] =	sst s25  }
0xb5: {  	s5 =	sshll.u32 s26, $0x1;
	_ =	strace $0x8000004F;
	[dreg:$0x1] =	wrdreg $0xFFFFFFFF  }
0xb6: {  	s28 =	simm.s32 $_size_execute0_lowered;
	s3 =	sadd.s32 s3, s5;
	[dreg:$0x0] =	wrdreg $0x0  }
0xb7: {  	s5 =	sshll.u32 s28, $0x1;
	[dreg:$0x2] =	wrdreg s3  }
0xb8: {  	[dreg:$0x3] =	wrdreg s5  }
0xb9: {  	[dreg:$0x4] =	wrdreg $0xC0  }
0xba: {  	_ =	task [dreg:s22], $0x5FFFF  }
0xbb: {  	[dreg:$0x1] =	wrdreg $0xFFFFFFFF  }
0xbc: {  	[dreg:$0x0] =	wrdreg $0x60  }
0xbd: {  	[dreg:$0x2] =	wrdreg s24  }
0xbe: {  	[dreg:$0x3] =	wrdreg $0x0  }
0xbf: {  	[dreg:$0x4] =	wrdreg $0xA  }
0xc0: {  	_ =	task.clear_ibuf [dreg:s22], $0x5FFFF;
	_ =	strace $0x9000004F  }
0xc1: {  	s29 =	simm.s32 $0xA;
	_ =	strace $0x80000051  }
0xc2: {  	_ =	swait.ge [sflag:s29], $0x1  }
0xc3: {  	[sflag:s29] =	ssyncadd.s32 $0xFFFFFFFF  }
0xc4: {  	_ =	strace $0x90000051  }
0xc5: {  	_ =	sfence  }
0xc6: {  	s30 =	sld [smem:$0x0];
	_ =	sdelay $0x2  }
0xc7: {  	s31 =	sshll.u32 s1, $0xD;
	s1 =	sshrl.u32 s1, $0x2  }
0xc8: {  	s4 =	sand.u32 $0x4000, s31;
	s1 =	sadd.s32 s1, s30  }
0xc9: {  	s0 =	sor.u32 s4, s0;
	s1 =	sshll.u32 s1, $0x11  }
0xca: {  	s0 =	sor.u32 s1, s0  }
0xcb: {  	s0 =	sadd.s32 $0x8F2B, s0  }
0xcc: {  	[sflag:s0] =	ssyncadd.remote.s32 $0x1  }
0xcd: {  	_ =	sfence.sel $0xFFFF  }
0xce: {  	[dreg:$0x0] =	wrdreg $0xFFFFFFFF;
	(pc) =	sbr.abs _section_cstart, $3  }
0xcf: {  	[dreg:$0x1] =	wrdreg $0xFFFFFFFF  }
0xd0: {  	_ =	task.clear_ibuf [dreg:s22], $0x2FFFF;
	_ =	strace $0x9FFFFFFF  }
0xd1: {  	(tm) =	ssettm $0x7FFFFFFF  }
tec
execute0_lowered:
.L_overlay_start_1:
0x0: {  	(tag) =	ssettag $0x1  }
0x1: {  	s0 =	srdreg.scid;
	s6 =	rddreg [dreg:$0x0]  }
0x2: {  	s2 =	rddreg [dreg:$0x1];
	s3 =	simm.s32 $0x0;
	s12 =	simm.s32 $0x14000  }
0x3: {  	s13 =	simm.s32 $0x40;
	s14 =	simm.s32 $0x19000;
	s15 =	simm.s32 $0x19200  }
0x4: {  	s16 =	simm.s32 $0x19100;
	s17 =	simm.s32 $0x1B200;
	s18 =	simm.s32 $0x1  }
0x5: {  	s19 =	simm.s32 $0x19080;
	s20 =	simm.s32 $0x2;
	s21 =	simm.s32 $0x19180  }
0x6: {  	s22 =	simm.s32 $0x0;
	s5 =	sand.u32 $0x1, s0;
	s0 =	stileid.u32  }
0x7: {  	[smem:$0x7FF] =	sst s3;
	s4 =	sadd.s32 $0x4600, s6;
	s8 =	smul.u32 $0x140000, s5  }
0x8: {  	s1 =	sshll.u32 s5, $0x4;
	s9 =	smul.u32 $0x14000, s0;
	s28 =	ssub.s32 $0x2, s5  }
0x9: {  	s10 =	smul.u32 $0x50000, s0;
	s5 =	sadd.s32 $0xCA200, s6;
	s1 =	sor.u32 s0, s1  }
0xa: {  	s31 =	sshll.u32 s0, $0x6;
	s29 =	sshrl.u32 s28, $0x1;
	s7 =	smul.u32 $0xA00, s1  }
0xb: {  	s1 =	rddreg [dreg:$0x2];
	_ =	strace $0x80000050;
	s8 =	sadd.s32 s9, s8  }
0xc: {  	s9 =	ssub.s32 s28, s29;
	s30 =	sshrl.u32 s10, $0x2;
	s8 =	sshrl.u32 s8, $0x3  }
0xd: {  	s11 =	sadd.s32 s30, s2;
	s9 =	smax.u32 s9, $0x1;
	s7 =	sadd.s32 s7, s6  }
0xe: {  	s8 =	sadd.s32 s8, s6;
	s6 =	sor.u32 $0x1C03, s31;
	s10 =	sshrl.u32 s11, $0x3  }
0xf: {  	s11 =	simm.s32 $0x3;
	s7 =	sadd.s32 $0x296E00, s7;
	s8 =	sadd.s32 $0x2C600, s8  }
.LBB2_1:
0x10: {  	[spmem:s10], [sflag:s6] =	dma.local [hbm:s5], $0x2800  }
0x11: {  	_ =	swait.ge [sflag:s11], $0x2800  }
0x12: {  	[sflag:s11] =	ssyncset.done $0x0  }
0x13: {  	[sflag:s11] =	ssyncadd.s32 $0xFFFFD800  }
0x14: {  	[tilespmem:s12], [sflag:$0x3] =	stream.linear.gather [hbm4b:s7+s3], $0x4F00, $0x38;
	[tilespmem:$0x1D200] =	vst v63  }
0x15: {  	_ =	swait.ge [sflag:s11], $0x4F00  }
0x16: {  	[sflag:s11] =	ssyncset.done $0x0  }
0x17: {  	[sflag:s11] =	ssyncadd.s32 $0xFFFFB100  }
0x18: {  	s23 =	simm.s32 $0x0;
	[bflag:$0x0] =	sbarrier.arrive $0xFFFF  }
0x19: {  	v0 =	vld [tilespmem:s23+$0x14000];
	_ =	sdelay $0x4  }
0x1a: {  	v1 =	vshrl.u32 v0, $0x10  }
0x1b: {  	v0 =	vand.u32 $0xFFFF, v0;
	[tilespmem:$0x19000] =	vst v1  }
0x1c: {  	[tilespmem:$0x19080] =	vst v0  }
0x1d: {  	v0 =	vld [tilespmem:s23+$0x14080];
	_ =	sdelay $0x4  }
0x1e: {  	v57 =	vshrl.u32 v0, $0x10  }
0x1f: {  	v0 =	vand.u32 $0xFFFF, v0;
	[tilespmem:$0x19100] =	vst v57  }
0x20: {  	[tilespmem:$0x19180] =	vst v0  }
0x21: {  	v0 =	vld [tilespmem:s23+$0x14010];
	_ =	sdelay $0x4  }
0x22: {  	v58 =	vshrl.u32 v0, $0x10  }
0x23: {  	v0 =	vand.u32 $0xFFFF, v0;
	[tilespmem:$0x19010] =	vst v58  }
0x24: {  	[tilespmem:$0x19090] =	vst v0  }
0x25: {  	v0 =	vld [tilespmem:s23+$0x14090];
	_ =	sdelay $0x4  }
0x26: {  	v59 =	vshrl.u32 v0, $0x10  }
0x27: {  	v0 =	vand.u32 $0xFFFF, v0;
	[tilespmem:$0x19110] =	vst v59  }
0x28: {  	[tilespmem:$0x19190] =	vst v0  }
0x29: {  	v0 =	vld [tilespmem:s23+$0x14020];
	_ =	sdelay $0x4  }
0x2a: {  	v60 =	vshrl.u32 v0, $0x10  }
0x2b: {  	v0 =	vand.u32 $0xFFFF, v0;
	[tilespmem:$0x19020] =	vst v60  }
0x2c: {  	[tilespmem:$0x190A0] =	vst v0  }
0x2d: {  	v0 =	vld [tilespmem:s23+$0x140A0];
	_ =	sdelay $0x4  }
0x2e: {  	v61 =	vshrl.u32 v0, $0x10  }
0x2f: {  	v0 =	vand.u32 $0xFFFF, v0;
	[tilespmem:$0x19120] =	vst v61  }
0x30: {  	[tilespmem:$0x191A0] =	vst v0  }
0x31: {  	v0 =	vld [tilespmem:s23+$0x14030];
	_ =	sdelay $0x4  }
0x32: {  	v62 =	vshrl.u32 v0, $0x10  }
0x33: {  	v0 =	vand.u32 $0xFFFF, v0;
	[tilespmem:$0x19030] =	vst v62  }
0x34: {  	[tilespmem:$0x190B0] =	vst v0  }
0x35: {  	v0 =	vld [tilespmem:s23+$0x140B0];
	_ =	sdelay $0x4  }
0x36: {  	v63 =	vshrl.u32 v0, $0x10  }
0x37: {  	v0 =	vand.u32 $0xFFFF, v0;
	[tilespmem:$0x19130] =	vst v63  }
0x38: {  	[tilespmem:$0x191B0] =	vst v0  }
0x39: {  	[tilespmem:s15], [sflag:$0x1] =	stream.indirect.gather [hbm4b:s4+s13], $0x80, s14, s13, $0xb8;
	[tilespmem:$0x1D200] =	vst v63  }
0x3a: {  	_ = 	snop  }
0x3b: {  	[tilespmem:s17], [sflag:$0x2] =	stream.indirect.gather [hbm4b:s4+s13], $0x80, s16, s13, $0xb8;
	[tilespmem:$0x1D200] =	vst v63  }
0x3c: {  	_ =	swait.ge [sflag:s18], $0x2000  }
0x3d: {  	[sflag:s18] =	ssyncset.done $0x0  }
0x3e: {  	[sflag:s18] =	ssyncadd.s32 $0xFFFFE000  }
0x3f: {  	[spmem:s2] =	stream.indirect.scatter.add.f32 [tilespmem:s15], [sflag:$0x3], $0x80, s19, s13, $0xb8;
	[tilespmem:$0x1D200] =	vst v63  }
0x40: {  	s23 =	simm.s32 $0x400;
	_ =	swait.ge [sflag:s11], $0x2000  }
.LBB2_2:
0x41: {  	p0 =	sne.s32 s23, $0x13800  }
0x42: {  	[sflag:s11] =	ssyncset.done $0x0;
	s24 =	smov.u32 s23;
	s23 =	sadd.s32 $0x400, s23  }
0x43: {  	[sflag:s11] =	ssyncadd.s32 $0xFFFFE000  }
0x44: {  	_ =	swait.ge [sflag:s20], $0x2000  }
0x45: {  	[sflag:s20] =	ssyncset.done $0x0  }
0x46: {  	[sflag:s20] =	ssyncadd.s32 $0xFFFFE000  }
0x47: {  	[spmem:s2] =	stream.indirect.scatter.add.f32 [tilespmem:s17], [sflag:$0x3], $0x80, s21, s13, $0xb8;
	[tilespmem:$0x1D200] =	vst v63  }
0x48: {  	_ =	swait.ge [sflag:s11], $0x2000  }
0x49: {  	[sflag:s11] =	ssyncset.done $0x0  }
0x4a: {  	s24 =	sshra.s32 s24, $0x2;
	[sflag:s11] =	ssyncadd.s32 $0xFFFFE000  }
0x4b: {  	v0 =	vld [tilespmem:s24+$0x14000];
	_ =	sdelay $0x4  }
0x4c: {  	v1 =	vshrl.u32 v0, $0x10;
	v0 =	vand.u32 $0xFFFF, v0  }
0x4d: {  	[tilespmem:$0x19000] =	vst v1  }
0x4e: {  	[tilespmem:$0x19080] =	vst v0  }
0x4f: {  	v0 =	vld [tilespmem:s24+$0x14080];
	_ =	sdelay $0x4  }
0x50: {  	v1 =	vshrl.u32 v0, $0x10;
	v0 =	vand.u32 $0xFFFF, v0  }
0x51: {  	[tilespmem:$0x19100] =	vst v1  }
0x52: {  	[tilespmem:$0x19180] =	vst v0  }
0x53: {  	v0 =	vld [tilespmem:s24+$0x14010];
	_ =	sdelay $0x4  }
0x54: {  	v1 =	vshrl.u32 v0, $0x10;
	v0 =	vand.u32 $0xFFFF, v0  }
0x55: {  	[tilespmem:$0x19010] =	vst v1  }
0x56: {  	[tilespmem:$0x19090] =	vst v0  }
0x57: {  	v0 =	vld [tilespmem:s24+$0x14090];
	_ =	sdelay $0x4  }
0x58: {  	v1 =	vshrl.u32 v0, $0x10;
	v0 =	vand.u32 $0xFFFF, v0  }
0x59: {  	[tilespmem:$0x19110] =	vst v1  }
0x5a: {  	[tilespmem:$0x19190] =	vst v0  }
0x5b: {  	v0 =	vld [tilespmem:s24+$0x14020];
	_ =	sdelay $0x4  }
0x5c: {  	v1 =	vshrl.u32 v0, $0x10;
	v0 =	vand.u32 $0xFFFF, v0  }
0x5d: {  	[tilespmem:$0x19020] =	vst v1  }
0x5e: {  	[tilespmem:$0x190A0] =	vst v0  }
0x5f: {  	v0 =	vld [tilespmem:s24+$0x140A0];
	_ =	sdelay $0x4  }
0x60: {  	v1 =	vshrl.u32 v0, $0x10;
	v0 =	vand.u32 $0xFFFF, v0  }
0x61: {  	[tilespmem:$0x19120] =	vst v1  }
0x62: {  	[tilespmem:$0x191A0] =	vst v0  }
0x63: {  	v0 =	vld [tilespmem:s24+$0x14030];
	_ =	sdelay $0x4  }
0x64: {  	v1 =	vshrl.u32 v0, $0x10;
	v0 =	vand.u32 $0xFFFF, v0  }
0x65: {  	[tilespmem:$0x19030] =	vst v1  }
0x66: {  	[tilespmem:$0x190B0] =	vst v0  }
0x67: {  	v0 =	vld [tilespmem:s24+$0x140B0];
	_ =	sdelay $0x4  }
0x68: {  	v1 =	vshrl.u32 v0, $0x10;
	v0 =	vand.u32 $0xFFFF, v0  }
0x69: {  	[tilespmem:$0x19130] =	vst v1  }
0x6a: {  	[tilespmem:$0x191B0] =	vst v0  }
0x6b: {  	[tilespmem:s15], [sflag:$0x1] =	stream.indirect.gather [hbm4b:s4+s13], $0x80, s14, s13, $0xb8;
	[tilespmem:$0x1D200] =	vst v63  }
0x6c: {  	_ = 	snop  }
0x6d: {  	[tilespmem:s17], [sflag:$0x2] =	stream.indirect.gather [hbm4b:s4+s13], $0x80, s16, s13, $0xb8;
	[tilespmem:$0x1D200] =	vst v63  }
.Ltmp0:
0x6e: {  	_ =	swait.ge [sflag:s18], $0x2000;
	(pc) =	sbr.rel @p0 .LBB2_2-.Ltmp0, $4  }
0x6f: {  	[sflag:s18] =	ssyncset.done $0x0  }
0x70: {  	[sflag:s18] =	ssyncadd.s32 $0xFFFFE000  }
0x71: {  	[spmem:s2] =	stream.indirect.scatter.add.f32 [tilespmem:s15], [sflag:$0x3], $0x80, s19, s13, $0xb8;
	[tilespmem:$0x1D200] =	vst v63  }
0x72: {  	_ =	swait.ge [sflag:s11], $0x2000  }
0x73: {  	[sflag:s11] =	ssyncset.done $0x0  }
0x74: {  	[sflag:s11] =	ssyncadd.s32 $0xFFFFE000  }
0x75: {  	_ =	swait.ge [sflag:s20], $0x2000  }
0x76: {  	[sflag:s20] =	ssyncset.done $0x0  }
0x77: {  	[sflag:s20] =	ssyncadd.s32 $0xFFFFE000  }
0x78: {  	[spmem:s2] =	stream.indirect.scatter.add.f32 [tilespmem:s17], [sflag:$0x3], $0x80, s21, s13, $0xb8;
	[tilespmem:$0x1D200] =	vst v63  }
0x79: {  	_ =	swait.ge [sflag:s11], $0x2000  }
0x7a: {  	s22 =	sadd.s32 $0x1, s22;
	[sflag:s11] =	ssyncset.done $0x0  }
0x7b: {  	p0 =	sne.s32 s22, s9;
	[sflag:s11] =	ssyncadd.s32 $0xFFFFE000  }
.Ltmp1:
0x7c: {  	[bflag:$0x0] =	sbarrier.arrive $0xFFFF;
	(pc) =	sbr.rel @p0 .LBB2_1-.Ltmp1, $4  }
0x7d: {  	[hbm:s8], [sflag:s6] =	dma.local [spmem:s10], $0x2800  }
0x7e: {  	_ =	swait.ge [sflag:s11], $0x2800  }
0x7f: {  	[sflag:s11] =	ssyncset.done $0x0  }
0x80: {  	[sflag:s11] =	ssyncadd.s32 $0xFFFFD800  }
0x81: {  	_ =	sfence.sel $0x180000  }
0x82: {  	[bflag:$0x0] =	sbarrier.arrive $0xFFFF  }
0x83: {  	p0 =	sne.s32 s0, $0x0;
	_ =	strace $0x90000050  }
0x84: {  	s0 =	sadd.s32 @!p0 $0x100000, s1;
	[bflag:$0x2] =	sbarrier.arrive $0xFFFF  }
0x85: {  	[sflag:s0] =	ssyncadd.tile.s32 @!p0 $0x1;
	_ =	shalt  }
.Lfunc_end2:
_tile_overlayer_lowered:
.L_overlay_start_2:
0x86: {  	(tag) =	ssettag $0x2  }
0x87: {  	s0 =	rddreg [dreg:$0x0];
	s2 =	stileid.u32  }
0x88: {  	s1 =	rddreg [dreg:$0x1];
	p0 =	sne.s32 s2, $0x0  }
0x89: {  	s3 =	rddreg [dreg:$0x2];
	[bflag:$0x3] =	sbarrier.arrive $0xFFFF;
	s2 =	simm.s32 @!p0 $0x1C03  }
0x8a: {  	[timem:s3], [sflag:s2] =	dma.local @!p0 [hbm:s0], s1  }
0x8b: {  	s0 =	simm.s32 @!p0 $0x3  }
0x8c: {  	_ =	swait.ge @!p0 [sflag:s0], s1  }
0x8d: {  	s1 =	ssub.s32 @!p0 $0x0, s1;
	[sflag:s0] =	ssyncset.done @!p0 $0x0  }
0x8e: {  	[sflag:s0] =	ssyncadd.s32 @!p0 s1  }
0x8f: {  	[bflag:$0x3] =	sbarrier.arrive $0xFFFF  }
0x90: {  	_ =	shalt  }

// kernel: kernel.17.cloned.1.call-start
scs
__scs_entry_jumppad:
0x0: {  	(pc) =	sbr.rel $0x88, $3  }
0x1: {  	(tag) =	ssettag $0x0;
	lr =	simm.s32 $0x1  }
0x2: {  	[smem:$0x3F92] =	sst lr;
	_ =	strace $0xD0000000  }
0x3: {  	_ = 	snop  }
0x4: {  	_ = 	snop  }
0x5: {  	_ = 	snop  }
0x6: {  	_ = 	snop  }
0x7: {  	_ = 	snop  }
__scs_overlays_trampoline_lowered:
0x8: {  	[smem:$0x3FA1] =	sst s0  }
0x9: {  	[smem:$0x3FA2] =	sst s1  }
0xa: {  	[smem:$0x3FA3] =	sst s2  }
0xb: {  	[smem:$0x3FA4] =	sst s3  }
0xc: {  	[smem:$0x3FA5] =	sst s4  }
0xd: {  	[smem:$0x3FA6] =	sst s5  }
0xe: {  	[smem:$0x3FA7] =	sst s6  }
0xf: {  	[smem:$0x3FA8] =	sst s7  }
0x10: {  	[smem:$0x3FA9] =	sst s8  }
0x11: {  	[smem:$0x3FAA] =	sst s9;
	s0 =	simm.s32 @!p0 $0x0  }
0x12: {  	s1 =	sld [smem:$0x3F90];
	s0 =	simm.s32 @p0 $0x1  }
0x13: {  	[smem:$0x3FAB] =	sst s0;
	s0 =	simm.s32 @!p1 $0x0  }
0x14: {  	s2 =	sld [smem:$0x3F8F];
	s0 =	simm.s32 @p1 $0x1  }
0x15: {  	[smem:$0x3FAC] =	sst s0;
	s0 =	simm.s32 @!p2 $0x0  }
0x16: {  	s3 =	sld [smem:$0x3FDB];
	s0 =	simm.s32 @p2 $0x1  }
0x17: {  	s4 =	simm.s32 $0x1BF5;
	[smem:$0x3FAE] =	sst s0  }
0x18: {  	s0 =	sld [smem:$0x3F91];
	_ =	swait.ge [sflag:s4], $0x0  }
0x19: {  	s7 =	sld [smem:$0x3F92]  }
0x1a: {  	s8 =	sadd.s32 $0xFFFFE003, lr  }
0x1b: {  	s9 =	sadd.s32 $0xFFFFFEF7, lr;
	s5 =	simm.s32 $0xFFFFFFFF;
	p2 =	slt.u32 s8, $0xFFFFF086  }
0x1c: {  	p1 =	slt.u32 s9, $0xF7A;
	s5 =	simm.s32 @!p2 $0x0  }
0x1d: {  	s5 =	simm.s32 @p1 $0x1;
	p0 =	seq.s32 s7, s2  }
0x1e: {  	s7 =	smul.u32 @!p0 $0xF7A, s2;
	p2 =	seq.s32 @!p0 s5, $0x0  }
0x1f: {  	s9 =	smul.u32 $0xF7A, s1;
	s8 =	simm.s32 @!p0 $0x1BF5;
	p2 =	por !p2, p0  }
0x20: {  	[sflag:s8] =	ssyncset.s32 @!p0 $0xFFFFF086;
	s6 =	sadd.s32 @!p0 s3, s7;
	s7 =	simm.s32 @!p0 $0x108  }
0x21: {  	s3 =	sadd.s32 s3, s9;
	s6 =	sadd.s32 @!p0 $0x88, s6;
	s7 =	simm.s32 @p2 $0x1082  }
0x22: {  	[simem:s7], [sflag:s8] =	dma.local @!p0 [hbm:s6], $0xF7A  }
0x23: {  	s9 =	sor.u32 $0xD0000000, s2;
	s6 =	simm.s32 $0x108;
	_ =	swait.ge @!p0 [sflag:s8], $0x0  }
0x24: {  	s3 =	sadd.s32 $0x88, s3;
	s6 =	simm.s32 @!p1 $0x1082;
	[sflag:s4] =	ssyncset.s32 $0xFFFFF086  }
0x25: {  	[simem:s6], [sflag:s4] =	dma.local [hbm:s3], $0xF7A  }
0x26: {  	[smem:$0x3F92] =	sst s1;
	(tag) =	ssettag s2;
	_ =	strace s9  }
0x27: {  	s1 =	sld [smem:$0x3FA2]  }
0x28: {  	s2 =	sld [smem:$0x3FA3]  }
0x29: {  	s4 =	sld [smem:$0x3FA5]  }
0x2a: {  	p0 =	seq.s32 s5, $0x0;
	s5 =	sld [smem:$0x3FA6]  }
0x2b: {  	s6 =	sld [smem:$0x3FA7]  }
0x2c: {  	s7 =	sld [smem:$0x3FA8]  }
0x2d: {  	s3 =	simm.s32 $0x108;
	s8 =	sld [smem:$0x3FA9]  }
0x2e: {  	s3 =	simm.s32 @!p0 $0x1082;
	s9 =	sld [smem:$0x3FAA]  }
0x2f: {  	lr =	sadd.s32 s0, s3;
	s0 =	sld [smem:$0x3FA1]  }
0x30: {  	s3 =	sld [smem:$0x3FA4]  }
0x31: {  	[smem:$0x3FAD] =	sst s10  }
0x32: {  	s10 =	sld [smem:$0x3FAB];
	_ =	sdelay $0x3  }
0x33: {  	p0 =	seq.s32 s10, $0x1;
	s10 =	sld [smem:$0x3FAD];
	_ =	sdelay $0x3  }
0x34: {  	[smem:$0x3FAD] =	sst s10  }
0x35: {  	s10 =	sld [smem:$0x3FAC];
	_ =	sdelay $0x3  }
0x36: {  	p1 =	seq.s32 s10, $0x1;
	s10 =	sld [smem:$0x3FAD];
	_ =	sdelay $0x3  }
0x37: {  	[smem:$0x3FAD] =	sst s10  }
0x38: {  	s10 =	sld [smem:$0x3FAE]  }
0x39: {  	_ = 	snop;
	(pc) =	sbr.ind lr, $3  }
0x3a: {  	_ = 	snop  }
0x3b: {  	_ = 	snop  }
0x3c: {  	p2 =	seq.s32 s10, $0x1;
	s10 =	sld [smem:$0x3FAD]  }
0x3d: {  	_ =	shalt  }
0x3e: {  	_ =	shalt  }
0x3f: {  	_ =	shalt  }
0x40: {  	_ =	shalt  }
0x41: {  	_ =	shalt  }
0x42: {  	_ =	shalt  }
0x43: {  	_ =	shalt  }
0x44: {  	_ =	shalt  }
0x45: {  	_ =	shalt  }
0x46: {  	_ =	shalt  }
0x47: {  	_ =	shalt  }
0x48: {  	_ =	shalt  }
0x49: {  	_ =	shalt  }
0x4a: {  	_ =	shalt  }
0x4b: {  	_ =	shalt  }
0x4c: {  	_ =	shalt  }
0x4d: {  	_ =	shalt  }
0x4e: {  	_ =	shalt  }
0x4f: {  	_ =	shalt  }
0x50: {  	_ =	shalt  }
0x51: {  	_ =	shalt  }
0x52: {  	_ =	shalt  }
0x53: {  	_ =	shalt  }
0x54: {  	_ =	shalt  }
0x55: {  	_ =	shalt  }
0x56: {  	_ =	shalt  }
0x57: {  	_ =	shalt  }
0x58: {  	_ =	shalt  }
0x59: {  	_ =	shalt  }
0x5a: {  	_ =	shalt  }
0x5b: {  	_ =	shalt  }
0x5c: {  	_ =	shalt  }
0x5d: {  	_ =	shalt  }
0x5e: {  	_ =	shalt  }
0x5f: {  	_ =	shalt  }
0x60: {  	_ =	shalt  }
0x61: {  	_ =	shalt  }
0x62: {  	_ =	shalt  }
0x63: {  	_ =	shalt  }
0x64: {  	_ =	shalt  }
0x65: {  	_ =	shalt  }
0x66: {  	_ =	shalt  }
0x67: {  	_ =	shalt  }
0x68: {  	_ =	shalt  }
0x69: {  	_ =	shalt  }
0x6a: {  	_ =	shalt  }
0x6b: {  	_ =	shalt  }
0x6c: {  	_ =	shalt  }
0x6d: {  	_ =	shalt  }
0x6e: {  	_ =	shalt  }
0x6f: {  	_ =	shalt  }
0x70: {  	_ =	shalt  }
0x71: {  	_ =	shalt  }
0x72: {  	_ =	shalt  }
0x73: {  	_ =	shalt  }
0x74: {  	_ =	shalt  }
0x75: {  	_ =	shalt  }
0x76: {  	_ =	shalt  }
0x77: {  	_ =	shalt  }
0x78: {  	_ =	shalt  }
0x79: {  	_ =	shalt  }
0x7a: {  	_ =	shalt  }
0x7b: {  	_ =	shalt  }
0x7c: {  	_ =	shalt  }
0x7d: {  	_ =	shalt  }
0x7e: {  	_ =	shalt  }
0x7f: {  	_ =	shalt  }
0x80: {  	_ =	shalt  }
0x81: {  	_ =	shalt  }
0x82: {  	_ =	shalt  }
0x83: {  	_ =	shalt  }
0x84: {  	_ =	shalt  }
0x85: {  	_ =	shalt  }
0x86: {  	_ =	shalt  }
0x87: {  	_ =	shalt  }
.Lfunc_end0:
.L_simem_size_0:
called_computation.3_lowered:
.L_overlay_start_0:
0x88: {  	s2 =	sld [smem:$0x3FD9]  }
0x89: {  	s3 =	sld [smem:$0x3FFE];
	_ =	sdelay $0x1  }
0x8a: {  	s1 =	srdreg.scid  }
0x8b: {  	s0 =	sand.u32 $0x1, s1  }
0x8c: {  	s17 =	sshll.u32 s0, $0xA;
	s2 =	sadd.s32 s3, s2  }
0x8d: {  	s2 =	sadd.s32 s2, s17  }
0x8e: {  	[smem:$0x3FB9] =	sst s2  }
0x8f: {  	_ = 	snop  }
0x90: {  	(tm) =	ssettm $0x1  }
0x91: {  	s18 =	sld [smem:$0x3FFB];
	_ =	sdelay $0x3  }
0x92: {  	_ =	strace s18  }
0x93: {  	s2 =	sld [smem:$0x3FFC];
	_ =	sdelay $0x3  }
0x94: {  	_ =	strace s2  }
0x95: {  	s2 =	sld [smem:$0x3FFD];
	_ =	sdelay $0x3  }
0x96: {  	_ =	strace s2  }
0x97: {  	_ =	strace $0x8FFFFFFF  }
0x98: {  	s19 =	sld [smem:$0x3FDB];
	_ =	sdelay $0x1  }
0x99: {  	s20 =	simm.s32 $_scs_section_size  }
0x9a: {  	s4 =	simm.s32 $_size__tile_overlayer_lowered;
	s5 =	simm.s32 $_tile_overlayer_lowered  }
0x9b: {  	s6 =	simm.s32 $0x1BFF;
	s21 =	sshll.u32 s5, $0x1;
	s3 =	sadd.s32 s20, s19  }
0x9c: {  	s22 =	simm.s32 $0x0;
	s4 =	sshll.u32 s4, $0x1;
	s5 =	sadd.s32 s21, s3  }
0x9d: {  	[timem:s22], [sflag:s6] =	dma.local [hbm:s5], s4  }
0x9e: {  	_ =	swait.ge [sflag:s6], s4  }
0x9f: {  	s4 =	ssub.s32 $0x0, s4;
	[sflag:s6] =	ssyncset.done $0x0  }
0xa0: {  	[sflag:s6] =	ssyncadd.s32 s4;
	_ =	sdelay $0x1  }
0xa1: {  	s23 =	simm.s32 $0x1B8B  }
0xa2: {  	_ =	swait.ge [sflag:s23], $0x1  }
0xa3: {  	[sflag:s23] =	ssyncset.done $0x0  }
0xa4: {  	[sflag:s23] =	ssyncadd.s32 $0xFFFFFFFF  }
0xa5: {  	s4 =	sld [smem:$0x0]  }
0xa6: {  	s5 =	sand.u32 $0xFFFFFFFE, s1  }
0xa7: {  	p0 =	sne.s32 s1, s5  }
0xa8: {  	s5 =	sshll.u32 @p0 s5, $0xE  }
0xa9: {  	s5 =	sadd.s32 @p0 $0x11B8D, s5;
	s6 =	sshll.u32 @p0 s4, $0x11  }
0xaa: {  	s5 =	sor.u32 @p0 s6, s5  }
0xab: {  	[sflag:s5] =	ssyncadd.remote.s32 @p0 $0x1;
	_ =	sdelay $0x1  }
0xac: {  	s5 =	simm.s32 @p0 $0x1B8D  }
0xad: {  	_ =	swait.eq @p0 [sflag:s5], $0x1  }
0xae: {  	[sflag:s5] =	ssyncadd.s32 @p0 $0xFFFFFFFF  }
0xaf: {  	s6 =	sshll.u32 @!p0 s1, $0xE  }
0xb0: {  	s6 =	sor.u32 @!p0 $0x4000, s6;
	s5 =	simm.s32 @!p0 $0x1B8D  }
0xb1: {  	s4 =	sshll.u32 @!p0 s4, $0x11;
	s6 =	sadd.s32 @!p0 $0x11B8D, s6;
	_ =	swait.eq @!p0 [sflag:s5], $0x1  }
0xb2: {  	s4 =	sor.u32 @!p0 s4, s6;
	[sflag:s5] =	ssyncadd.s32 @!p0 $0xFFFFFFFF  }
0xb3: {  	s25 =	simm.s32 $0x1B8E;
	s24 =	sld [smem:$0x3FFE];
	[sflag:s4] =	ssyncadd.remote.s32 @!p0 $0x1  }
0xb4: {  	s26 =	simm.s32 $execute0_lowered;
	[smem:$0x3FD2] =	sst s25  }
0xb5: {  	s5 =	sshll.u32 s26, $0x1;
	_ =	strace $0x8000004C;
	[dreg:$0x1] =	wrdreg $0xFFFFFFFF  }
0xb6: {  	s28 =	simm.s32 $_size_execute0_lowered;
	s3 =	sadd.s32 s3, s5;
	[dreg:$0x0] =	wrdreg $0x0  }
0xb7: {  	s5 =	sshll.u32 s28, $0x1;
	[dreg:$0x2] =	wrdreg s3  }
0xb8: {  	[dreg:$0x3] =	wrdreg s5  }
0xb9: {  	[dreg:$0x4] =	wrdreg $0xC0  }
0xba: {  	_ =	task [dreg:s22], $0x5FFFF  }
0xbb: {  	[dreg:$0x1] =	wrdreg $0xFFFFFFFF  }
0xbc: {  	[dreg:$0x0] =	wrdreg $0x60  }
0xbd: {  	[dreg:$0x2] =	wrdreg s24  }
0xbe: {  	[dreg:$0x3] =	wrdreg $0x0  }
0xbf: {  	[dreg:$0x4] =	wrdreg $0x9  }
0xc0: {  	_ =	task.clear_ibuf [dreg:s22], $0x5FFFF;
	_ =	strace $0x9000004C  }
0xc1: {  	s29 =	simm.s32 $0x9;
	_ =	strace $0x8000004E  }
0xc2: {  	_ =	swait.ge [sflag:s29], $0x1  }
0xc3: {  	[sflag:s29] =	ssyncadd.s32 $0xFFFFFFFF  }
0xc4: {  	_ =	strace $0x9000004E  }
0xc5: {  	_ =	sfence  }
0xc6: {  	s30 =	sld [smem:$0x0];
	_ =	sdelay $0x2  }
0xc7: {  	s31 =	sshll.u32 s1, $0xD;
	s1 =	sshrl.u32 s1, $0x2  }
0xc8: {  	s4 =	sand.u32 $0x4000, s31;
	s1 =	sadd.s32 s1, s30  }
0xc9: {  	s0 =	sor.u32 s4, s0;
	s1 =	sshll.u32 s1, $0x11  }
0xca: {  	s0 =	sor.u32 s1, s0  }
0xcb: {  	s0 =	sadd.s32 $0x8F2B, s0  }
0xcc: {  	[sflag:s0] =	ssyncadd.remote.s32 $0x1  }
0xcd: {  	_ =	sfence.sel $0xFFFF  }
0xce: {  	[dreg:$0x0] =	wrdreg $0xFFFFFFFF;
	(pc) =	sbr.abs _section_cstart, $3  }
0xcf: {  	[dreg:$0x1] =	wrdreg $0xFFFFFFFF  }
0xd0: {  	_ =	task.clear_ibuf [dreg:s22], $0x2FFFF;
	_ =	strace $0x9FFFFFFF  }
0xd1: {  	(tm) =	ssettm $0x7FFFFFFF  }
tec
execute0_lowered:
.L_overlay_start_1:
0x0: {  	(tag) =	ssettag $0x1  }
0x1: {  	s0 =	srdreg.scid  }
0x2: {  	s6 =	rddreg [dreg:$0x0];
	s5 =	sand.u32 $0x1, s0  }
0x3: {  	s0 =	stileid.u32;
	s4 =	smul.u32 $0x278000, s5  }
0x4: {  	s2 =	rddreg [dreg:$0x1];
	s7 =	smul.u32 $0x27800, s0  }
0x5: {  	s13 =	simm.s32 $0x19400;
	s14 =	simm.s32 $0x19000;
	s26 =	smul.u32 $0x140000, s5  }
0x6: {  	s15 =	simm.s32 $0x40;
	s16 =	simm.s32 $0x0;
	s9 =	smul.u32 $0x14000, s0  }
0x7: {  	s1 =	sshll.u32 s5, $0x4;
	s28 =	ssub.s32 $0x2, s5;
	s11 =	smul.u32 $0x50000, s0  }
0x8: {  	s5 =	sadd.s32 $0xCCA00, s6;
	s31 =	sshll.u32 s0, $0x6;
	s3 =	sor.u32 s0, s1  }
0x9: {  	s1 =	rddreg [dreg:$0x2];
	s29 =	sshrl.u32 s28, $0x1;
	s8 =	smul.u32 $0xA00, s3  }
0xa: {  	s3 =	simm.s32 $0x0;
	s4 =	sadd.s32 s7, s4;
	s7 =	sadd.s32 s9, s26  }
0xb: {  	s9 =	ssub.s32 s28, s29;
	s30 =	sshrl.u32 s11, $0x2;
	[smem:$0x7FF] =	sst s3  }
0xc: {  	s4 =	sshrl.u32 s4, $0x3;
	s7 =	sshrl.u32 s7, $0x3;
	s11 =	sadd.s32 s30, s2  }
0xd: {  	s9 =	smax.u32 s9, $0x1;
	_ =	strace $0x8000004D;
	s10 =	sadd.s32 s4, s6  }
0xe: {  	s8 =	sadd.s32 s8, s6;
	s4 =	sadd.s32 $0xCA200, s6;
	s12 =	sadd.s32 s7, s6  }
0xf: {  	s6 =	sor.u32 $0x1C01, s31;
	s11 =	sshrl.u32 s11, $0x3;
	s7 =	sadd.s32 $0x194E00, s8  }
0x10: {  	s8 =	sadd.s32 $0x246E00, s12;
	s10 =	sadd.s32 $0x1A8E00, s10;
	s12 =	simm.s32 $0x1  }
.LBB2_1:
0x11: {  	[spmem:s11], [sflag:s6] =	dma.local [hbm:s4], $0x2800  }
0x12: {  	_ =	swait.ge [sflag:s12], $0x2800  }
0x13: {  	[sflag:s12] =	ssyncset.done $0x0  }
0x14: {  	s17 =	simm.s32 $0x14000;
	[sflag:s12] =	ssyncadd.s32 $0xFFFFD800  }
0x15: {  	[tilespmem:s17], [sflag:$0x1] =	stream.linear.gather [hbm4b:s7+s3], $0x4F00, $0x38;
	[tilespmem:$0x1B400] =	vst v63  }
0x16: {  	_ =	swait.ge [sflag:s12], $0x4F00  }
0x17: {  	[sflag:s12] =	ssyncset.done $0x0  }
0x18: {  	[sflag:s12] =	ssyncadd.s32 $0xFFFFB100  }
0x19: {  	[tilespmem:s13], [sflag:$0x1] =	stream.linear.gather [hbm4b:s5+s3], $0x2000, $0x38;
	[tilespmem:$0x1B400] =	vst v63  }
0x1a: {  	_ =	swait.ge [sflag:s12], $0x2000  }
0x1b: {  	[sflag:s12] =	ssyncset.done $0x0  }
0x1c: {  	[sflag:s12] =	ssyncadd.s32 $0xFFFFE000  }
0x1d: {  	s18 =	simm.s32 $0x0;
	[bflag:$0x0] =	sbarrier.arrive $0xFFFF  }
.LBB2_2:
0x1e: {  	s19 =	sadd.s32 s18, s10  }
0x1f: {  	[tilespmem:s14], [sflag:$0x1] =	stream.linear.gather [hbm4b:s19+s3], $0x400, $0x38;
	[tilespmem:$0x1B400] =	vst v63  }
0x20: {  	_ =	swait.ge [sflag:s12], $0x400  }
0x21: {  	[sflag:s12] =	ssyncset.done $0x0  }
0x22: {  	[sflag:s12] =	ssyncadd.s32 $0xFFFFFC00  }
0x23: {  	v0 =	vld [tilespmem:$0x19000]  }
0x24: {  	v1 =	vld [tilespmem:$0x19010]  }
0x25: {  	v2 =	vld [tilespmem:$0x19020]  }
0x26: {  	v3 =	vld [tilespmem:$0x19030]  }
0x27: {  	v4 =	vld [tilespmem:$0x19040]  }
0x28: {  	v61 =	vld [tilespmem:$0x19050];
	[tilespmem:$0x19400] =	vst v0  }
0x29: {  	v62 =	vld [tilespmem:$0x19060];
	[tilespmem:$0x19480] =	vst v1  }
0x2a: {  	v63 =	vld [tilespmem:$0x19070];
	[tilespmem:$0x19500] =	vst v2  }
0x2b: {  	v8 =	vld [tilespmem:$0x19080];
	[tilespmem:$0x19580] =	vst v3  }
0x2c: {  	v9 =	vld [tilespmem:$0x19090];
	[tilespmem:$0x19600] =	vst v4  }
0x2d: {  	v10 =	vld [tilespmem:$0x190A0];
	[tilespmem:$0x19680] =	vst v61  }
0x2e: {  	v11 =	vld [tilespmem:$0x190B0];
	[tilespmem:$0x19700] =	vst v62  }
0x2f: {  	v12 =	vld [tilespmem:$0x190C0];
	[tilespmem:$0x19780] =	vst v63  }
0x30: {  	v13 =	vld [tilespmem:$0x190D0];
	[tilespmem:$0x19800] =	vst v8  }
0x31: {  	v14 =	vld [tilespmem:$0x190E0];
	[tilespmem:$0x19880] =	vst v9  }
0x32: {  	v15 =	vld [tilespmem:$0x190F0];
	[tilespmem:$0x19900] =	vst v10  }
0x33: {  	v16 =	vld [tilespmem:$0x19100];
	[tilespmem:$0x19980] =	vst v11  }
0x34: {  	v17 =	vld [tilespmem:$0x19110];
	[tilespmem:$0x19A00] =	vst v12  }
0x35: {  	v18 =	vld [tilespmem:$0x19120];
	[tilespmem:$0x19A80] =	vst v13  }
0x36: {  	v19 =	vld [tilespmem:$0x19130];
	[tilespmem:$0x19B00] =	vst v14  }
0x37: {  	v20 =	vld [tilespmem:$0x19140];
	[tilespmem:$0x19B80] =	vst v15  }
0x38: {  	v21 =	vld [tilespmem:$0x19150];
	[tilespmem:$0x19C00] =	vst v16  }
0x39: {  	v22 =	vld [tilespmem:$0x19160];
	[tilespmem:$0x19C80] =	vst v17  }
0x3a: {  	v23 =	vld [tilespmem:$0x19170];
	[tilespmem:$0x19D00] =	vst v18  }
0x3b: {  	v24 =	vld [tilespmem:$0x19180];
	[tilespmem:$0x19D80] =	vst v19  }
0x3c: {  	v25 =	vld [tilespmem:$0x19190];
	[tilespmem:$0x19E00] =	vst v20  }
0x3d: {  	v26 =	vld [tilespmem:$0x191A0];
	[tilespmem:$0x19E80] =	vst v21  }
0x3e: {  	v27 =	vld [tilespmem:$0x191B0];
	[tilespmem:$0x19F00] =	vst v22  }
0x3f: {  	v28 =	vld [tilespmem:$0x191C0];
	[tilespmem:$0x19F80] =	vst v23  }
0x40: {  	v29 =	vld [tilespmem:$0x191D0];
	[tilespmem:$0x1A000] =	vst v24  }
0x41: {  	v30 =	vld [tilespmem:$0x191E0];
	[tilespmem:$0x1A080] =	vst v25  }
0x42: {  	v31 =	vld [tilespmem:$0x191F0];
	[tilespmem:$0x1A100] =	vst v26  }
0x43: {  	v32 =	vld [tilespmem:$0x19200];
	[tilespmem:$0x1A180] =	vst v27  }
0x44: {  	v33 =	vld [tilespmem:$0x19210];
	[tilespmem:$0x1A200] =	vst v28  }
0x45: {  	v34 =	vld [tilespmem:$0x19220];
	[tilespmem:$0x1A280] =	vst v29  }
0x46: {  	v35 =	vld [tilespmem:$0x19230];
	[tilespmem:$0x1A300] =	vst v30  }
0x47: {  	v36 =	vld [tilespmem:$0x19240];
	[tilespmem:$0x1A380] =	vst v31  }
0x48: {  	v37 =	vld [tilespmem:$0x19250];
	[tilespmem:$0x1A400] =	vst v32  }
0x49: {  	v38 =	vld [tilespmem:$0x19260];
	[tilespmem:$0x1A480] =	vst v33  }
0x4a: {  	v39 =	vld [tilespmem:$0x19270];
	[tilespmem:$0x1A500] =	vst v34  }
0x4b: {  	v40 =	vld [tilespmem:$0x19280];
	[tilespmem:$0x1A580] =	vst v35  }
0x4c: {  	v41 =	vld [tilespmem:$0x19290];
	[tilespmem:$0x1A600] =	vst v36  }
0x4d: {  	v42 =	vld [tilespmem:$0x192A0];
	[tilespmem:$0x1A680] =	vst v37  }
0x4e: {  	v43 =	vld [tilespmem:$0x192B0];
	[tilespmem:$0x1A700] =	vst v38  }
0x4f: {  	v44 =	vld [tilespmem:$0x192C0];
	[tilespmem:$0x1A780] =	vst v39  }
0x50: {  	v45 =	vld [tilespmem:$0x192D0];
	[tilespmem:$0x1A800] =	vst v40  }
0x51: {  	v46 =	vld [tilespmem:$0x192E0];
	[tilespmem:$0x1A880] =	vst v41  }
0x52: {  	v47 =	vld [tilespmem:$0x192F0];
	[tilespmem:$0x1A900] =	vst v42  }
0x53: {  	v48 =	vld [tilespmem:$0x19300];
	[tilespmem:$0x1A980] =	vst v43  }
0x54: {  	v49 =	vld [tilespmem:$0x19310];
	[tilespmem:$0x1AA00] =	vst v44  }
0x55: {  	v50 =	vld [tilespmem:$0x19320];
	[tilespmem:$0x1AA80] =	vst v45  }
0x56: {  	v51 =	vld [tilespmem:$0x19330];
	[tilespmem:$0x1AB00] =	vst v46  }
0x57: {  	v52 =	vld [tilespmem:$0x19340];
	[tilespmem:$0x1AB80] =	vst v47  }
0x58: {  	v53 =	vld [tilespmem:$0x19350];
	[tilespmem:$0x1AC00] =	vst v48  }
0x59: {  	v54 =	vld [tilespmem:$0x19360];
	[tilespmem:$0x1AC80] =	vst v49  }
0x5a: {  	v55 =	vld [tilespmem:$0x19370];
	[tilespmem:$0x1AD00] =	vst v50  }
0x5b: {  	v56 =	vld [tilespmem:$0x19380];
	[tilespmem:$0x1AD80] =	vst v51  }
0x5c: {  	v57 =	vld [tilespmem:$0x19390];
	[tilespmem:$0x1AE00] =	vst v52  }
0x5d: {  	v58 =	vld [tilespmem:$0x193A0];
	[tilespmem:$0x1AE80] =	vst v53  }
0x5e: {  	v59 =	vld [tilespmem:$0x193B0];
	[tilespmem:$0x1AF00] =	vst v54  }
0x5f: {  	v60 =	vld [tilespmem:$0x193C0];
	[tilespmem:$0x1AF80] =	vst v55  }
0x60: {  	[tilespmem:$0x1B000] =	vst v56;
	v61 =	vld [tilespmem:$0x193D0]  }
0x61: {  	[tilespmem:$0x1B080] =	vst v57;
	v62 =	vld [tilespmem:$0x193E0]  }
0x62: {  	[tilespmem:$0x1B100] =	vst v58;
	v63 =	vld [tilespmem:$0x193F0]  }
0x63: {  	[tilespmem:$0x1B180] =	vst v59  }
0x64: {  	[tilespmem:$0x1B200] =	vst v60  }
0x65: {  	[tilespmem:$0x1B280] =	vst v61  }
0x66: {  	p0 =	sne.s32 s18, $0x4E80;
	[tilespmem:$0x1B300] =	vst v62  }
.Ltmp0:
0x67: {  	[tilespmem:$0x1B380] =	vst v63;
	(pc) =	sbr.rel @p0 .LBB2_2-.Ltmp0, $4  }
0x68: {  	[spmem:s2] =	stream.indirect.scatter.add.f32 [tilespmem:s13], [sflag:$0x1], $0x80, s17, s15, $0xb8;
	[tilespmem:$0x1B400] =	vst v63  }
0x69: {  	_ =	swait.ge [sflag:s12], $0x2000  }
0x6a: {  	[sflag:s12] =	ssyncset.done $0x0  }
0x6b: {  	s18 =	sadd.s32 $0x80, s18;
	s17 =	sadd.s32 $0x80, s17;
	[sflag:s12] =	ssyncadd.s32 $0xFFFFE000  }
0x6c: {  	s16 =	sadd.s32 $0x1, s16  }
0x6d: {  	p0 =	sne.s32 s16, s9  }
.Ltmp1:
0x6e: {  	[bflag:$0x0] =	sbarrier.arrive $0xFFFF;
	(pc) =	sbr.rel @p0 .LBB2_1-.Ltmp1, $4  }
0x6f: {  	[hbm:s8], [sflag:s6] =	dma.local [spmem:s11], $0x2800  }
0x70: {  	_ =	swait.ge [sflag:s12], $0x2800  }
0x71: {  	[sflag:s12] =	ssyncset.done $0x0  }
0x72: {  	[sflag:s12] =	ssyncadd.s32 $0xFFFFD800  }
0x73: {  	_ =	sfence.sel $0x180000  }
0x74: {  	[bflag:$0x0] =	sbarrier.arrive $0xFFFF  }
0x75: {  	p0 =	sne.s32 s0, $0x0;
	_ =	strace $0x9000004D  }
0x76: {  	s0 =	sadd.s32 @!p0 $0x100000, s1;
	[bflag:$0x2] =	sbarrier.arrive $0xFFFF  }
0x77: {  	[sflag:s0] =	ssyncadd.tile.s32 @!p0 $0x1;
	_ =	shalt  }
.Lfunc_end2:
_tile_overlayer_lowered:
.L_overlay_start_2:
0x78: {  	(tag) =	ssettag $0x2  }
0x79: {  	s0 =	rddreg [dreg:$0x0];
	s2 =	stileid.u32  }
0x7a: {  	s1 =	rddreg [dreg:$0x1];
	p0 =	sne.s32 s2, $0x0  }
0x7b: {  	s3 =	rddreg [dreg:$0x2];
	[bflag:$0x3] =	sbarrier.arrive $0xFFFF;
	s2 =	simm.s32 @!p0 $0x1C01  }
0x7c: {  	[timem:s3], [sflag:s2] =	dma.local @!p0 [hbm:s0], s1  }
0x7d: {  	s0 =	simm.s32 @!p0 $0x1  }
0x7e: {  	_ =	swait.ge @!p0 [sflag:s0], s1  }
0x7f: {  	s1 =	ssub.s32 @!p0 $0x0, s1;
	[sflag:s0] =	ssyncset.done @!p0 $0x0  }
0x80: {  	[sflag:s0] =	ssyncadd.s32 @!p0 s1  }
0x81: {  	[bflag:$0x3] =	sbarrier.arrive $0xFFFF  }
0x82: {  	_ =	shalt  }

// kernel: kernel.8.cloned.1.call-start
scs
__scs_entry_jumppad:
0x0: {  	(pc) =	sbr.rel $0x88, $3  }
0x1: {  	(tag) =	ssettag $0x0;
	lr =	simm.s32 $0x1  }
0x2: {  	[smem:$0x3F92] =	sst lr;
	_ =	strace $0xD0000000  }
0x3: {  	_ = 	snop  }
0x4: {  	_ = 	snop  }
0x5: {  	_ = 	snop  }
0x6: {  	_ = 	snop  }
0x7: {  	_ = 	snop  }
__scs_overlays_trampoline_lowered:
0x8: {  	[smem:$0x3FA1] =	sst s0  }
0x9: {  	[smem:$0x3FA2] =	sst s1  }
0xa: {  	[smem:$0x3FA3] =	sst s2  }
0xb: {  	[smem:$0x3FA4] =	sst s3  }
0xc: {  	[smem:$0x3FA5] =	sst s4  }
0xd: {  	[smem:$0x3FA6] =	sst s5  }
0xe: {  	[smem:$0x3FA7] =	sst s6  }
0xf: {  	[smem:$0x3FA8] =	sst s7  }
0x10: {  	[smem:$0x3FA9] =	sst s8  }
0x11: {  	[smem:$0x3FAA] =	sst s9;
	s0 =	simm.s32 @!p0 $0x0  }
0x12: {  	s1 =	sld [smem:$0x3F90];
	s0 =	simm.s32 @p0 $0x1  }
0x13: {  	[smem:$0x3FAB] =	sst s0;
	s0 =	simm.s32 @!p1 $0x0  }
0x14: {  	s2 =	sld [smem:$0x3F8F];
	s0 =	simm.s32 @p1 $0x1  }
0x15: {  	[smem:$0x3FAC] =	sst s0;
	s0 =	simm.s32 @!p2 $0x0  }
0x16: {  	s3 =	sld [smem:$0x3FDB];
	s0 =	simm.s32 @p2 $0x1  }
0x17: {  	s4 =	simm.s32 $0x1BF5;
	[smem:$0x3FAE] =	sst s0  }
0x18: {  	s0 =	sld [smem:$0x3F91];
	_ =	swait.ge [sflag:s4], $0x0  }
0x19: {  	s7 =	sld [smem:$0x3F92]  }
0x1a: {  	s8 =	sadd.s32 $0xFFFFE003, lr  }
0x1b: {  	s9 =	sadd.s32 $0xFFFFFEF7, lr;
	s5 =	simm.s32 $0xFFFFFFFF;
	p2 =	slt.u32 s8, $0xFFFFF086  }
0x1c: {  	p1 =	slt.u32 s9, $0xF7A;
	s5 =	simm.s32 @!p2 $0x0  }
0x1d: {  	s5 =	simm.s32 @p1 $0x1;
	p0 =	seq.s32 s7, s2  }
0x1e: {  	s7 =	smul.u32 @!p0 $0xF7A, s2;
	p2 =	seq.s32 @!p0 s5, $0x0  }
0x1f: {  	s9 =	smul.u32 $0xF7A, s1;
	s8 =	simm.s32 @!p0 $0x1BF5;
	p2 =	por !p2, p0  }
0x20: {  	[sflag:s8] =	ssyncset.s32 @!p0 $0xFFFFF086;
	s6 =	sadd.s32 @!p0 s3, s7;
	s7 =	simm.s32 @!p0 $0x108  }
0x21: {  	s3 =	sadd.s32 s3, s9;
	s6 =	sadd.s32 @!p0 $0x88, s6;
	s7 =	simm.s32 @p2 $0x1082  }
0x22: {  	[simem:s7], [sflag:s8] =	dma.local @!p0 [hbm:s6], $0xF7A  }
0x23: {  	s9 =	sor.u32 $0xD0000000, s2;
	s6 =	simm.s32 $0x108;
	_ =	swait.ge @!p0 [sflag:s8], $0x0  }
0x24: {  	s3 =	sadd.s32 $0x88, s3;
	s6 =	simm.s32 @!p1 $0x1082;
	[sflag:s4] =	ssyncset.s32 $0xFFFFF086  }
0x25: {  	[simem:s6], [sflag:s4] =	dma.local [hbm:s3], $0xF7A  }
0x26: {  	[smem:$0x3F92] =	sst s1;
	(tag) =	ssettag s2;
	_ =	strace s9  }
0x27: {  	s1 =	sld [smem:$0x3FA2]  }
0x28: {  	s2 =	sld [smem:$0x3FA3]  }
0x29: {  	s4 =	sld [smem:$0x3FA5]  }
0x2a: {  	p0 =	seq.s32 s5, $0x0;
	s5 =	sld [smem:$0x3FA6]  }
0x2b: {  	s6 =	sld [smem:$0x3FA7]  }
0x2c: {  	s7 =	sld [smem:$0x3FA8]  }
0x2d: {  	s3 =	simm.s32 $0x108;
	s8 =	sld [smem:$0x3FA9]  }
0x2e: {  	s3 =	simm.s32 @!p0 $0x1082;
	s9 =	sld [smem:$0x3FAA]  }
0x2f: {  	lr =	sadd.s32 s0, s3;
	s0 =	sld [smem:$0x3FA1]  }
0x30: {  	s3 =	sld [smem:$0x3FA4]  }
0x31: {  	[smem:$0x3FAD] =	sst s10  }
0x32: {  	s10 =	sld [smem:$0x3FAB];
	_ =	sdelay $0x3  }
0x33: {  	p0 =	seq.s32 s10, $0x1;
	s10 =	sld [smem:$0x3FAD];
	_ =	sdelay $0x3  }
0x34: {  	[smem:$0x3FAD] =	sst s10  }
0x35: {  	s10 =	sld [smem:$0x3FAC];
	_ =	sdelay $0x3  }
0x36: {  	p1 =	seq.s32 s10, $0x1;
	s10 =	sld [smem:$0x3FAD];
	_ =	sdelay $0x3  }
0x37: {  	[smem:$0x3FAD] =	sst s10  }
0x38: {  	s10 =	sld [smem:$0x3FAE]  }
0x39: {  	_ = 	snop;
	(pc) =	sbr.ind lr, $3  }
0x3a: {  	_ = 	snop  }
0x3b: {  	_ = 	snop  }
0x3c: {  	p2 =	seq.s32 s10, $0x1;
	s10 =	sld [smem:$0x3FAD]  }
0x3d: {  	_ =	shalt  }
0x3e: {  	_ =	shalt  }
0x3f: {  	_ =	shalt  }
0x40: {  	_ =	shalt  }
0x41: {  	_ =	shalt  }
0x42: {  	_ =	shalt  }
0x43: {  	_ =	shalt  }
0x44: {  	_ =	shalt  }
0x45: {  	_ =	shalt  }
0x46: {  	_ =	shalt  }
0x47: {  	_ =	shalt  }
0x48: {  	_ =	shalt  }
0x49: {  	_ =	shalt  }
0x4a: {  	_ =	shalt  }
0x4b: {  	_ =	shalt  }
0x4c: {  	_ =	shalt  }
0x4d: {  	_ =	shalt  }
0x4e: {  	_ =	shalt  }
0x4f: {  	_ =	shalt  }
0x50: {  	_ =	shalt  }
0x51: {  	_ =	shalt  }
0x52: {  	_ =	shalt  }
0x53: {  	_ =	shalt  }
0x54: {  	_ =	shalt  }
0x55: {  	_ =	shalt  }
0x56: {  	_ =	shalt  }
0x57: {  	_ =	shalt  }
0x58: {  	_ =	shalt  }
0x59: {  	_ =	shalt  }
0x5a: {  	_ =	shalt  }
0x5b: {  	_ =	shalt  }
0x5c: {  	_ =	shalt  }
0x5d: {  	_ =	shalt  }
0x5e: {  	_ =	shalt  }
0x5f: {  	_ =	shalt  }
0x60: {  	_ =	shalt  }
0x61: {  	_ =	shalt  }
0x62: {  	_ =	shalt  }
0x63: {  	_ =	shalt  }
0x64: {  	_ =	shalt  }
0x65: {  	_ =	shalt  }
0x66: {  	_ =	shalt  }
0x67: {  	_ =	shalt  }
0x68: {  	_ =	shalt  }
0x69: {  	_ =	shalt  }
0x6a: {  	_ =	shalt  }
0x6b: {  	_ =	shalt  }
0x6c: {  	_ =	shalt  }
0x6d: {  	_ =	shalt  }
0x6e: {  	_ =	shalt  }
0x6f: {  	_ =	shalt  }
0x70: {  	_ =	shalt  }
0x71: {  	_ =	shalt  }
0x72: {  	_ =	shalt  }
0x73: {  	_ =	shalt  }
0x74: {  	_ =	shalt  }
0x75: {  	_ =	shalt  }
0x76: {  	_ =	shalt  }
0x77: {  	_ =	shalt  }
0x78: {  	_ =	shalt  }
0x79: {  	_ =	shalt  }
0x7a: {  	_ =	shalt  }
0x7b: {  	_ =	shalt  }
0x7c: {  	_ =	shalt  }
0x7d: {  	_ =	shalt  }
0x7e: {  	_ =	shalt  }
0x7f: {  	_ =	shalt  }
0x80: {  	_ =	shalt  }
0x81: {  	_ =	shalt  }
0x82: {  	_ =	shalt  }
0x83: {  	_ =	shalt  }
0x84: {  	_ =	shalt  }
0x85: {  	_ =	shalt  }
0x86: {  	_ =	shalt  }
0x87: {  	_ =	shalt  }
.Lfunc_end0:
.L_simem_size_0:
called_computation_lowered:
.L_overlay_start_0:
0x88: {  	s2 =	sld [smem:$0x3FD9]  }
0x89: {  	s3 =	sld [smem:$0x3FFE];
	_ =	sdelay $0x1  }
0x8a: {  	s1 =	srdreg.scid  }
0x8b: {  	s0 =	sand.u32 $0x1, s1  }
0x8c: {  	s17 =	sshll.u32 s0, $0xA;
	s2 =	sadd.s32 s3, s2  }
0x8d: {  	s2 =	sadd.s32 s2, s17  }
0x8e: {  	[smem:$0x3FB9] =	sst s2  }
0x8f: {  	_ = 	snop  }
0x90: {  	s18 =	sld [smem:$0x3FD0];
	(tm) =	ssettm $0x1  }
0x91: {  	s19 =	sld [smem:$0x3FFB];
	_ =	sdelay $0x3  }
0x92: {  	_ =	strace s19  }
0x93: {  	s2 =	sld [smem:$0x3FFC];
	_ =	sdelay $0x3  }
0x94: {  	_ =	strace s2  }
0x95: {  	s2 =	sld [smem:$0x3FFD];
	_ =	sdelay $0x3  }
0x96: {  	_ =	strace s2  }
0x97: {  	_ =	strace $0x8FFFFFFF  }
0x98: {  	s20 =	sld [smem:$0x3FDB];
	_ =	sdelay $0x1  }
0x99: {  	s4 =	simm.s32 $_scs_section_size  }
0x9a: {  	s5 =	simm.s32 $_size__tile_overlayer_lowered;
	s6 =	simm.s32 $_tile_overlayer_lowered  }
0x9b: {  	s7 =	simm.s32 $0x1BFF;
	s21 =	sshll.u32 s6, $0x1;
	s4 =	sadd.s32 s4, s20  }
0x9c: {  	s22 =	simm.s32 $0x0;
	s5 =	sshll.u32 s5, $0x1;
	s6 =	sadd.s32 s21, s4  }
0x9d: {  	[timem:s22], [sflag:s7] =	dma.local [hbm:s6], s5  }
0x9e: {  	_ =	swait.ge [sflag:s7], s5  }
0x9f: {  	s5 =	ssub.s32 $0x0, s5;
	[sflag:s7] =	ssyncset.done $0x0  }
0xa0: {  	[sflag:s7] =	ssyncadd.s32 s5;
	_ =	sdelay $0x1  }
0xa1: {  	s23 =	simm.s32 $0x1B8B  }
0xa2: {  	_ =	swait.ge [sflag:s23], $0x1  }
0xa3: {  	[sflag:s23] =	ssyncset.done $0x0  }
0xa4: {  	[sflag:s23] =	ssyncadd.s32 $0xFFFFFFFF  }
0xa5: {  	s5 =	sld [smem:$0x0]  }
0xa6: {  	s6 =	sand.u32 $0xFFFFFFFE, s1  }
0xa7: {  	p0 =	sne.s32 s1, s6  }
0xa8: {  	s6 =	sshll.u32 @p0 s6, $0xE  }
0xa9: {  	s6 =	sadd.s32 @p0 $0x11B8D, s6;
	s7 =	sshll.u32 @p0 s5, $0x11  }
0xaa: {  	s6 =	sor.u32 @p0 s7, s6  }
0xab: {  	[sflag:s6] =	ssyncadd.remote.s32 @p0 $0x1;
	_ =	sdelay $0x1  }
0xac: {  	s6 =	simm.s32 @p0 $0x1B8D  }
0xad: {  	_ =	swait.eq @p0 [sflag:s6], $0x1  }
0xae: {  	[sflag:s6] =	ssyncadd.s32 @p0 $0xFFFFFFFF  }
0xaf: {  	s7 =	sshll.u32 @!p0 s1, $0xE  }
0xb0: {  	s7 =	sor.u32 @!p0 $0x4000, s7;
	s6 =	simm.s32 @!p0 $0x1B8D  }
0xb1: {  	s5 =	sshll.u32 @!p0 s5, $0x11;
	s7 =	sadd.s32 @!p0 $0x11B8D, s7;
	_ =	swait.eq @!p0 [sflag:s6], $0x1  }
0xb2: {  	s5 =	sor.u32 @!p0 s5, s7;
	[sflag:s6] =	ssyncadd.s32 @!p0 $0xFFFFFFFF  }
0xb3: {  	s25 =	simm.s32 $0x1B8E;
	s24 =	sld [smem:$0x3FFE];
	[sflag:s5] =	ssyncadd.remote.s32 @!p0 $0x1  }
0xb4: {  	s26 =	simm.s32 $execute0_lowered;
	[smem:$0x3FD2] =	sst s25  }
0xb5: {  	s6 =	sshll.u32 s26, $0x1;
	_ =	strace $0x80000049;
	[dreg:$0x1] =	wrdreg $0xFFFFFFFF  }
0xb6: {  	s28 =	simm.s32 $_size_execute0_lowered;
	s4 =	sadd.s32 s4, s6;
	[dreg:$0x0] =	wrdreg $0x0  }
0xb7: {  	s6 =	sshll.u32 s28, $0x1;
	[dreg:$0x2] =	wrdreg s4  }
0xb8: {  	[dreg:$0x3] =	wrdreg s6  }
0xb9: {  	[dreg:$0x4] =	wrdreg $0xC0  }
0xba: {  	_ =	task [dreg:s22], $0x5FFFF  }
0xbb: {  	[dreg:$0x1] =	wrdreg $0xFFFFFFFF  }
0xbc: {  	[dreg:$0x0] =	wrdreg $0x60  }
0xbd: {  	[dreg:$0x2] =	wrdreg s24  }
0xbe: {  	[dreg:$0x3] =	wrdreg s18  }
0xbf: {  	[dreg:$0x4] =	wrdreg $0x0  }
0xc0: {  	[dreg:$0x5] =	wrdreg $0xA  }
0xc1: {  	_ =	task.clear_ibuf [dreg:s22], $0x6FFFF;
	_ =	strace $0x90000049  }
0xc2: {  	s29 =	simm.s32 $0xA;
	_ =	strace $0x8000004B  }
0xc3: {  	_ =	swait.ge [sflag:s29], $0x1  }
0xc4: {  	[sflag:s29] =	ssyncadd.s32 $0xFFFFFFFF  }
0xc5: {  	_ =	strace $0x9000004B  }
0xc6: {  	_ =	sfence  }
0xc7: {  	s30 =	sld [smem:$0x0];
	_ =	sdelay $0x2  }
0xc8: {  	s31 =	sshll.u32 s1, $0xD;
	s1 =	sshrl.u32 s1, $0x2  }
0xc9: {  	s4 =	sand.u32 $0x4000, s31;
	s1 =	sadd.s32 s1, s30  }
0xca: {  	s0 =	sor.u32 s4, s0;
	s1 =	sshll.u32 s1, $0x11  }
0xcb: {  	s0 =	sor.u32 s1, s0  }
0xcc: {  	s0 =	sadd.s32 $0x8F2B, s0  }
0xcd: {  	[sflag:s0] =	ssyncadd.remote.s32 $0x1  }
0xce: {  	_ =	sfence.sel $0xFFFF  }
0xcf: {  	[dreg:$0x0] =	wrdreg $0xFFFFFFFF;
	(pc) =	sbr.abs _section_cstart, $3  }
0xd0: {  	[dreg:$0x1] =	wrdreg $0xFFFFFFFF  }
0xd1: {  	_ =	task.clear_ibuf [dreg:s22], $0x2FFFF;
	_ =	strace $0x9FFFFFFF  }
0xd2: {  	(tm) =	ssettm $0x7FFFFFFF  }
0xd3: {  	_ =	shalt  }
tec
execute0_lowered:
.L_overlay_start_1:
0x0: {  	(tag) =	ssettag $0x1  }
0x1: {  	s6 =	rddreg [dreg:$0x0]  }
0x2: {  	s7 =	rddreg [dreg:$0x1];
	s0 =	srdreg.scid  }
0x3: {  	s2 =	rddreg [dreg:$0x2];
	s1 =	stileid.u32  }
0x4: {  	s3 =	simm.s32 $0x0;
	s13 =	simm.s32 $0x40;
	s14 =	simm.s32 $0x19000  }
0x5: {  	s15 =	simm.s32 $0x19200;
	s16 =	simm.s32 $0x19100;
	s17 =	simm.s32 $0x1B200  }
0x6: {  	s18 =	simm.s32 $0x1;
	s19 =	simm.s32 $0x19080;
	s20 =	simm.s32 $0x2  }
0x7: {  	s21 =	simm.s32 $0x19180;
	s8 =	sand.u32 $0x1, s0;
	s0 =	rddreg [dreg:$0x3]  }
0x8: {  	s22 =	simm.s32 $0x0;
	s9 =	smul.u32 $0x14000, s1;
	[smem:$0x7FF] =	sst s3  }
0x9: {  	s4 =	sadd.s32 $0x11CE00, s6;
	s11 =	smul.u32 $0x50000, s1;
	s31 =	sshll.u32 s1, $0x6  }
0xa: {  	s5 =	smul.u32 $0x140000, s8;
	s10 =	sshll.u32 s8, $0x4;
	s8 =	ssub.s32 $0x2, s8  }
0xb: {  	_ =	strace $0x8000004A;
	s10 =	sor.u32 s1, s10;
	s29 =	sshrl.u32 s8, $0x1  }
0xc: {  	s30 =	sshrl.u32 s11, $0x2;
	s9 =	sadd.s32 s9, s5;
	s5 =	sadd.s32 $0xCA200, s6  }
0xd: {  	s10 =	smul.u32 $0xA00, s10;
	s12 =	ssub.s32 s8, s29;
	s9 =	sshrl.u32 s9, $0x3  }
0xe: {  	s11 =	sadd.s32 s30, s2;
	s9 =	sadd.s32 s9, s6;
	s6 =	sor.u32 $0x1C03, s31  }
0xf: {  	s7 =	sadd.s32 s7, s10;
	s10 =	sshrl.u32 s11, $0x3;
	s11 =	simm.s32 $0x3  }
0x10: {  	s8 =	sadd.s32 $0x144E00, s9;
	s9 =	smax.u32 s12, $0x1;
	s12 =	simm.s32 $0x14000  }
.LBB2_1:
0x11: {  	[spmem:s10], [sflag:s6] =	dma.local [hbm:s5], $0x2800  }
0x12: {  	_ =	swait.ge [sflag:s11], $0x2800  }
0x13: {  	[sflag:s11] =	ssyncset.done $0x0  }
0x14: {  	[sflag:s11] =	ssyncadd.s32 $0xFFFFD800  }
0x15: {  	[tilespmem:s12], [sflag:$0x3] =	stream.linear.gather [hbm4b:s7+s3], $0x4F00, $0x38;
	[tilespmem:$0x1D200] =	vst v63  }
0x16: {  	_ =	swait.ge [sflag:s11], $0x4F00  }
0x17: {  	[sflag:s11] =	ssyncset.done $0x0  }
0x18: {  	[sflag:s11] =	ssyncadd.s32 $0xFFFFB100  }
0x19: {  	s23 =	simm.s32 $0x0;
	[bflag:$0x0] =	sbarrier.arrive $0xFFFF  }
0x1a: {  	v0 =	vld [tilespmem:s23+$0x14000];
	_ =	sdelay $0x4  }
0x1b: {  	v1 =	vshrl.u32 v0, $0x10  }
0x1c: {  	v0 =	vand.u32 $0xFFFF, v0;
	[tilespmem:$0x19000] =	vst v1  }
0x1d: {  	[tilespmem:$0x19080] =	vst v0  }
0x1e: {  	v0 =	vld [tilespmem:s23+$0x14080];
	_ =	sdelay $0x4  }
0x1f: {  	v57 =	vshrl.u32 v0, $0x10  }
0x20: {  	v0 =	vand.u32 $0xFFFF, v0;
	[tilespmem:$0x19100] =	vst v57  }
0x21: {  	[tilespmem:$0x19180] =	vst v0  }
0x22: {  	v0 =	vld [tilespmem:s23+$0x14010];
	_ =	sdelay $0x4  }
0x23: {  	v58 =	vshrl.u32 v0, $0x10  }
0x24: {  	v0 =	vand.u32 $0xFFFF, v0;
	[tilespmem:$0x19010] =	vst v58  }
0x25: {  	[tilespmem:$0x19090] =	vst v0  }
0x26: {  	v0 =	vld [tilespmem:s23+$0x14090];
	_ =	sdelay $0x4  }
0x27: {  	v59 =	vshrl.u32 v0, $0x10  }
0x28: {  	v0 =	vand.u32 $0xFFFF, v0;
	[tilespmem:$0x19110] =	vst v59  }
0x29: {  	[tilespmem:$0x19190] =	vst v0  }
0x2a: {  	v0 =	vld [tilespmem:s23+$0x14020];
	_ =	sdelay $0x4  }
0x2b: {  	v60 =	vshrl.u32 v0, $0x10  }
0x2c: {  	v0 =	vand.u32 $0xFFFF, v0;
	[tilespmem:$0x19020] =	vst v60  }
0x2d: {  	[tilespmem:$0x190A0] =	vst v0  }
0x2e: {  	v0 =	vld [tilespmem:s23+$0x140A0];
	_ =	sdelay $0x4  }
0x2f: {  	v61 =	vshrl.u32 v0, $0x10  }
0x30: {  	v0 =	vand.u32 $0xFFFF, v0;
	[tilespmem:$0x19120] =	vst v61  }
0x31: {  	[tilespmem:$0x191A0] =	vst v0  }
0x32: {  	v0 =	vld [tilespmem:s23+$0x14030];
	_ =	sdelay $0x4  }
0x33: {  	v62 =	vshrl.u32 v0, $0x10  }
0x34: {  	v0 =	vand.u32 $0xFFFF, v0;
	[tilespmem:$0x19030] =	vst v62  }
0x35: {  	[tilespmem:$0x190B0] =	vst v0  }
0x36: {  	v0 =	vld [tilespmem:s23+$0x140B0];
	_ =	sdelay $0x4  }
0x37: {  	v63 =	vshrl.u32 v0, $0x10  }
0x38: {  	v0 =	vand.u32 $0xFFFF, v0;
	[tilespmem:$0x19130] =	vst v63  }
0x39: {  	[tilespmem:$0x191B0] =	vst v0  }
0x3a: {  	[tilespmem:s15], [sflag:$0x1] =	stream.indirect.gather [hbm4b:s4+s13], $0x80, s14, s13, $0xb8;
	[tilespmem:$0x1D200] =	vst v63  }
0x3b: {  	_ = 	snop  }
0x3c: {  	[tilespmem:s17], [sflag:$0x2] =	stream.indirect.gather [hbm4b:s4+s13], $0x80, s16, s13, $0xb8;
	[tilespmem:$0x1D200] =	vst v63  }
0x3d: {  	_ =	swait.ge [sflag:s18], $0x2000  }
0x3e: {  	[sflag:s18] =	ssyncset.done $0x0  }
0x3f: {  	[sflag:s18] =	ssyncadd.s32 $0xFFFFE000  }
0x40: {  	[spmem:s2] =	stream.indirect.scatter.add.f32 [tilespmem:s15], [sflag:$0x3], $0x80, s19, s13, $0xb8;
	[tilespmem:$0x1D200] =	vst v63  }
0x41: {  	s23 =	simm.s32 $0x400;
	_ =	swait.ge [sflag:s11], $0x2000  }
.LBB2_2:
0x42: {  	p0 =	sne.s32 s23, $0x13800  }
0x43: {  	[sflag:s11] =	ssyncset.done $0x0;
	s24 =	smov.u32 s23;
	s23 =	sadd.s32 $0x400, s23  }
0x44: {  	[sflag:s11] =	ssyncadd.s32 $0xFFFFE000  }
0x45: {  	_ =	swait.ge [sflag:s20], $0x2000  }
0x46: {  	[sflag:s20] =	ssyncset.done $0x0  }
0x47: {  	[sflag:s20] =	ssyncadd.s32 $0xFFFFE000  }
0x48: {  	[spmem:s2] =	stream.indirect.scatter.add.f32 [tilespmem:s17], [sflag:$0x3], $0x80, s21, s13, $0xb8;
	[tilespmem:$0x1D200] =	vst v63  }
0x49: {  	_ =	swait.ge [sflag:s11], $0x2000  }
0x4a: {  	[sflag:s11] =	ssyncset.done $0x0  }
0x4b: {  	s24 =	sshra.s32 s24, $0x2;
	[sflag:s11] =	ssyncadd.s32 $0xFFFFE000  }
0x4c: {  	v0 =	vld [tilespmem:s24+$0x14000];
	_ =	sdelay $0x4  }
0x4d: {  	v1 =	vshrl.u32 v0, $0x10;
	v0 =	vand.u32 $0xFFFF, v0  }
0x4e: {  	[tilespmem:$0x19000] =	vst v1  }
0x4f: {  	[tilespmem:$0x19080] =	vst v0  }
0x50: {  	v0 =	vld [tilespmem:s24+$0x14080];
	_ =	sdelay $0x4  }
0x51: {  	v1 =	vshrl.u32 v0, $0x10;
	v0 =	vand.u32 $0xFFFF, v0  }
0x52: {  	[tilespmem:$0x19100] =	vst v1  }
0x53: {  	[tilespmem:$0x19180] =	vst v0  }
0x54: {  	v0 =	vld [tilespmem:s24+$0x14010];
	_ =	sdelay $0x4  }
0x55: {  	v1 =	vshrl.u32 v0, $0x10;
	v0 =	vand.u32 $0xFFFF, v0  }
0x56: {  	[tilespmem:$0x19010] =	vst v1  }
0x57: {  	[tilespmem:$0x19090] =	vst v0  }
0x58: {  	v0 =	vld [tilespmem:s24+$0x14090];
	_ =	sdelay $0x4  }
0x59: {  	v1 =	vshrl.u32 v0, $0x10;
	v0 =	vand.u32 $0xFFFF, v0  }
0x5a: {  	[tilespmem:$0x19110] =	vst v1  }
0x5b: {  	[tilespmem:$0x19190] =	vst v0  }
0x5c: {  	v0 =	vld [tilespmem:s24+$0x14020];
	_ =	sdelay $0x4  }
0x5d: {  	v1 =	vshrl.u32 v0, $0x10;
	v0 =	vand.u32 $0xFFFF, v0  }
0x5e: {  	[tilespmem:$0x19020] =	vst v1  }
0x5f: {  	[tilespmem:$0x190A0] =	vst v0  }
0x60: {  	v0 =	vld [tilespmem:s24+$0x140A0];
	_ =	sdelay $0x4  }
0x61: {  	v1 =	vshrl.u32 v0, $0x10;
	v0 =	vand.u32 $0xFFFF, v0  }
0x62: {  	[tilespmem:$0x19120] =	vst v1  }
0x63: {  	[tilespmem:$0x191A0] =	vst v0  }
0x64: {  	v0 =	vld [tilespmem:s24+$0x14030];
	_ =	sdelay $0x4  }
0x65: {  	v1 =	vshrl.u32 v0, $0x10;
	v0 =	vand.u32 $0xFFFF, v0  }
0x66: {  	[tilespmem:$0x19030] =	vst v1  }
0x67: {  	[tilespmem:$0x190B0] =	vst v0  }
0x68: {  	v0 =	vld [tilespmem:s24+$0x140B0];
	_ =	sdelay $0x4  }
0x69: {  	v1 =	vshrl.u32 v0, $0x10;
	v0 =	vand.u32 $0xFFFF, v0  }
0x6a: {  	[tilespmem:$0x19130] =	vst v1  }
0x6b: {  	[tilespmem:$0x191B0] =	vst v0  }
0x6c: {  	[tilespmem:s15], [sflag:$0x1] =	stream.indirect.gather [hbm4b:s4+s13], $0x80, s14, s13, $0xb8;
	[tilespmem:$0x1D200] =	vst v63  }
0x6d: {  	_ = 	snop  }
0x6e: {  	[tilespmem:s17], [sflag:$0x2] =	stream.indirect.gather [hbm4b:s4+s13], $0x80, s16, s13, $0xb8;
	[tilespmem:$0x1D200] =	vst v63  }
.Ltmp0:
0x6f: {  	_ =	swait.ge [sflag:s18], $0x2000;
	(pc) =	sbr.rel @p0 .LBB2_2-.Ltmp0, $4  }
0x70: {  	[sflag:s18] =	ssyncset.done $0x0  }
0x71: {  	[sflag:s18] =	ssyncadd.s32 $0xFFFFE000  }
0x72: {  	[spmem:s2] =	stream.indirect.scatter.add.f32 [tilespmem:s15], [sflag:$0x3], $0x80, s19, s13, $0xb8;
	[tilespmem:$0x1D200] =	vst v63  }
0x73: {  	_ =	swait.ge [sflag:s11], $0x2000  }
0x74: {  	[sflag:s11] =	ssyncset.done $0x0  }
0x75: {  	[sflag:s11] =	ssyncadd.s32 $0xFFFFE000  }
0x76: {  	_ =	swait.ge [sflag:s20], $0x2000  }
0x77: {  	[sflag:s20] =	ssyncset.done $0x0  }
0x78: {  	[sflag:s20] =	ssyncadd.s32 $0xFFFFE000  }
0x79: {  	[spmem:s2] =	stream.indirect.scatter.add.f32 [tilespmem:s17], [sflag:$0x3], $0x80, s21, s13, $0xb8;
	[tilespmem:$0x1D200] =	vst v63  }
0x7a: {  	_ =	swait.ge [sflag:s11], $0x2000  }
0x7b: {  	s22 =	sadd.s32 $0x1, s22;
	[sflag:s11] =	ssyncset.done $0x0  }
0x7c: {  	p0 =	sne.s32 s22, s9;
	[sflag:s11] =	ssyncadd.s32 $0xFFFFE000  }
.Ltmp1:
0x7d: {  	[bflag:$0x0] =	sbarrier.arrive $0xFFFF;
	(pc) =	sbr.rel @p0 .LBB2_1-.Ltmp1, $4  }
0x7e: {  	[hbm:s8], [sflag:s6] =	dma.local [spmem:s10], $0x2800  }
0x7f: {  	_ =	swait.ge [sflag:s11], $0x2800  }
0x80: {  	[sflag:s11] =	ssyncset.done $0x0  }
0x81: {  	[sflag:s11] =	ssyncadd.s32 $0xFFFFD800  }
0x82: {  	_ =	sfence.sel $0x180000  }
0x83: {  	[bflag:$0x0] =	sbarrier.arrive $0xFFFF  }
0x84: {  	p0 =	sne.s32 s1, $0x0;
	_ =	strace $0x9000004A  }
0x85: {  	s0 =	sadd.s32 @!p0 $0x100000, s0;
	[bflag:$0x2] =	sbarrier.arrive $0xFFFF  }
0x86: {  	[sflag:s0] =	ssyncadd.tile.s32 @!p0 $0x1;
	_ =	shalt  }
.Lfunc_end2:
_tile_overlayer_lowered:
.L_overlay_start_2:
0x87: {  	(tag) =	ssettag $0x2  }
0x88: {  	s0 =	rddreg [dreg:$0x0];
	s2 =	stileid.u32  }
0x89: {  	s1 =	rddreg [dreg:$0x1];
	p0 =	sne.s32 s2, $0x0  }
0x8a: {  	s3 =	rddreg [dreg:$0x2];
	[bflag:$0x3] =	sbarrier.arrive $0xFFFF;
	s2 =	simm.s32 @!p0 $0x1C03  }
0x8b: {  	[timem:s3], [sflag:s2] =	dma.local @!p0 [hbm:s0], s1  }
0x8c: {  	s0 =	simm.s32 @!p0 $0x3  }
0x8d: {  	_ =	swait.ge @!p0 [sflag:s0], s1  }
0x8e: {  	s1 =	ssub.s32 @!p0 $0x0, s1;
	[sflag:s0] =	ssyncset.done @!p0 $0x0  }
0x8f: {  	[sflag:s0] =	ssyncadd.s32 @!p0 s1  }
0x90: {  	[bflag:$0x3] =	sbarrier.arrive $0xFFFF  }
0x91: {  	_ =	shalt  }

</sc_bundles>
